<compile_context>
chip_gen: v7x
topology: tpu7x:2x2x1
jax: 0.10.2.dev20260603
libtpu: 0.0.44.dev20260713+nightly
codegen_flags: <defaults>
</compile_context>

<pallas_src>
import functools
import jax
import jax.numpy as jnp
from jax import lax
from jax.experimental import pallas as pl
from jax.experimental.pallas import tpu as pltpu
from jax.experimental.pallas import tpu_sc as plsc

_NUM_BINS = 100000
_SALT_ADD = (42 * 0x9E3779B9) & 0xFFFFFFFF

_NC = 2
_NS = 16
_NW = _NC * _NS
_LANES = 16


def _hash_vec(z):
    z = z + jnp.uint32(_SALT_ADD)
    z = (z ^ (z >> 16)) * jnp.uint32(0x85EBCA6B)
    z = (z ^ (z >> 13)) * jnp.uint32(0xC2B2AE35)
    z = z ^ (z >> 16)
    q = z // jnp.uint32(_NUM_BINS)
    return z - q * jnp.uint32(_NUM_BINS)


def _make_sc_kernel(m, n, chunk):
    per_w = n // _NW
    n_chunks = per_w // chunk
    vec_per_row = chunk // _LANES
    mesh = plsc.VectorSubcoreMesh(core_axis_name="c", subcore_axis_name="s")

    @functools.partial(
        pl.kernel,
        mesh=mesh,
        out_type=jax.ShapeDtypeStruct((m, n), jnp.int32),
        compiler_params=pltpu.CompilerParams(use_tc_tiling_on_sc=True),
        scratch_types=[
            pltpu.VMEM((2, m, chunk), jnp.int32),
            pltpu.VMEM((2, m, chunk), jnp.int32),
            pltpu.SemaphoreType.DMA,
            pltpu.SemaphoreType.DMA,
            pltpu.SemaphoreType.DMA,
            pltpu.SemaphoreType.DMA,
        ],
    )
    def sc_hash(x_hbm, out_hbm, inbuf, outbuf, insem0, insem1, outsem0, outsem1):
        wid = lax.axis_index("s") * _NC + lax.axis_index("c")
        base = wid * per_w
        insems = (insem0, insem1)
        outsems = (outsem0, outsem1)

        def in_copy(g):
            slot = g % 2
            return pltpu.make_async_copy(
                x_hbm.at[:, pl.ds(base + g * chunk, chunk)], inbuf.at[slot],
                insems[slot])

        def out_copy(g):
            slot = g % 2
            return pltpu.make_async_copy(
                outbuf.at[slot], out_hbm.at[:, pl.ds(base + g * chunk, chunk)],
                outsems[slot])

        in_copy(0).start()
        for g in range(n_chunks):
            slot = g % 2
            in_copy(g).wait()
            if g + 1 < n_chunks:
                in_copy(g + 1).start()
            if g >= 2:
                out_copy(g - 2).wait()

            def row_body(r, c, slot=slot):
                for k in range(vec_per_row):
                    v = inbuf[slot, r, pl.ds(k * _LANES, _LANES)]
                    h = _hash_vec(v.astype(jnp.uint32))
                    outbuf[slot, r, pl.ds(k * _LANES, _LANES)] = h.astype(jnp.int32)
                return c

            lax.fori_loop(0, m, row_body, 0)
            out_copy(g).start()
        out_copy(n_chunks - 2).wait()
        out_copy(n_chunks - 1).wait()

    return sc_hash


def kernel(inputs):
    n, m = inputs.shape
    xt = jnp.swapaxes(inputs, 0, 1)
    out_t = _make_sc_kernel(m, n, 128)(xt)
    return jnp.swapaxes(out_t, 0, 1)

# --- scband reference (transcript-rebuilt; emitter-appended) ---
"""Pipeline reference for scband-hashing-28037546508612 (READ-ONLY COPY).

The authoritative reference and input builder live on the scoring server;
editing this copy changes nothing except your own understanding.
"""

import jax, jax.numpy as jnp
import numpy as np

NUM_BINS = 100000
SALT = 42


def _hash_to_bins(x):
    # Keras Hashing(salt=42) uses SipHash64 on the string repr of each element.
    # We reproduce the semantics (deterministic salted hash of integer ids -> bin in [0, num_bins))
    # with a splitmix/murmur-style 32-bit integer finalizer mix, which is the standard
    # jax-friendly stand-in for a salted stateless hash.
    z = x.astype(jnp.uint32)
    z = z + jnp.uint32(SALT) * jnp.uint32(0x9E3779B9)
    z = (z ^ (z >> 16)) * jnp.uint32(0x85EBCA6B)
    z = (z ^ (z >> 13)) * jnp.uint32(0xC2B2AE35)
    z = z ^ (z >> 16)
    return (z % jnp.uint32(NUM_BINS)).astype(jnp.int32)


def setup_inputs(seed: int = 0) -> dict:
    key = jax.random.key(seed)
    inputs = jax.random.randint(key, (16384, 200), 0, 1000000, dtype=jnp.int32)
    return {"inputs": inputs}


def reference(inputs):
    return _hash_to_bins(inputs)

if __name__ == "__main__":
    import jax
    _d = setup_inputs()
    print(jax.jit(kernel)(*tuple(_d.values())))

</pallas_src>

<mosaic_0001>
#map = affine_map<(d0, d1) -> (0, 0)>
module attributes {stable_mosaic.version = 14 : i64} {
  func.func @sc_hash(%arg0: i32, %arg1: i32, %arg2: memref<200x16384xi32, #tpu.memory_space<hbm>>, %arg3: memref<200x16384xi32, #tpu.memory_space<hbm>>, %arg4: memref<2x200x128xi32, #tpu.memory_space<vmem>>, %arg5: memref<2x200x128xi32, #tpu.memory_space<vmem>>, %arg6: memref<!tpu.dma_semaphore, #tpu.memory_space<semaphore_mem>>, %arg7: memref<!tpu.dma_semaphore, #tpu.memory_space<semaphore_mem>>, %arg8: memref<!tpu.dma_semaphore, #tpu.memory_space<semaphore_mem>>, %arg9: memref<!tpu.dma_semaphore, #tpu.memory_space<semaphore_mem>>) attributes {dimension_semantics = [#tpu.dimension_semantics<core_parallel>, #tpu.dimension_semantics<subcore_parallel>], iteration_bounds = array<i64: 2, 16>, scalar_prefetch = 0 : i64, scratch_operands = 6 : i64, tpu.core_type = #tpu.core_type<sc_vector_subcore>, window_params = [{transform_indices = #map}, {transform_indices = #map}]} {
    %mul3A = arith.constant 2 : i32
    %mul3A_0 = arith.muli %arg1, %mul3A : i32
    %add3A = arith.addi %mul3A_0, %arg0 : i32
    %mul3A_1 = arith.constant 512 : i32
    %mul3A_2 = arith.muli %add3A, %mul3A_1 : i32
    %add3A_3 = arith.constant 0 : i32
    %add3A_4 = arith.addi %mul3A_2, %add3A_3 : i32
    %dma_start3A = arith.constant 0 : i32
    %dma_start3A_5 = arith.constant 0 : i32
    %dma_start3A_6 = arith.constant 0 : i32
    %dma_start3A_7 = tpu.memref_slice %arg4[%dma_start3A, %dma_start3A_5, %dma_start3A_6] : memref<2x200x128xi32, #tpu.memory_space<vmem>> -> memref<1x200x128xi32, #tpu.memory_space<vmem>>
    %dma_start3A_8 = tpu.memref_squeeze %dma_start3A_7 : memref<1x200x128xi32, #tpu.memory_space<vmem>> -> memref<200x128xi32, #tpu.memory_space<vmem>>
    %dma_start3A_9 = arith.constant 0 : i32
    %dma_start3A_10 = tpu.memref_slice %arg2[%dma_start3A_9, %add3A_4] : memref<200x16384xi32, #tpu.memory_space<hbm>> -> memref<200x128xi32, #tpu.memory_space<hbm>>
    %dma_start3A_11 = arith.constant 0 : i32
    %dma_start3A_12 = arith.constant 0 : i32
    %dma_start3A_13 = tpu.memref_slice %arg4[%dma_start3A, %dma_start3A_11, %dma_start3A_12] : memref<2x200x128xi32, #tpu.memory_space<vmem>> -> memref<1x200x128xi32, #tpu.memory_space<vmem>>
    %dma_start3A_14 = tpu.memref_squeeze %dma_start3A_13 : memref<1x200x128xi32, #tpu.memory_space<vmem>> -> memref<200x128xi32, #tpu.memory_space<vmem>>
    %dma_start3A_15 = arith.constant 0 : i32
    %dma_start3A_16 = tpu.memref_slice %arg2[%dma_start3A_15, %add3A_4] : memref<200x16384xi32, #tpu.memory_space<hbm>> -> memref<200x128xi32, #tpu.memory_space<hbm>>
    tpu.enqueue_dma source(%dma_start3A_16 : memref<200x128xi32, #tpu.memory_space<hbm>>) target(%dma_start3A_14 : memref<200x128xi32, #tpu.memory_space<vmem>>) target_semaphore(%arg6 : memref<!tpu.dma_semaphore, #tpu.memory_space<semaphore_mem>>)
    %add3A_17 = arith.constant 0 : i32
    %add3A_18 = arith.addi %mul3A_2, %add3A_17 : i32
    %dma_wait3A = arith.constant 0 : i32
    %dma_wait3A_19 = arith.constant 0 : i32
    %dma_wait3A_20 = arith.constant 0 : i32
    %dma_wait3A_21 = tpu.memref_slice %arg4[%dma_wait3A, %dma_wait3A_19, %dma_wait3A_20] : memref<2x200x128xi32, #tpu.memory_space<vmem>> -> memref<1x200x128xi32, #tpu.memory_space<vmem>>
    %dma_wait3A_22 = tpu.memref_squeeze %dma_wait3A_21 : memref<1x200x128xi32, #tpu.memory_space<vmem>> -> memref<200x128xi32, #tpu.memory_space<vmem>>
    %dma_wait3A_23 = arith.constant 0 : i32
    %dma_wait3A_24 = tpu.memref_slice %arg2[%dma_wait3A_23, %add3A_18] : memref<200x16384xi32, #tpu.memory_space<hbm>> -> memref<200x128xi32, #tpu.memory_space<hbm>>
    %dma_wait3A_25 = arith.constant 0 : i32
    %dma_wait3A_26 = arith.constant 0 : i32
    %dma_wait3A_27 = tpu.memref_slice %arg4[%dma_wait3A, %dma_wait3A_25, %dma_wait3A_26] : memref<2x200x128xi32, #tpu.memory_space<vmem>> -> memref<1x200x128xi32, #tpu.memory_space<vmem>>
    %dma_wait3A_28 = tpu.memref_squeeze %dma_wait3A_27 : memref<1x200x128xi32, #tpu.memory_space<vmem>> -> memref<200x128xi32, #tpu.memory_space<vmem>>
    %dma_wait3A_29 = arith.constant 0 : i32
    %dma_wait3A_30 = tpu.memref_slice %arg2[%dma_wait3A_29, %add3A_18] : memref<200x16384xi32, #tpu.memory_space<hbm>> -> memref<200x128xi32, #tpu.memory_space<hbm>>
    tpu.wait_dma2 semaphore(%arg6 : memref<!tpu.dma_semaphore, #tpu.memory_space<semaphore_mem>>) src(%dma_wait3A_30 : memref<200x128xi32, #tpu.memory_space<hbm>>) dst(%dma_wait3A_28 : memref<200x128xi32, #tpu.memory_space<vmem>>)
    %add3A_31 = arith.constant 128 : i32
    %add3A_32 = arith.addi %mul3A_2, %add3A_31 : i32
    %dma_start3A_33 = arith.constant 1 : i32
    %dma_start3A_34 = arith.constant 0 : i32
    %dma_start3A_35 = arith.constant 0 : i32
    %dma_start3A_36 = tpu.memref_slice %arg4[%dma_start3A_33, %dma_start3A_34, %dma_start3A_35] : memref<2x200x128xi32, #tpu.memory_space<vmem>> -> memref<1x200x128xi32, #tpu.memory_space<vmem>>
    %dma_start3A_37 = tpu.memref_squeeze %dma_start3A_36 : memref<1x200x128xi32, #tpu.memory_space<vmem>> -> memref<200x128xi32, #tpu.memory_space<vmem>>
    %dma_start3A_38 = arith.constant 0 : i32
    %dma_start3A_39 = tpu.memref_slice %arg2[%dma_start3A_38, %add3A_32] : memref<200x16384xi32, #tpu.memory_space<hbm>> -> memref<200x128xi32, #tpu.memory_space<hbm>>
    %dma_start3A_40 = arith.constant 0 : i32
    %dma_start3A_41 = arith.constant 0 : i32
    %dma_start3A_42 = tpu.memref_slice %arg4[%dma_start3A_33, %dma_start3A_40, %dma_start3A_41] : memref<2x200x128xi32, #tpu.memory_space<vmem>> -> memref<1x200x128xi32, #tpu.memory_space<vmem>>
    %dma_start3A_43 = tpu.memref_squeeze %dma_start3A_42 : memref<1x200x128xi32, #tpu.memory_space<vmem>> -> memref<200x128xi32, #tpu.memory_space<vmem>>
    %dma_start3A_44 = arith.constant 0 : i32
    %dma_start3A_45 = tpu.memref_slice %arg2[%dma_start3A_44, %add3A_32] : memref<200x16384xi32, #tpu.memory_space<hbm>> -> memref<200x128xi32, #tpu.memory_space<hbm>>
    tpu.enqueue_dma source(%dma_start3A_45 : memref<200x128xi32, #tpu.memory_space<hbm>>) target(%dma_start3A_43 : memref<200x128xi32, #tpu.memory_space<vmem>>) target_semaphore(%arg7 : memref<!tpu.dma_semaphore, #tpu.memory_space<semaphore_mem>>)
    %scan3A = arith.constant 0 : i32
    %scan3A_46 = arith.constant 0 : i32
    %scan3A_47 = arith.constant 200 : i32
    %scan3A_48 = arith.addi %scan3A_46, %scan3A_47 : i32
    %scan3A_49 = arith.constant 1 : i32
    scf.for %scan3A_264 = %scan3A_46 to %scan3A_48 step %scan3A_49  : i32 {
      %get3A = arith.constant 0 : i32
      %get3A_265 = arith.index_cast %get3A : i32 to index
      %get3A_266 = arith.index_cast %scan3A_264 : i32 to index
      %get3A_267 = arith.constant 0 : index
      %get3A_268 = tpu.vector_load %arg4[%get3A_265, %get3A_266, %get3A_267] {strides = array<i32>} : memref<2x200x128xi32, #tpu.memory_space<vmem>>, vector<1x1x16xi32>,
      %get3A_269 = vector.shape_cast %get3A_268 : vector<1x1x16xi32> to vector<16xi32>
      %add3A_270 = arith.constant -182847398 : i32
      %add3A_271 = vector.broadcast %add3A_270 : i32 to vector<16xi32>
      %add3A_272 = arith.addi %get3A_269, %add3A_271 : vector<16xi32>
      %shift_right_logical3A = arith.constant 16 : i32
      %shift_right_logical3A_273 = vector.broadcast %shift_right_logical3A : i32 to vector<16xi32>
      %shift_right_logical3A_274 = arith.shrui %add3A_272, %shift_right_logical3A_273 : vector<16xi32>
      %xor3A = arith.xori %add3A_272, %shift_right_logical3A_274 : vector<16xi32>
      %mul3A_275 = arith.constant -2048144789 : i32
      %mul3A_276 = vector.broadcast %mul3A_275 : i32 to vector<16xi32>
      %mul3A_277 = arith.muli %xor3A, %mul3A_276 : vector<16xi32>
      %shift_right_logical3A_278 = arith.constant 13 : i32
      %shift_right_logical3A_279 = vector.broadcast %shift_right_logical3A_278 : i32 to vector<16xi32>
      %shift_right_logical3A_280 = arith.shrui %mul3A_277, %shift_right_logical3A_279 : vector<16xi32>
      %xor3A_281 = arith.xori %mul3A_277, %shift_right_logical3A_280 : vector<16xi32>
      %mul3A_282 = arith.constant -1028477387 : i32
      %mul3A_283 = vector.broadcast %mul3A_282 : i32 to vector<16xi32>
      %mul3A_284 = arith.muli %xor3A_281, %mul3A_283 : vector<16xi32>
      %shift_right_logical3A_285 = arith.constant 16 : i32
      %shift_right_logical3A_286 = vector.broadcast %shift_right_logical3A_285 : i32 to vector<16xi32>
      %shift_right_logical3A_287 = arith.shrui %mul3A_284, %shift_right_logical3A_286 : vector<16xi32>
      %xor3A_288 = arith.xori %mul3A_284, %shift_right_logical3A_287 : vector<16xi32>
      %jit3A = arith.constant 100000 : i32
      %div3A = vector.broadcast %jit3A : i32 to vector<16xi32>
      %div3A_289 = arith.divui %xor3A_288, %div3A : vector<16xi32>
      %mul3A_290 = arith.constant 100000 : i32
      %mul3A_291 = vector.broadcast %mul3A_290 : i32 to vector<16xi32>
      %mul3A_292 = arith.muli %div3A_289, %mul3A_291 : vector<16xi32>
      %sub3A = arith.subi %xor3A_288, %mul3A_292 : vector<16xi32>
      %swap3A = arith.constant 0 : i32
      %swap3A_293 = arith.index_cast %swap3A : i32 to index
      %swap3A_294 = arith.index_cast %scan3A_264 : i32 to index
      %swap3A_295 = arith.constant 0 : index
      %swap3A_296 = tpu.vector_load %arg5[%swap3A_293, %swap3A_294, %swap3A_295] {strides = array<i32>} : memref<2x200x128xi32, #tpu.memory_space<vmem>>, vector<1x1x16xi32>,
      %swap3A_297 = vector.shape_cast %swap3A_296 : vector<1x1x16xi32> to vector<16xi32>
      %swap3A_298 = vector.shape_cast %sub3A : vector<16xi32> to vector<1x1x16xi32>
      tpu.vector_store %arg5[%swap3A_293, %swap3A_294, %swap3A_295], %swap3A_298 {strides = array<i32>} : memref<2x200x128xi32, #tpu.memory_space<vmem>>, vector<1x1x16xi32>,
      %get3A_299 = arith.constant 0 : i32
      %get3A_300 = arith.index_cast %get3A_299 : i32 to index
      %get3A_301 = arith.index_cast %scan3A_264 : i32 to index
      %get3A_302 = arith.constant 16 : index
      %get3A_303 = tpu.vector_load %arg4[%get3A_300, %get3A_301, %get3A_302] {strides = array<i32>} : memref<2x200x128xi32, #tpu.memory_space<vmem>>, vector<1x1x16xi32>,
      %get3A_304 = vector.shape_cast %get3A_303 : vector<1x1x16xi32> to vector<16xi32>
      %add3A_305 = arith.constant -182847398 : i32
      %add3A_306 = vector.broadcast %add3A_305 : i32 to vector<16xi32>
      %add3A_307 = arith.addi %get3A_304, %add3A_306 : vector<16xi32>
      %shift_right_logical3A_308 = arith.constant 16 : i32
      %shift_right_logical3A_309 = vector.broadcast %shift_right_logical3A_308 : i32 to vector<16xi32>
      %shift_right_logical3A_310 = arith.shrui %add3A_307, %shift_right_logical3A_309 : vector<16xi32>
      %xor3A_311 = arith.xori %add3A_307, %shift_right_logical3A_310 : vector<16xi32>
      %mul3A_312 = arith.constant -2048144789 : i32
      %mul3A_313 = vector.broadcast %mul3A_312 : i32 to vector<16xi32>
      %mul3A_314 = arith.muli %xor3A_311, %mul3A_313 : vector<16xi32>
      %shift_right_logical3A_315 = arith.constant 13 : i32
      %shift_right_logical3A_316 = vector.broadcast %shift_right_logical3A_315 : i32 to vector<16xi32>
      %shift_right_logical3A_317 = arith.shrui %mul3A_314, %shift_right_logical3A_316 : vector<16xi32>
      %xor3A_318 = arith.xori %mul3A_314, %shift_right_logical3A_317 : vector<16xi32>
      %mul3A_319 = arith.constant -1028477387 : i32
      %mul3A_320 = vector.broadcast %mul3A_319 : i32 to vector<16xi32>
      %mul3A_321 = arith.muli %xor3A_318, %mul3A_320 : vector<16xi32>
      %shift_right_logical3A_322 = arith.constant 16 : i32
      %shift_right_logical3A_323 = vector.broadcast %shift_right_logical3A_322 : i32 to vector<16xi32>
      %shift_right_logical3A_324 = arith.shrui %mul3A_321, %shift_right_logical3A_323 : vector<16xi32>
      %xor3A_325 = arith.xori %mul3A_321, %shift_right_logical3A_324 : vector<16xi32>
      %jit3A_326 = arith.constant 100000 : i32
      %div3A_327 = vector.broadcast %jit3A_326 : i32 to vector<16xi32>
      %div3A_328 = arith.divui %xor3A_325, %div3A_327 : vector<16xi32>
      %mul3A_329 = arith.constant 100000 : i32
      %mul3A_330 = vector.broadcast %mul3A_329 : i32 to vector<16xi32>
      %mul3A_331 = arith.muli %div3A_328, %mul3A_330 : vector<16xi32>
      %sub3A_332 = arith.subi %xor3A_325, %mul3A_331 : vector<16xi32>
      %swap3A_333 = arith.constant 0 : i32
      %swap3A_334 = arith.index_cast %swap3A_333 : i32 to index
      %swap3A_335 = arith.index_cast %scan3A_264 : i32 to index
      %swap3A_336 = arith.constant 16 : index
      %swap3A_337 = tpu.vector_load %arg5[%swap3A_334, %swap3A_335, %swap3A_336] {strides = array<i32>} : memref<2x200x128xi32, #tpu.memory_space<vmem>>, vector<1x1x16xi32>,
      %swap3A_338 = vector.shape_cast %swap3A_337 : vector<1x1x16xi32> to vector<16xi32>
      %swap3A_339 = vector.shape_cast %sub3A_332 : vector<16xi32> to vector<1x1x16xi32>
      tpu.vector_store %arg5[%swap3A_334, %swap3A_335, %swap3A_336], %swap3A_339 {strides = array<i32>} : memref<2x200x128xi32, #tpu.memory_space<vmem>>, vector<1x1x16xi32>,
      %get3A_340 = arith.constant 0 : i32
      %get3A_341 = arith.index_cast %get3A_340 : i32 to index
      %get3A_342 = arith.index_cast %scan3A_264 : i32 to index
      %get3A_343 = arith.constant 32 : index
      %get3A_344 = tpu.vector_load %arg4[%get3A_341, %get3A_342, %get3A_343] {strides = array<i32>} : memref<2x200x128xi32, #tpu.memory_space<vmem>>, vector<1x1x16xi32>,
      %get3A_345 = vector.shape_cast %get3A_344 : vector<1x1x16xi32> to vector<16xi32>
      %add3A_346 = arith.constant -182847398 : i32
      %add3A_347 = vector.broadcast %add3A_346 : i32 to vector<16xi32>
      %add3A_348 = arith.addi %get3A_345, %add3A_347 : vector<16xi32>
      %shift_right_logical3A_349 = arith.constant 16 : i32
      %shift_right_logical3A_350 = vector.broadcast %shift_right_logical3A_349 : i32 to vector<16xi32>
      %shift_right_logical3A_351 = arith.shrui %add3A_348, %shift_right_logical3A_350 : vector<16xi32>
      %xor3A_352 = arith.xori %add3A_348, %shift_right_logical3A_351 : vector<16xi32>
      %mul3A_353 = arith.constant -2048144789 : i32
      %mul3A_354 = vector.broadcast %mul3A_353 : i32 to vector<16xi32>
      %mul3A_355 = arith.muli %xor3A_352, %mul3A_354 : vector<16xi32>
      %shift_right_logical3A_356 = arith.constant 13 : i32
      %shift_right_logical3A_357 = vector.broadcast %shift_right_logical3A_356 : i32 to vector<16xi32>
      %shift_right_logical3A_358 = arith.shrui %mul3A_355, %shift_right_logical3A_357 : vector<16xi32>
      %xor3A_359 = arith.xori %mul3A_355, %shift_right_logical3A_358 : vector<16xi32>
      %mul3A_360 = arith.constant -1028477387 : i32
      %mul3A_361 = vector.broadcast %mul3A_360 : i32 to vector<16xi32>
      %mul3A_362 = arith.muli %xor3A_359, %mul3A_361 : vector<16xi32>
      %shift_right_logical3A_363 = arith.constant 16 : i32
      %shift_right_logical3A_364 = vector.broadcast %shift_right_logical3A_363 : i32 to vector<16xi32>
      %shift_right_logical3A_365 = arith.shrui %mul3A_362, %shift_right_logical3A_364 : vector<16xi32>
      %xor3A_366 = arith.xori %mul3A_362, %shift_right_logical3A_365 : vector<16xi32>
      %jit3A_367 = arith.constant 100000 : i32
      %div3A_368 = vector.broadcast %jit3A_367 : i32 to vector<16xi32>
      %div3A_369 = arith.divui %xor3A_366, %div3A_368 : vector<16xi32>
      %mul3A_370 = arith.constant 100000 : i32
      %mul3A_371 = vector.broadcast %mul3A_370 : i32 to vector<16xi32>
      %mul3A_372 = arith.muli %div3A_369, %mul3A_371 : vector<16xi32>
      %sub3A_373 = arith.subi %xor3A_366, %mul3A_372 : vector<16xi32>
      %swap3A_374 = arith.constant 0 : i32
      %swap3A_375 = arith.index_cast %swap3A_374 : i32 to index
      %swap3A_376 = arith.index_cast %scan3A_264 : i32 to index
      %swap3A_377 = arith.constant 32 : index
      %swap3A_378 = tpu.vector_load %arg5[%swap3A_375, %swap3A_376, %swap3A_377] {strides = array<i32>} : memref<2x200x128xi32, #tpu.memory_space<vmem>>, vector<1x1x16xi32>,
      %swap3A_379 = vector.shape_cast %swap3A_378 : vector<1x1x16xi32> to vector<16xi32>
      %swap3A_380 = vector.shape_cast %sub3A_373 : vector<16xi32> to vector<1x1x16xi32>
      tpu.vector_store %arg5[%swap3A_375, %swap3A_376, %swap3A_377], %swap3A_380 {strides = array<i32>} : memref<2x200x128xi32, #tpu.memory_space<vmem>>, vector<1x1x16xi32>,
      %get3A_381 = arith.constant 0 : i32
      %get3A_382 = arith.index_cast %get3A_381 : i32 to index
      %get3A_383 = arith.index_cast %scan3A_264 : i32 to index
      %get3A_384 = arith.constant 48 : index
      %get3A_385 = tpu.vector_load %arg4[%get3A_382, %get3A_383, %get3A_384] {strides = array<i32>} : memref<2x200x128xi32, #tpu.memory_space<vmem>>, vector<1x1x16xi32>,
      %get3A_386 = vector.shape_cast %get3A_385 : vector<1x1x16xi32> to vector<16xi32>
      %add3A_387 = arith.constant -182847398 : i32
      %add3A_388 = vector.broadcast %add3A_387 : i32 to vector<16xi32>
      %add3A_389 = arith.addi %get3A_386, %add3A_388 : vector<16xi32>
      %shift_right_logical3A_390 = arith.constant 16 : i32
      %shift_right_logical3A_391 = vector.broadcast %shift_right_logical3A_390 : i32 to vector<16xi32>
      %shift_right_logical3A_392 = arith.shrui %add3A_389, %shift_right_logical3A_391 : vector<16xi32>
      %xor3A_393 = arith.xori %add3A_389, %shift_right_logical3A_392 : vector<16xi32>
      %mul3A_394 = arith.constant -2048144789 : i32
      %mul3A_395 = vector.broadcast %mul3A_394 : i32 to vector<16xi32>
      %mul3A_396 = arith.muli %xor3A_393, %mul3A_395 : vector<16xi32>
      %shift_right_logical3A_397 = arith.constant 13 : i32
      %shift_right_logical3A_398 = vector.broadcast %shift_right_logical3A_397 : i32 to vector<16xi32>
      %shift_right_logical3A_399 = arith.shrui %mul3A_396, %shift_right_logical3A_398 : vector<16xi32>
      %xor3A_400 = arith.xori %mul3A_396, %shift_right_logical3A_399 : vector<16xi32>
      %mul3A_401 = arith.constant -1028477387 : i32
      %mul3A_402 = vector.broadcast %mul3A_401 : i32 to vector<16xi32>
      %mul3A_403 = arith.muli %xor3A_400, %mul3A_402 : vector<16xi32>
      %shift_right_logical3A_404 = arith.constant 16 : i32
      %shift_right_logical3A_405 = vector.broadcast %shift_right_logical3A_404 : i32 to vector<16xi32>
      %shift_right_logical3A_406 = arith.shrui %mul3A_403, %shift_right_logical3A_405 : vector<16xi32>
      %xor3A_407 = arith.xori %mul3A_403, %shift_right_logical3A_406 : vector<16xi32>
      %jit3A_408 = arith.constant 100000 : i32
      %div3A_409 = vector.broadcast %jit3A_408 : i32 to vector<16xi32>
      %div3A_410 = arith.divui %xor3A_407, %div3A_409 : vector<16xi32>
      %mul3A_411 = arith.constant 100000 : i32
      %mul3A_412 = vector.broadcast %mul3A_411 : i32 to vector<16xi32>
      %mul3A_413 = arith.muli %div3A_410, %mul3A_412 : vector<16xi32>
      %sub3A_414 = arith.subi %xor3A_407, %mul3A_413 : vector<16xi32>
      %swap3A_415 = arith.constant 0 : i32
      %swap3A_416 = arith.index_cast %swap3A_415 : i32 to index
      %swap3A_417 = arith.index_cast %scan3A_264 : i32 to index
      %swap3A_418 = arith.constant 48 : index
      %swap3A_419 = tpu.vector_load %arg5[%swap3A_416, %swap3A_417, %swap3A_418] {strides = array<i32>} : memref<2x200x128xi32, #tpu.memory_space<vmem>>, vector<1x1x16xi32>,
      %swap3A_420 = vector.shape_cast %swap3A_419 : vector<1x1x16xi32> to vector<16xi32>
      %swap3A_421 = vector.shape_cast %sub3A_414 : vector<16xi32> to vector<1x1x16xi32>
      tpu.vector_store %arg5[%swap3A_416, %swap3A_417, %swap3A_418], %swap3A_421 {strides = array<i32>} : memref<2x200x128xi32, #tpu.memory_space<vmem>>, vector<1x1x16xi32>,
      %get3A_422 = arith.constant 0 : i32
      %get3A_423 = arith.index_cast %get3A_422 : i32 to index
      %get3A_424 = arith.index_cast %scan3A_264 : i32 to index
      %get3A_425 = arith.constant 64 : index
      %get3A_426 = tpu.vector_load %arg4[%get3A_423, %get3A_424, %get3A_425] {strides = array<i32>} : memref<2x200x128xi32, #tpu.memory_space<vmem>>, vector<1x1x16xi32>,
      %get3A_427 = vector.shape_cast %get3A_426 : vector<1x1x16xi32> to vector<16xi32>
      %add3A_428 = arith.constant -182847398 : i32
      %add3A_429 = vector.broadcast %add3A_428 : i32 to vector<16xi32>
      %add3A_430 = arith.addi %get3A_427, %add3A_429 : vector<16xi32>
      %shift_right_logical3A_431 = arith.constant 16 : i32
      %shift_right_logical3A_432 = vector.broadcast %shift_right_logical3A_431 : i32 to vector<16xi32>
      %shift_right_logical3A_433 = arith.shrui %add3A_430, %shift_right_logical3A_432 : vector<16xi32>
      %xor3A_434 = arith.xori %add3A_430, %shift_right_logical3A_433 : vector<16xi32>
      %mul3A_435 = arith.constant -2048144789 : i32
      %mul3A_436 = vector.broadcast %mul3A_435 : i32 to vector<16xi32>
      %mul3A_437 = arith.muli %xor3A_434, %mul3A_436 : vector<16xi32>
      %shift_right_logical3A_438 = arith.constant 13 : i32
      %shift_right_logical3A_439 = vector.broadcast %shift_right_logical3A_438 : i32 to vector<16xi32>
      %shift_right_logical3A_440 = arith.shrui %mul3A_437, %shift_right_logical3A_439 : vector<16xi32>
      %xor3A_441 = arith.xori %mul3A_437, %shift_right_logical3A_440 : vector<16xi32>
      %mul3A_442 = arith.constant -1028477387 : i32
      %mul3A_443 = vector.broadcast %mul3A_442 : i32 to vector<16xi32>
      %mul3A_444 = arith.muli %xor3A_441, %mul3A_443 : vector<16xi32>
      %shift_right_logical3A_445 = arith.constant 16 : i32
      %shift_right_logical3A_446 = vector.broadcast %shift_right_logical3A_445 : i32 to vector<16xi32>
      %shift_right_logical3A_447 = arith.shrui %mul3A_444, %shift_right_logical3A_446 : vector<16xi32>
      %xor3A_448 = arith.xori %mul3A_444, %shift_right_logical3A_447 : vector<16xi32>
      %jit3A_449 = arith.constant 100000 : i32
      %div3A_450 = vector.broadcast %jit3A_449 : i32 to vector<16xi32>
      %div3A_451 = arith.divui %xor3A_448, %div3A_450 : vector<16xi32>
      %mul3A_452 = arith.constant 100000 : i32
      %mul3A_453 = vector.broadcast %mul3A_452 : i32 to vector<16xi32>
      %mul3A_454 = arith.muli %div3A_451, %mul3A_453 : vector<16xi32>
      %sub3A_455 = arith.subi %xor3A_448, %mul3A_454 : vector<16xi32>
      %swap3A_456 = arith.constant 0 : i32
      %swap3A_457 = arith.index_cast %swap3A_456 : i32 to index
      %swap3A_458 = arith.index_cast %scan3A_264 : i32 to index
      %swap3A_459 = arith.constant 64 : index
      %swap3A_460 = tpu.vector_load %arg5[%swap3A_457, %swap3A_458, %swap3A_459] {strides = array<i32>} : memref<2x200x128xi32, #tpu.memory_space<vmem>>, vector<1x1x16xi32>,
      %swap3A_461 = vector.shape_cast %swap3A_460 : vector<1x1x16xi32> to vector<16xi32>
      %swap3A_462 = vector.shape_cast %sub3A_455 : vector<16xi32> to vector<1x1x16xi32>
      tpu.vector_store %arg5[%swap3A_457, %swap3A_458, %swap3A_459], %swap3A_462 {strides = array<i32>} : memref<2x200x128xi32, #tpu.memory_space<vmem>>, vector<1x1x16xi32>,
      %get3A_463 = arith.constant 0 : i32
      %get3A_464 = arith.index_cast %get3A_463 : i32 to index
      %get3A_465 = arith.index_cast %scan3A_264 : i32 to index
      %get3A_466 = arith.constant 80 : index
      %get3A_467 = tpu.vector_load %arg4[%get3A_464, %get3A_465, %get3A_466] {strides = array<i32>} : memref<2x200x128xi32, #tpu.memory_space<vmem>>, vector<1x1x16xi32>,
      %get3A_468 = vector.shape_cast %get3A_467 : vector<1x1x16xi32> to vector<16xi32>
      %add3A_469 = arith.constant -182847398 : i32
      %add3A_470 = vector.broadcast %add3A_469 : i32 to vector<16xi32>
      %add3A_471 = arith.addi %get3A_468, %add3A_470 : vector<16xi32>
      %shift_right_logical3A_472 = arith.constant 16 : i32
      %shift_right_logical3A_473 = vector.broadcast %shift_right_logical3A_472 : i32 to vector<16xi32>
      %shift_right_logical3A_474 = arith.shrui %add3A_471, %shift_right_logical3A_473 : vector<16xi32>
      %xor3A_475 = arith.xori %add3A_471, %shift_right_logical3A_474 : vector<16xi32>
      %mul3A_476 = arith.constant -2048144789 : i32
      %mul3A_477 = vector.broadcast %mul3A_476 : i32 to vector<16xi32>
      %mul3A_478 = arith.muli %xor3A_475, %mul3A_477 : vector<16xi32>
      %shift_right_logical3A_479 = arith.constant 13 : i32
      %shift_right_logical3A_480 = vector.broadcast %shift_right_logical3A_479 : i32 to vector<16xi32>
      %shift_right_logical3A_481 = arith.shrui %mul3A_478, %shift_right_logical3A_480 : vector<16xi32>
      %xor3A_482 = arith.xori %mul3A_478, %shift_right_logical3A_481 : vector<16xi32>
      %mul3A_483 = arith.constant -1028477387 : i32
      %mul3A_484 = vector.broadcast %mul3A_483 : i32 to vector<16xi32>
      %mul3A_485 = arith.muli %xor3A_482, %mul3A_484 : vector<16xi32>
      %shift_right_logical3A_486 = arith.constant 16 : i32
      %shift_right_logical3A_487 = vector.broadcast %shift_right_logical3A_486 : i32 to vector<16xi32>
      %shift_right_logical3A_488 = arith.shrui %mul3A_485, %shift_right_logical3A_487 : vector<16xi32>
      %xor3A_489 = arith.xori %mul3A_485, %shift_right_logical3A_488 : vector<16xi32>
      %jit3A_490 = arith.constant 100000 : i32
      %div3A_491 = vector.broadcast %jit3A_490 : i32 to vector<16xi32>
      %div3A_492 = arith.divui %xor3A_489, %div3A_491 : vector<16xi32>
      %mul3A_493 = arith.constant 100000 : i32
      %mul3A_494 = vector.broadcast %mul3A_493 : i32 to vector<16xi32>
      %mul3A_495 = arith.muli %div3A_492, %mul3A_494 : vector<16xi32>
      %sub3A_496 = arith.subi %xor3A_489, %mul3A_495 : vector<16xi32>
      %swap3A_497 = arith.constant 0 : i32
      %swap3A_498 = arith.index_cast %swap3A_497 : i32 to index
      %swap3A_499 = arith.index_cast %scan3A_264 : i32 to index
      %swap3A_500 = arith.constant 80 : index
      %swap3A_501 = tpu.vector_load %arg5[%swap3A_498, %swap3A_499, %swap3A_500] {strides = array<i32>} : memref<2x200x128xi32, #tpu.memory_space<vmem>>, vector<1x1x16xi32>,
      %swap3A_502 = vector.shape_cast %swap3A_501 : vector<1x1x16xi32> to vector<16xi32>
      %swap3A_503 = vector.shape_cast %sub3A_496 : vector<16xi32> to vector<1x1x16xi32>
      tpu.vector_store %arg5[%swap3A_498, %swap3A_499, %swap3A_500], %swap3A_503 {strides = array<i32>} : memref<2x200x128xi32, #tpu.memory_space<vmem>>, vector<1x1x16xi32>,
      %get3A_504 = arith.constant 0 : i32
      %get3A_505 = arith.index_cast %get3A_504 : i32 to index
      %get3A_506 = arith.index_cast %scan3A_264 : i32 to index
      %get3A_507 = arith.constant 96 : index
      %get3A_508 = tpu.vector_load %arg4[%get3A_505, %get3A_506, %get3A_507] {strides = array<i32>} : memref<2x200x128xi32, #tpu.memory_space<vmem>>, vector<1x1x16xi32>,
      %get3A_509 = vector.shape_cast %get3A_508 : vector<1x1x16xi32> to vector<16xi32>
      %add3A_510 = arith.constant -182847398 : i32
      %add3A_511 = vector.broadcast %add3A_510 : i32 to vector<16xi32>
      %add3A_512 = arith.addi %get3A_509, %add3A_511 : vector<16xi32>
      %shift_right_logical3A_513 = arith.constant 16 : i32
      %shift_right_logical3A_514 = vector.broadcast %shift_right_logical3A_513 : i32 to vector<16xi32>
      %shift_right_logical3A_515 = arith.shrui %add3A_512, %shift_right_logical3A_514 : vector<16xi32>
      %xor3A_516 = arith.xori %add3A_512, %shift_right_logical3A_515 : vector<16xi32>
      %mul3A_517 = arith.constant -2048144789 : i32
      %mul3A_518 = vector.broadcast %mul3A_517 : i32 to vector<16xi32>
      %mul3A_519 = arith.muli %xor3A_516, %mul3A_518 : vector<16xi32>
      %shift_right_logical3A_520 = arith.constant 13 : i32
      %shift_right_logical3A_521 = vector.broadcast %shift_right_logical3A_520 : i32 to vector<16xi32>
      %shift_right_logical3A_522 = arith.shrui %mul3A_519, %shift_right_logical3A_521 : vector<16xi32>
      %xor3A_523 = arith.xori %mul3A_519, %shift_right_logical3A_522 : vector<16xi32>
      %mul3A_524 = arith.constant -1028477387 : i32
      %mul3A_525 = vector.broadcast %mul3A_524 : i32 to vector<16xi32>
      %mul3A_526 = arith.muli %xor3A_523, %mul3A_525 : vector<16xi32>
      %shift_right_logical3A_527 = arith.constant 16 : i32
      %shift_right_logical3A_528 = vector.broadcast %shift_right_logical3A_527 : i32 to vector<16xi32>
      %shift_right_logical3A_529 = arith.shrui %mul3A_526, %shift_right_logical3A_528 : vector<16xi32>
      %xor3A_530 = arith.xori %mul3A_526, %shift_right_logical3A_529 : vector<16xi32>
      %jit3A_531 = arith.constant 100000 : i32
      %div3A_532 = vector.broadcast %jit3A_531 : i32 to vector<16xi32>
      %div3A_533 = arith.divui %xor3A_530, %div3A_532 : vector<16xi32>
      %mul3A_534 = arith.constant 100000 : i32
      %mul3A_535 = vector.broadcast %mul3A_534 : i32 to vector<16xi32>
      %mul3A_536 = arith.muli %div3A_533, %mul3A_535 : vector<16xi32>
      %sub3A_537 = arith.subi %xor3A_530, %mul3A_536 : vector<16xi32>
      %swap3A_538 = arith.constant 0 : i32
      %swap3A_539 = arith.index_cast %swap3A_538 : i32 to index
      %swap3A_540 = arith.index_cast %scan3A_264 : i32 to index
      %swap3A_541 = arith.constant 96 : index
      %swap3A_542 = tpu.vector_load %arg5[%swap3A_539, %swap3A_540, %swap3A_541] {strides = array<i32>} : memref<2x200x128xi32, #tpu.memory_space<vmem>>, vector<1x1x16xi32>,
      %swap3A_543 = vector.shape_cast %swap3A_542 : vector<1x1x16xi32> to vector<16xi32>
      %swap3A_544 = vector.shape_cast %sub3A_537 : vector<16xi32> to vector<1x1x16xi32>
      tpu.vector_store %arg5[%swap3A_539, %swap3A_540, %swap3A_541], %swap3A_544 {strides = array<i32>} : memref<2x200x128xi32, #tpu.memory_space<vmem>>, vector<1x1x16xi32>,
      %get3A_545 = arith.constant 0 : i32
      %get3A_546 = arith.index_cast %get3A_545 : i32 to index
      %get3A_547 = arith.index_cast %scan3A_264 : i32 to index
      %get3A_548 = arith.constant 112 : index
      %get3A_549 = tpu.vector_load %arg4[%get3A_546, %get3A_547, %get3A_548] {strides = array<i32>} : memref<2x200x128xi32, #tpu.memory_space<vmem>>, vector<1x1x16xi32>,
      %get3A_550 = vector.shape_cast %get3A_549 : vector<1x1x16xi32> to vector<16xi32>
      %add3A_551 = arith.constant -182847398 : i32
      %add3A_552 = vector.broadcast %add3A_551 : i32 to vector<16xi32>
      %add3A_553 = arith.addi %get3A_550, %add3A_552 : vector<16xi32>
      %shift_right_logical3A_554 = arith.constant 16 : i32
      %shift_right_logical3A_555 = vector.broadcast %shift_right_logical3A_554 : i32 to vector<16xi32>
      %shift_right_logical3A_556 = arith.shrui %add3A_553, %shift_right_logical3A_555 : vector<16xi32>
      %xor3A_557 = arith.xori %add3A_553, %shift_right_logical3A_556 : vector<16xi32>
      %mul3A_558 = arith.constant -2048144789 : i32
      %mul3A_559 = vector.broadcast %mul3A_558 : i32 to vector<16xi32>
      %mul3A_560 = arith.muli %xor3A_557, %mul3A_559 : vector<16xi32>
      %shift_right_logical3A_561 = arith.constant 13 : i32
      %shift_right_logical3A_562 = vector.broadcast %shift_right_logical3A_561 : i32 to vector<16xi32>
      %shift_right_logical3A_563 = arith.shrui %mul3A_560, %shift_right_logical3A_562 : vector<16xi32>
      %xor3A_564 = arith.xori %mul3A_560, %shift_right_logical3A_563 : vector<16xi32>
      %mul3A_565 = arith.constant -1028477387 : i32
      %mul3A_566 = vector.broadcast %mul3A_565 : i32 to vector<16xi32>
      %mul3A_567 = arith.muli %xor3A_564, %mul3A_566 : vector<16xi32>
      %shift_right_logical3A_568 = arith.constant 16 : i32
      %shift_right_logical3A_569 = vector.broadcast %shift_right_logical3A_568 : i32 to vector<16xi32>
      %shift_right_logical3A_570 = arith.shrui %mul3A_567, %shift_right_logical3A_569 : vector<16xi32>
      %xor3A_571 = arith.xori %mul3A_567, %shift_right_logical3A_570 : vector<16xi32>
      %jit3A_572 = arith.constant 100000 : i32
      %div3A_573 = vector.broadcast %jit3A_572 : i32 to vector<16xi32>
      %div3A_574 = arith.divui %xor3A_571, %div3A_573 : vector<16xi32>
      %mul3A_575 = arith.constant 100000 : i32
      %mul3A_576 = vector.broadcast %mul3A_575 : i32 to vector<16xi32>
      %mul3A_577 = arith.muli %div3A_574, %mul3A_576 : vector<16xi32>
      %sub3A_578 = arith.subi %xor3A_571, %mul3A_577 : vector<16xi32>
      %swap3A_579 = arith.constant 0 : i32
      %swap3A_580 = arith.index_cast %swap3A_579 : i32 to index
      %swap3A_581 = arith.index_cast %scan3A_264 : i32 to index
      %swap3A_582 = arith.constant 112 : index
      %swap3A_583 = tpu.vector_load %arg5[%swap3A_580, %swap3A_581, %swap3A_582] {strides = array<i32>} : memref<2x200x128xi32, #tpu.memory_space<vmem>>, vector<1x1x16xi32>,
      %swap3A_584 = vector.shape_cast %swap3A_583 : vector<1x1x16xi32> to vector<16xi32>
      %swap3A_585 = vector.shape_cast %sub3A_578 : vector<16xi32> to vector<1x1x16xi32>
      tpu.vector_store %arg5[%swap3A_580, %swap3A_581, %swap3A_582], %swap3A_585 {strides = array<i32>} : memref<2x200x128xi32, #tpu.memory_space<vmem>>, vector<1x1x16xi32>,
    }
    %scan3A_50 = arith.constant 200 : i32
    %add3A_51 = arith.constant 0 : i32
    %add3A_52 = arith.addi %mul3A_2, %add3A_51 : i32
    %dma_start3A_53 = arith.constant 0 : i32
    %dma_start3A_54 = arith.constant 0 : i32
    %dma_start3A_55 = arith.constant 0 : i32
    %dma_start3A_56 = tpu.memref_slice %arg5[%dma_start3A_53, %dma_start3A_54, %dma_start3A_55] : memref<2x200x128xi32, #tpu.memory_space<vmem>> -> memref<1x200x128xi32, #tpu.memory_space<vmem>>
    %dma_start3A_57 = tpu.memref_squeeze %dma_start3A_56 : memref<1x200x128xi32, #tpu.memory_space<vmem>> -> memref<200x128xi32, #tpu.memory_space<vmem>>
    %dma_start3A_58 = arith.constant 0 : i32
    %dma_start3A_59 = tpu.memref_slice %arg3[%dma_start3A_58, %add3A_52] : memref<200x16384xi32, #tpu.memory_space<hbm>> -> memref<200x128xi32, #tpu.memory_space<hbm>>
    %dma_start3A_60 = arith.constant 0 : i32
    %dma_start3A_61 = tpu.memref_slice %arg3[%dma_start3A_60, %add3A_52] : memref<200x16384xi32, #tpu.memory_space<hbm>> -> memref<200x128xi32, #tpu.memory_space<hbm>>
    %dma_start3A_62 = arith.constant 0 : i32
    %dma_start3A_63 = arith.constant 0 : i32
    %dma_start3A_64 = tpu.memref_slice %arg5[%dma_start3A_53, %dma_start3A_62, %dma_start3A_63] : memref<2x200x128xi32, #tpu.memory_space<vmem>> -> memref<1x200x128xi32, #tpu.memory_space<vmem>>
    %dma_start3A_65 = tpu.memref_squeeze %dma_start3A_64 : memref<1x200x128xi32, #tpu.memory_space<vmem>> -> memref<200x128xi32, #tpu.memory_space<vmem>>
    tpu.enqueue_dma source(%dma_start3A_65 : memref<200x128xi32, #tpu.memory_space<vmem>>) target(%dma_start3A_61 : memref<200x128xi32, #tpu.memory_space<hbm>>) target_semaphore(%arg8 : memref<!tpu.dma_semaphore, #tpu.memory_space<semaphore_mem>>)
    %add3A_66 = arith.constant 128 : i32
    %add3A_67 = arith.addi %mul3A_2, %add3A_66 : i32
    %dma_wait3A_68 = arith.constant 1 : i32
    %dma_wait3A_69 = arith.constant 0 : i32
    %dma_wait3A_70 = arith.constant 0 : i32
    %dma_wait3A_71 = tpu.memref_slice %arg4[%dma_wait3A_68, %dma_wait3A_69, %dma_wait3A_70] : memref<2x200x128xi32, #tpu.memory_space<vmem>> -> memref<1x200x128xi32, #tpu.memory_space<vmem>>
    %dma_wait3A_72 = tpu.memref_squeeze %dma_wait3A_71 : memref<1x200x128xi32, #tpu.memory_space<vmem>> -> memref<200x128xi32, #tpu.memory_space<vmem>>
    %dma_wait3A_73 = arith.constant 0 : i32
    %dma_wait3A_74 = tpu.memref_slice %arg2[%dma_wait3A_73, %add3A_67] : memref<200x16384xi32, #tpu.memory_space<hbm>> -> memref<200x128xi32, #tpu.memory_space<hbm>>
    %dma_wait3A_75 = arith.constant 0 : i32
    %dma_wait3A_76 = arith.constant 0 : i32
    %dma_wait3A_77 = tpu.memref_slice %arg4[%dma_wait3A_68, %dma_wait3A_75, %dma_wait3A_76] : memref<2x200x128xi32, #tpu.memory_space<vmem>> -> memref<1x200x128xi32, #tpu.memory_space<vmem>>
    %dma_wait3A_78 = tpu.memref_squeeze %dma_wait3A_77 : memref<1x200x128xi32, #tpu.memory_space<vmem>> -> memref<200x128xi32, #tpu.memory_space<vmem>>
    %dma_wait3A_79 = arith.constant 0 : i32
    %dma_wait3A_80 = tpu.memref_slice %arg2[%dma_wait3A_79, %add3A_67] : memref<200x16384xi32, #tpu.memory_space<hbm>> -> memref<200x128xi32, #tpu.memory_space<hbm>>
    tpu.wait_dma2 semaphore(%arg7 : memref<!tpu.dma_semaphore, #tpu.memory_space<semaphore_mem>>) src(%dma_wait3A_80 : memref<200x128xi32, #tpu.memory_space<hbm>>) dst(%dma_wait3A_78 : memref<200x128xi32, #tpu.memory_space<vmem>>)
    %add3A_81 = arith.constant 256 : i32
    %add3A_82 = arith.addi %mul3A_2, %add3A_81 : i32
    %dma_start3A_83 = arith.constant 0 : i32
    %dma_start3A_84 = arith.constant 0 : i32
    %dma_start3A_85 = arith.constant 0 : i32
    %dma_start3A_86 = tpu.memref_slice %arg4[%dma_start3A_83, %dma_start3A_84, %dma_start3A_85] : memref<2x200x128xi32, #tpu.memory_space<vmem>> -> memref<1x200x128xi32, #tpu.memory_space<vmem>>
    %dma_start3A_87 = tpu.memref_squeeze %dma_start3A_86 : memref<1x200x128xi32, #tpu.memory_space<vmem>> -> memref<200x128xi32, #tpu.memory_space<vmem>>
    %dma_start3A_88 = arith.constant 0 : i32
    %dma_start3A_89 = tpu.memref_slice %arg2[%dma_start3A_88, %add3A_82] : memref<200x16384xi32, #tpu.memory_space<hbm>> -> memref<200x128xi32, #tpu.memory_space<hbm>>
    %dma_start3A_90 = arith.constant 0 : i32
    %dma_start3A_91 = arith.constant 0 : i32
    %dma_start3A_92 = tpu.memref_slice %arg4[%dma_start3A_83, %dma_start3A_90, %dma_start3A_91] : memref<2x200x128xi32, #tpu.memory_space<vmem>> -> memref<1x200x128xi32, #tpu.memory_space<vmem>>
    %dma_start3A_93 = tpu.memref_squeeze %dma_start3A_92 : memref<1x200x128xi32, #tpu.memory_space<vmem>> -> memref<200x128xi32, #tpu.memory_space<vmem>>
    %dma_start3A_94 = arith.constant 0 : i32
    %dma_start3A_95 = tpu.memref_slice %arg2[%dma_start3A_94, %add3A_82] : memref<200x16384xi32, #tpu.memory_space<hbm>> -> memref<200x128xi32, #tpu.memory_space<hbm>>
    tpu.enqueue_dma source(%dma_start3A_95 : memref<200x128xi32, #tpu.memory_space<hbm>>) target(%dma_start3A_93 : memref<200x128xi32, #tpu.memory_space<vmem>>) target_semaphore(%arg6 : memref<!tpu.dma_semaphore, #tpu.memory_space<semaphore_mem>>)
    %scan3A_96 = arith.constant 0 : i32
    %scan3A_97 = arith.constant 0 : i32
    %scan3A_98 = arith.constant 200 : i32
    %scan3A_99 = arith.addi %scan3A_97, %scan3A_98 : i32
    %scan3A_100 = arith.constant 1 : i32
    scf.for %scan3A_264 = %scan3A_97 to %scan3A_99 step %scan3A_100  : i32 {
      %get3A = arith.constant 1 : i32
      %get3A_265 = arith.index_cast %get3A : i32 to index
      %get3A_266 = arith.index_cast %scan3A_264 : i32 to index
      %get3A_267 = arith.constant 0 : index
      %get3A_268 = tpu.vector_load %arg4[%get3A_265, %get3A_266, %get3A_267] {strides = array<i32>} : memref<2x200x128xi32, #tpu.memory_space<vmem>>, vector<1x1x16xi32>,
      %get3A_269 = vector.shape_cast %get3A_268 : vector<1x1x16xi32> to vector<16xi32>
      %add3A_270 = arith.constant -182847398 : i32
      %add3A_271 = vector.broadcast %add3A_270 : i32 to vector<16xi32>
      %add3A_272 = arith.addi %get3A_269, %add3A_271 : vector<16xi32>
      %shift_right_logical3A = arith.constant 16 : i32
      %shift_right_logical3A_273 = vector.broadcast %shift_right_logical3A : i32 to vector<16xi32>
      %shift_right_logical3A_274 = arith.shrui %add3A_272, %shift_right_logical3A_273 : vector<16xi32>
      %xor3A = arith.xori %add3A_272, %shift_right_logical3A_274 : vector<16xi32>
      %mul3A_275 = arith.constant -2048144789 : i32
      %mul3A_276 = vector.broadcast %mul3A_275 : i32 to vector<16xi32>
      %mul3A_277 = arith.muli %xor3A, %mul3A_276 : vector<16xi32>
      %shift_right_logical3A_278 = arith.constant 13 : i32
      %shift_right_logical3A_279 = vector.broadcast %shift_right_logical3A_278 : i32 to vector<16xi32>
      %shift_right_logical3A_280 = arith.shrui %mul3A_277, %shift_right_logical3A_279 : vector<16xi32>
      %xor3A_281 = arith.xori %mul3A_277, %shift_right_logical3A_280 : vector<16xi32>
      %mul3A_282 = arith.constant -1028477387 : i32
      %mul3A_283 = vector.broadcast %mul3A_282 : i32 to vector<16xi32>
      %mul3A_284 = arith.muli %xor3A_281, %mul3A_283 : vector<16xi32>
      %shift_right_logical3A_285 = arith.constant 16 : i32
      %shift_right_logical3A_286 = vector.broadcast %shift_right_logical3A_285 : i32 to vector<16xi32>
      %shift_right_logical3A_287 = arith.shrui %mul3A_284, %shift_right_logical3A_286 : vector<16xi32>
      %xor3A_288 = arith.xori %mul3A_284, %shift_right_logical3A_287 : vector<16xi32>
      %jit3A = arith.constant 100000 : i32
      %div3A = vector.broadcast %jit3A : i32 to vector<16xi32>
      %div3A_289 = arith.divui %xor3A_288, %div3A : vector<16xi32>
      %mul3A_290 = arith.constant 100000 : i32
      %mul3A_291 = vector.broadcast %mul3A_290 : i32 to vector<16xi32>
      %mul3A_292 = arith.muli %div3A_289, %mul3A_291 : vector<16xi32>
      %sub3A = arith.subi %xor3A_288, %mul3A_292 : vector<16xi32>
      %swap3A = arith.constant 1 : i32
      %swap3A_293 = arith.index_cast %swap3A : i32 to index
      %swap3A_294 = arith.index_cast %scan3A_264 : i32 to index
      %swap3A_295 = arith.constant 0 : index
      %swap3A_296 = tpu.vector_load %arg5[%swap3A_293, %swap3A_294, %swap3A_295] {strides = array<i32>} : memref<2x200x128xi32, #tpu.memory_space<vmem>>, vector<1x1x16xi32>,
      %swap3A_297 = vector.shape_cast %swap3A_296 : vector<1x1x16xi32> to vector<16xi32>
      %swap3A_298 = vector.shape_cast %sub3A : vector<16xi32> to vector<1x1x16xi32>
      tpu.vector_store %arg5[%swap3A_293, %swap3A_294, %swap3A_295], %swap3A_298 {strides = array<i32>} : memref<2x200x128xi32, #tpu.memory_space<vmem>>, vector<1x1x16xi32>,
      %get3A_299 = arith.constant 1 : i32
      %get3A_300 = arith.index_cast %get3A_299 : i32 to index
      %get3A_301 = arith.index_cast %scan3A_264 : i32 to index
      %get3A_302 = arith.constant 16 : index
      %get3A_303 = tpu.vector_load %arg4[%get3A_300, %get3A_301, %get3A_302] {strides = array<i32>} : memref<2x200x128xi32, #tpu.memory_space<vmem>>, vector<1x1x16xi32>,
      %get3A_304 = vector.shape_cast %get3A_303 : vector<1x1x16xi32> to vector<16xi32>
      %add3A_305 = arith.constant -182847398 : i32
      %add3A_306 = vector.broadcast %add3A_305 : i32 to vector<16xi32>
      %add3A_307 = arith.addi %get3A_304, %add3A_306 : vector<16xi32>
      %shift_right_logical3A_308 = arith.constant 16 : i32
      %shift_right_logical3A_309 = vector.broadcast %shift_right_logical3A_308 : i32 to vector<16xi32>
      %shift_right_logical3A_310 = arith.shrui %add3A_307, %shift_right_logical3A_309 : vector<16xi32>
      %xor3A_311 = arith.xori %add3A_307, %shift_right_logical3A_310 : vector<16xi32>
      %mul3A_312 = arith.constant -2048144789 : i32
      %mul3A_313 = vector.broadcast %mul3A_312 : i32 to vector<16xi32>
      %mul3A_314 = arith.muli %xor3A_311, %mul3A_313 : vector<16xi32>
      %shift_right_logical3A_315 = arith.constant 13 : i32
      %shift_right_logical3A_316 = vector.broadcast %shift_right_logical3A_315 : i32 to vector<16xi32>
      %shift_right_logical3A_317 = arith.shrui %mul3A_314, %shift_right_logical3A_316 : vector<16xi32>
      %xor3A_318 = arith.xori %mul3A_314, %shift_right_logical3A_317 : vector<16xi32>
      %mul3A_319 = arith.constant -1028477387 : i32
      %mul3A_320 = vector.broadcast %mul3A_319 : i32 to vector<16xi32>
      %mul3A_321 = arith.muli %xor3A_318, %mul3A_320 : vector<16xi32>
      %shift_right_logical3A_322 = arith.constant 16 : i32
      %shift_right_logical3A_323 = vector.broadcast %shift_right_logical3A_322 : i32 to vector<16xi32>
      %shift_right_logical3A_324 = arith.shrui %mul3A_321, %shift_right_logical3A_323 : vector<16xi32>
      %xor3A_325 = arith.xori %mul3A_321, %shift_right_logical3A_324 : vector<16xi32>
      %jit3A_326 = arith.constant 100000 : i32
      %div3A_327 = vector.broadcast %jit3A_326 : i32 to vector<16xi32>
      %div3A_328 = arith.divui %xor3A_325, %div3A_327 : vector<16xi32>
      %mul3A_329 = arith.constant 100000 : i32
      %mul3A_330 = vector.broadcast %mul3A_329 : i32 to vector<16xi32>
      %mul3A_331 = arith.muli %div3A_328, %mul3A_330 : vector<16xi32>
      %sub3A_332 = arith.subi %xor3A_325, %mul3A_331 : vector<16xi32>
      %swap3A_333 = arith.constant 1 : i32
      %swap3A_334 = arith.index_cast %swap3A_333 : i32 to index
      %swap3A_335 = arith.index_cast %scan3A_264 : i32 to index
      %swap3A_336 = arith.constant 16 : index
      %swap3A_337 = tpu.vector_load %arg5[%swap3A_334, %swap3A_335, %swap3A_336] {strides = array<i32>} : memref<2x200x128xi32, #tpu.memory_space<vmem>>, vector<1x1x16xi32>,
      %swap3A_338 = vector.shape_cast %swap3A_337 : vector<1x1x16xi32> to vector<16xi32>
      %swap3A_339 = vector.shape_cast %sub3A_332 : vector<16xi32> to vector<1x1x16xi32>
      tpu.vector_store %arg5[%swap3A_334, %swap3A_335, %swap3A_336], %swap3A_339 {strides = array<i32>} : memref<2x200x128xi32, #tpu.memory_space<vmem>>, vector<1x1x16xi32>,
      %get3A_340 = arith.constant 1 : i32
      %get3A_341 = arith.index_cast %get3A_340 : i32 to index
      %get3A_342 = arith.index_cast %scan3A_264 : i32 to index
      %get3A_343 = arith.constant 32 : index
      %get3A_344 = tpu.vector_load %arg4[%get3A_341, %get3A_342, %get3A_343] {strides = array<i32>} : memref<2x200x128xi32, #tpu.memory_space<vmem>>, vector<1x1x16xi32>,
      %get3A_345 = vector.shape_cast %get3A_344 : vector<1x1x16xi32> to vector<16xi32>
      %add3A_346 = arith.constant -182847398 : i32
      %add3A_347 = vector.broadcast %add3A_346 : i32 to vector<16xi32>
      %add3A_348 = arith.addi %get3A_345, %add3A_347 : vector<16xi32>
      %shift_right_logical3A_349 = arith.constant 16 : i32
      %shift_right_logical3A_350 = vector.broadcast %shift_right_logical3A_349 : i32 to vector<16xi32>
      %shift_right_logical3A_351 = arith.shrui %add3A_348, %shift_right_logical3A_350 : vector<16xi32>
      %xor3A_352 = arith.xori %add3A_348, %shift_right_logical3A_351 : vector<16xi32>
      %mul3A_353 = arith.constant -2048144789 : i32
      %mul3A_354 = vector.broadcast %mul3A_353 : i32 to vector<16xi32>
      %mul3A_355 = arith.muli %xor3A_352, %mul3A_354 : vector<16xi32>
      %shift_right_logical3A_356 = arith.constant 13 : i32
      %shift_right_logical3A_357 = vector.broadcast %shift_right_logical3A_356 : i32 to vector<16xi32>
      %shift_right_logical3A_358 = arith.shrui %mul3A_355, %shift_right_logical3A_357 : vector<16xi32>
      %xor3A_359 = arith.xori %mul3A_355, %shift_right_logical3A_358 : vector<16xi32>
      %mul3A_360 = arith.constant -1028477387 : i32
      %mul3A_361 = vector.broadcast %mul3A_360 : i32 to vector<16xi32>
      %mul3A_362 = arith.muli %xor3A_359, %mul3A_361 : vector<16xi32>
      %shift_right_logical3A_363 = arith.constant 16 : i32
      %shift_right_logical3A_364 = vector.broadcast %shift_right_logical3A_363 : i32 to vector<16xi32>
      %shift_right_logical3A_365 = arith.shrui %mul3A_362, %shift_right_logical3A_364 : vector<16xi32>
      %xor3A_366 = arith.xori %mul3A_362, %shift_right_logical3A_365 : vector<16xi32>
      %jit3A_367 = arith.constant 100000 : i32
      %div3A_368 = vector.broadcast %jit3A_367 : i32 to vector<16xi32>
      %div3A_369 = arith.divui %xor3A_366, %div3A_368 : vector<16xi32>
      %mul3A_370 = arith.constant 100000 : i32
      %mul3A_371 = vector.broadcast %mul3A_370 : i32 to vector<16xi32>
      %mul3A_372 = arith.muli %div3A_369, %mul3A_371 : vector<16xi32>
      %sub3A_373 = arith.subi %xor3A_366, %mul3A_372 : vector<16xi32>
      %swap3A_374 = arith.constant 1 : i32
      %swap3A_375 = arith.index_cast %swap3A_374 : i32 to index
      %swap3A_376 = arith.index_cast %scan3A_264 : i32 to index
      %swap3A_377 = arith.constant 32 : index
      %swap3A_378 = tpu.vector_load %arg5[%swap3A_375, %swap3A_376, %swap3A_377] {strides = array<i32>} : memref<2x200x128xi32, #tpu.memory_space<vmem>>, vector<1x1x16xi32>,
      %swap3A_379 = vector.shape_cast %swap3A_378 : vector<1x1x16xi32> to vector<16xi32>
      %swap3A_380 = vector.shape_cast %sub3A_373 : vector<16xi32> to vector<1x1x16xi32>
      tpu.vector_store %arg5[%swap3A_375, %swap3A_376, %swap3A_377], %swap3A_380 {strides = array<i32>} : memref<2x200x128xi32, #tpu.memory_space<vmem>>, vector<1x1x16xi32>,
      %get3A_381 = arith.constant 1 : i32
      %get3A_382 = arith.index_cast %get3A_381 : i32 to index
      %get3A_383 = arith.index_cast %scan3A_264 : i32 to index
      %get3A_384 = arith.constant 48 : index
      %get3A_385 = tpu.vector_load %arg4[%get3A_382, %get3A_383, %get3A_384] {strides = array<i32>} : memref<2x200x128xi32, #tpu.memory_space<vmem>>, vector<1x1x16xi32>,
      %get3A_386 = vector.shape_cast %get3A_385 : vector<1x1x16xi32> to vector<16xi32>
      %add3A_387 = arith.constant -182847398 : i32
      %add3A_388 = vector.broadcast %add3A_387 : i32 to vector<16xi32>
      %add3A_389 = arith.addi %get3A_386, %add3A_388 : vector<16xi32>
      %shift_right_logical3A_390 = arith.constant 16 : i32
      %shift_right_logical3A_391 = vector.broadcast %shift_right_logical3A_390 : i32 to vector<16xi32>
      %shift_right_logical3A_392 = arith.shrui %add3A_389, %shift_right_logical3A_391 : vector<16xi32>
      %xor3A_393 = arith.xori %add3A_389, %shift_right_logical3A_392 : vector<16xi32>
      %mul3A_394 = arith.constant -2048144789 : i32
      %mul3A_395 = vector.broadcast %mul3A_394 : i32 to vector<16xi32>
      %mul3A_396 = arith.muli %xor3A_393, %mul3A_395 : vector<16xi32>
      %shift_right_logical3A_397 = arith.constant 13 : i32
      %shift_right_logical3A_398 = vector.broadcast %shift_right_logical3A_397 : i32 to vector<16xi32>
      %shift_right_logical3A_399 = arith.shrui %mul3A_396, %shift_right_logical3A_398 : vector<16xi32>
      %xor3A_400 = arith.xori %mul3A_396, %shift_right_logical3A_399 : vector<16xi32>
      %mul3A_401 = arith.constant -1028477387 : i32
      %mul3A_402 = vector.broadcast %mul3A_401 : i32 to vector<16xi32>
      %mul3A_403 = arith.muli %xor3A_400, %mul3A_402 : vector<16xi32>
      %shift_right_logical3A_404 = arith.constant 16 : i32
      %shift_right_logical3A_405 = vector.broadcast %shift_right_logical3A_404 : i32 to vector<16xi32>
      %shift_right_logical3A_406 = arith.shrui %mul3A_403, %shift_right_logical3A_405 : vector<16xi32>
      %xor3A_407 = arith.xori %mul3A_403, %shift_right_logical3A_406 : vector<16xi32>
      %jit3A_408 = arith.constant 100000 : i32
      %div3A_409 = vector.broadcast %jit3A_408 : i32 to vector<16xi32>
      %div3A_410 = arith.divui %xor3A_407, %div3A_409 : vector<16xi32>
      %mul3A_411 = arith.constant 100000 : i32
      %mul3A_412 = vector.broadcast %mul3A_411 : i32 to vector<16xi32>
      %mul3A_413 = arith.muli %div3A_410, %mul3A_412 : vector<16xi32>
      %sub3A_414 = arith.subi %xor3A_407, %mul3A_413 : vector<16xi32>
      %swap3A_415 = arith.constant 1 : i32
      %swap3A_416 = arith.index_cast %swap3A_415 : i32 to index
      %swap3A_417 = arith.index_cast %scan3A_264 : i32 to index
      %swap3A_418 = arith.constant 48 : index
      %swap3A_419 = tpu.vector_load %arg5[%swap3A_416, %swap3A_417, %swap3A_418] {strides = array<i32>} : memref<2x200x128xi32, #tpu.memory_space<vmem>>, vector<1x1x16xi32>,
      %swap3A_420 = vector.shape_cast %swap3A_419 : vector<1x1x16xi32> to vector<16xi32>
      %swap3A_421 = vector.shape_cast %sub3A_414 : vector<16xi32> to vector<1x1x16xi32>
      tpu.vector_store %arg5[%swap3A_416, %swap3A_417, %swap3A_418], %swap3A_421 {strides = array<i32>} : memref<2x200x128xi32, #tpu.memory_space<vmem>>, vector<1x1x16xi32>,
      %get3A_422 = arith.constant 1 : i32
      %get3A_423 = arith.index_cast %get3A_422 : i32 to index
      %get3A_424 = arith.index_cast %scan3A_264 : i32 to index
      %get3A_425 = arith.constant 64 : index
      %get3A_426 = tpu.vector_load %arg4[%get3A_423, %get3A_424, %get3A_425] {strides = array<i32>} : memref<2x200x128xi32, #tpu.memory_space<vmem>>, vector<1x1x16xi32>,
      %get3A_427 = vector.shape_cast %get3A_426 : vector<1x1x16xi32> to vector<16xi32>
      %add3A_428 = arith.constant -182847398 : i32
      %add3A_429 = vector.broadcast %add3A_428 : i32 to vector<16xi32>
      %add3A_430 = arith.addi %get3A_427, %add3A_429 : vector<16xi32>
      %shift_right_logical3A_431 = arith.constant 16 : i32
      %shift_right_logical3A_432 = vector.broadcast %shift_right_logical3A_431 : i32 to vector<16xi32>
      %shift_right_logical3A_433 = arith.shrui %add3A_430, %shift_right_logical3A_432 : vector<16xi32>
      %xor3A_434 = arith.xori %add3A_430, %shift_right_logical3A_433 : vector<16xi32>
      %mul3A_435 = arith.constant -2048144789 : i32
      %mul3A_436 = vector.broadcast %mul3A_435 : i32 to vector<16xi32>
      %mul3A_437 = arith.muli %xor3A_434, %mul3A_436 : vector<16xi32>
      %shift_right_logical3A_438 = arith.constant 13 : i32
      %shift_right_logical3A_439 = vector.broadcast %shift_right_logical3A_438 : i32 to vector<16xi32>
      %shift_right_logical3A_440 = arith.shrui %mul3A_437, %shift_right_logical3A_439 : vector<16xi32>
      %xor3A_441 = arith.xori %mul3A_437, %shift_right_logical3A_440 : vector<16xi32>
      %mul3A_442 = arith.constant -1028477387 : i32
      %mul3A_443 = vector.broadcast %mul3A_442 : i32 to vector<16xi32>
      %mul3A_444 = arith.muli %xor3A_441, %mul3A_443 : vector<16xi32>
      %shift_right_logical3A_445 = arith.constant 16 : i32
      %shift_right_logical3A_446 = vector.broadcast %shift_right_logical3A_445 : i32 to vector<16xi32>
      %shift_right_logical3A_447 = arith.shrui %mul3A_444, %shift_right_logical3A_446 : vector<16xi32>
      %xor3A_448 = arith.xori %mul3A_444, %shift_right_logical3A_447 : vector<16xi32>
      %jit3A_449 = arith.constant 100000 : i32
      %div3A_450 = vector.broadcast %jit3A_449 : i32 to vector<16xi32>
      %div3A_451 = arith.divui %xor3A_448, %div3A_450 : vector<16xi32>
      %mul3A_452 = arith.constant 100000 : i32
      %mul3A_453 = vector.broadcast %mul3A_452 : i32 to vector<16xi32>
      %mul3A_454 = arith.muli %div3A_451, %mul3A_453 : vector<16xi32>
      %sub3A_455 = arith.subi %xor3A_448, %mul3A_454 : vector<16xi32>
      %swap3A_456 = arith.constant 1 : i32
      %swap3A_457 = arith.index_cast %swap3A_456 : i32 to index
      %swap3A_458 = arith.index_cast %scan3A_264 : i32 to index
      %swap3A_459 = arith.constant 64 : index
      %swap3A_460 = tpu.vector_load %arg5[%swap3A_457, %swap3A_458, %swap3A_459] {strides = array<i32>} : memref<2x200x128xi32, #tpu.memory_space<vmem>>, vector<1x1x16xi32>,
      %swap3A_461 = vector.shape_cast %swap3A_460 : vector<1x1x16xi32> to vector<16xi32>
      %swap3A_462 = vector.shape_cast %sub3A_455 : vector<16xi32> to vector<1x1x16xi32>
      tpu.vector_store %arg5[%swap3A_457, %swap3A_458, %swap3A_459], %swap3A_462 {strides = array<i32>} : memref<2x200x128xi32, #tpu.memory_space<vmem>>, vector<1x1x16xi32>,
      %get3A_463 = arith.constant 1 : i32
      %get3A_464 = arith.index_cast %get3A_463 : i32 to index
      %get3A_465 = arith.index_cast %scan3A_264 : i32 to index
      %get3A_466 = arith.constant 80 : index
      %get3A_467 = tpu.vector_load %arg4[%get3A_464, %get3A_465, %get3A_466] {strides = array<i32>} : memref<2x200x128xi32, #tpu.memory_space<vmem>>, vector<1x1x16xi32>,
      %get3A_468 = vector.shape_cast %get3A_467 : vector<1x1x16xi32> to vector<16xi32>
      %add3A_469 = arith.constant -182847398 : i32
      %add3A_470 = vector.broadcast %add3A_469 : i32 to vector<16xi32>
      %add3A_471 = arith.addi %get3A_468, %add3A_470 : vector<16xi32>
      %shift_right_logical3A_472 = arith.constant 16 : i32
      %shift_right_logical3A_473 = vector.broadcast %shift_right_logical3A_472 : i32 to vector<16xi32>
      %shift_right_logical3A_474 = arith.shrui %add3A_471, %shift_right_logical3A_473 : vector<16xi32>
      %xor3A_475 = arith.xori %add3A_471, %shift_right_logical3A_474 : vector<16xi32>
      %mul3A_476 = arith.constant -2048144789 : i32
      %mul3A_477 = vector.broadcast %mul3A_476 : i32 to vector<16xi32>
      %mul3A_478 = arith.muli %xor3A_475, %mul3A_477 : vector<16xi32>
      %shift_right_logical3A_479 = arith.constant 13 : i32
      %shift_right_logical3A_480 = vector.broadcast %shift_right_logical3A_479 : i32 to vector<16xi32>
      %shift_right_logical3A_481 = arith.shrui %mul3A_478, %shift_right_logical3A_480 : vector<16xi32>
      %xor3A_482 = arith.xori %mul3A_478, %shift_right_logical3A_481 : vector<16xi32>
      %mul3A_483 = arith.constant -1028477387 : i32
      %mul3A_484 = vector.broadcast %mul3A_483 : i32 to vector<16xi32>
      %mul3A_485 = arith.muli %xor3A_482, %mul3A_484 : vector<16xi32>
      %shift_right_logical3A_486 = arith.constant 16 : i32
      %shift_right_logical3A_487 = vector.broadcast %shift_right_logical3A_486 : i32 to vector<16xi32>
      %shift_right_logical3A_488 = arith.shrui %mul3A_485, %shift_right_logical3A_487 : vector<16xi32>
      %xor3A_489 = arith.xori %mul3A_485, %shift_right_logical3A_488 : vector<16xi32>
      %jit3A_490 = arith.constant 100000 : i32
      %div3A_491 = vector.broadcast %jit3A_490 : i32 to vector<16xi32>
      %div3A_492 = arith.divui %xor3A_489, %div3A_491 : vector<16xi32>
      %mul3A_493 = arith.constant 100000 : i32
      %mul3A_494 = vector.broadcast %mul3A_493 : i32 to vector<16xi32>
      %mul3A_495 = arith.muli %div3A_492, %mul3A_494 : vector<16xi32>
      %sub3A_496 = arith.subi %xor3A_489, %mul3A_495 : vector<16xi32>
      %swap3A_497 = arith.constant 1 : i32
      %swap3A_498 = arith.index_cast %swap3A_497 : i32 to index
      %swap3A_499 = arith.index_cast %scan3A_264 : i32 to index
      %swap3A_500 = arith.constant 80 : index
      %swap3A_501 = tpu.vector_load %arg5[%swap3A_498, %swap3A_499, %swap3A_500] {strides = array<i32>} : memref<2x200x128xi32, #tpu.memory_space<vmem>>, vector<1x1x16xi32>,
      %swap3A_502 = vector.shape_cast %swap3A_501 : vector<1x1x16xi32> to vector<16xi32>
      %swap3A_503 = vector.shape_cast %sub3A_496 : vector<16xi32> to vector<1x1x16xi32>
      tpu.vector_store %arg5[%swap3A_498, %swap3A_499, %swap3A_500], %swap3A_503 {strides = array<i32>} : memref<2x200x128xi32, #tpu.memory_space<vmem>>, vector<1x1x16xi32>,
      %get3A_504 = arith.constant 1 : i32
      %get3A_505 = arith.index_cast %get3A_504 : i32 to index
      %get3A_506 = arith.index_cast %scan3A_264 : i32 to index
      %get3A_507 = arith.constant 96 : index
      %get3A_508 = tpu.vector_load %arg4[%get3A_505, %get3A_506, %get3A_507] {strides = array<i32>} : memref<2x200x128xi32, #tpu.memory_space<vmem>>, vector<1x1x16xi32>,
      %get3A_509 = vector.shape_cast %get3A_508 : vector<1x1x16xi32> to vector<16xi32>
      %add3A_510 = arith.constant -182847398 : i32
      %add3A_511 = vector.broadcast %add3A_510 : i32 to vector<16xi32>
      %add3A_512 = arith.addi %get3A_509, %add3A_511 : vector<16xi32>
      %shift_right_logical3A_513 = arith.constant 16 : i32
      %shift_right_logical3A_514 = vector.broadcast %shift_right_logical3A_513 : i32 to vector<16xi32>
      %shift_right_logical3A_515 = arith.shrui %add3A_512, %shift_right_logical3A_514 : vector<16xi32>
      %xor3A_516 = arith.xori %add3A_512, %shift_right_logical3A_515 : vector<16xi32>
      %mul3A_517 = arith.constant -2048144789 : i32
      %mul3A_518 = vector.broadcast %mul3A_517 : i32 to vector<16xi32>
      %mul3A_519 = arith.muli %xor3A_516, %mul3A_518 : vector<16xi32>
      %shift_right_logical3A_520 = arith.constant 13 : i32
      %shift_right_logical3A_521 = vector.broadcast %shift_right_logical3A_520 : i32 to vector<16xi32>
      %shift_right_logical3A_522 = arith.shrui %mul3A_519, %shift_right_logical3A_521 : vector<16xi32>
      %xor3A_523 = arith.xori %mul3A_519, %shift_right_logical3A_522 : vector<16xi32>
      %mul3A_524 = arith.constant -1028477387 : i32
      %mul3A_525 = vector.broadcast %mul3A_524 : i32 to vector<16xi32>
      %mul3A_526 = arith.muli %xor3A_523, %mul3A_525 : vector<16xi32>
      %shift_right_logical3A_527 = arith.constant 16 : i32
      %shift_right_logical3A_528 = vector.broadcast %shift_right_logical3A_527 : i32 to vector<16xi32>
      %shift_right_logical3A_529 = arith.shrui %mul3A_526, %shift_right_logical3A_528 : vector<16xi32>
      %xor3A_530 = arith.xori %mul3A_526, %shift_right_logical3A_529 : vector<16xi32>
      %jit3A_531 = arith.constant 100000 : i32
      %div3A_532 = vector.broadcast %jit3A_531 : i32 to vector<16xi32>
      %div3A_533 = arith.divui %xor3A_530, %div3A_532 : vector<16xi32>
      %mul3A_534 = arith.constant 100000 : i32
      %mul3A_535 = vector.broadcast %mul3A_534 : i32 to vector<16xi32>
      %mul3A_536 = arith.muli %div3A_533, %mul3A_535 : vector<16xi32>
      %sub3A_537 = arith.subi %xor3A_530, %mul3A_536 : vector<16xi32>
      %swap3A_538 = arith.constant 1 : i32
      %swap3A_539 = arith.index_cast %swap3A_538 : i32 to index
      %swap3A_540 = arith.index_cast %scan3A_264 : i32 to index
      %swap3A_541 = arith.constant 96 : index
      %swap3A_542 = tpu.vector_load %arg5[%swap3A_539, %swap3A_540, %swap3A_541] {strides = array<i32>} : memref<2x200x128xi32, #tpu.memory_space<vmem>>, vector<1x1x16xi32>,
      %swap3A_543 = vector.shape_cast %swap3A_542 : vector<1x1x16xi32> to vector<16xi32>
      %swap3A_544 = vector.shape_cast %sub3A_537 : vector<16xi32> to vector<1x1x16xi32>
      tpu.vector_store %arg5[%swap3A_539, %swap3A_540, %swap3A_541], %swap3A_544 {strides = array<i32>} : memref<2x200x128xi32, #tpu.memory_space<vmem>>, vector<1x1x16xi32>,
      %get3A_545 = arith.constant 1 : i32
      %get3A_546 = arith.index_cast %get3A_545 : i32 to index
      %get3A_547 = arith.index_cast %scan3A_264 : i32 to index
      %get3A_548 = arith.constant 112 : index
      %get3A_549 = tpu.vector_load %arg4[%get3A_546, %get3A_547, %get3A_548] {strides = array<i32>} : memref<2x200x128xi32, #tpu.memory_space<vmem>>, vector<1x1x16xi32>,
      %get3A_550 = vector.shape_cast %get3A_549 : vector<1x1x16xi32> to vector<16xi32>
      %add3A_551 = arith.constant -182847398 : i32
      %add3A_552 = vector.broadcast %add3A_551 : i32 to vector<16xi32>
      %add3A_553 = arith.addi %get3A_550, %add3A_552 : vector<16xi32>
      %shift_right_logical3A_554 = arith.constant 16 : i32
      %shift_right_logical3A_555 = vector.broadcast %shift_right_logical3A_554 : i32 to vector<16xi32>
      %shift_right_logical3A_556 = arith.shrui %add3A_553, %shift_right_logical3A_555 : vector<16xi32>
      %xor3A_557 = arith.xori %add3A_553, %shift_right_logical3A_556 : vector<16xi32>
      %mul3A_558 = arith.constant -2048144789 : i32
      %mul3A_559 = vector.broadcast %mul3A_558 : i32 to vector<16xi32>
      %mul3A_560 = arith.muli %xor3A_557, %mul3A_559 : vector<16xi32>
      %shift_right_logical3A_561 = arith.constant 13 : i32
      %shift_right_logical3A_562 = vector.broadcast %shift_right_logical3A_561 : i32 to vector<16xi32>
      %shift_right_logical3A_563 = arith.shrui %mul3A_560, %shift_right_logical3A_562 : vector<16xi32>
      %xor3A_564 = arith.xori %mul3A_560, %shift_right_logical3A_563 : vector<16xi32>
      %mul3A_565 = arith.constant -1028477387 : i32
      %mul3A_566 = vector.broadcast %mul3A_565 : i32 to vector<16xi32>
      %mul3A_567 = arith.muli %xor3A_564, %mul3A_566 : vector<16xi32>
      %shift_right_logical3A_568 = arith.constant 16 : i32
      %shift_right_logical3A_569 = vector.broadcast %shift_right_logical3A_568 : i32 to vector<16xi32>
      %shift_right_logical3A_570 = arith.shrui %mul3A_567, %shift_right_logical3A_569 : vector<16xi32>
      %xor3A_571 = arith.xori %mul3A_567, %shift_right_logical3A_570 : vector<16xi32>
      %jit3A_572 = arith.constant 100000 : i32
      %div3A_573 = vector.broadcast %jit3A_572 : i32 to vector<16xi32>
      %div3A_574 = arith.divui %xor3A_571, %div3A_573 : vector<16xi32>
      %mul3A_575 = arith.constant 100000 : i32
      %mul3A_576 = vector.broadcast %mul3A_575 : i32 to vector<16xi32>
      %mul3A_577 = arith.muli %div3A_574, %mul3A_576 : vector<16xi32>
      %sub3A_578 = arith.subi %xor3A_571, %mul3A_577 : vector<16xi32>
      %swap3A_579 = arith.constant 1 : i32
      %swap3A_580 = arith.index_cast %swap3A_579 : i32 to index
      %swap3A_581 = arith.index_cast %scan3A_264 : i32 to index
      %swap3A_582 = arith.constant 112 : index
      %swap3A_583 = tpu.vector_load %arg5[%swap3A_580, %swap3A_581, %swap3A_582] {strides = array<i32>} : memref<2x200x128xi32, #tpu.memory_space<vmem>>, vector<1x1x16xi32>,
      %swap3A_584 = vector.shape_cast %swap3A_583 : vector<1x1x16xi32> to vector<16xi32>
      %swap3A_585 = vector.shape_cast %sub3A_578 : vector<16xi32> to vector<1x1x16xi32>
      tpu.vector_store %arg5[%swap3A_580, %swap3A_581, %swap3A_582], %swap3A_585 {strides = array<i32>} : memref<2x200x128xi32, #tpu.memory_space<vmem>>, vector<1x1x16xi32>,
    }
    %scan3A_101 = arith.constant 200 : i32
    %add3A_102 = arith.constant 128 : i32
    %add3A_103 = arith.addi %mul3A_2, %add3A_102 : i32
    %dma_start3A_104 = arith.constant 1 : i32
    %dma_start3A_105 = arith.constant 0 : i32
    %dma_start3A_106 = arith.constant 0 : i32
    %dma_start3A_107 = tpu.memref_slice %arg5[%dma_start3A_104, %dma_start3A_105, %dma_start3A_106] : memref<2x200x128xi32, #tpu.memory_space<vmem>> -> memref<1x200x128xi32, #tpu.memory_space<vmem>>
    %dma_start3A_108 = tpu.memref_squeeze %dma_start3A_107 : memref<1x200x128xi32, #tpu.memory_space<vmem>> -> memref<200x128xi32, #tpu.memory_space<vmem>>
    %dma_start3A_109 = arith.constant 0 : i32
    %dma_start3A_110 = tpu.memref_slice %arg3[%dma_start3A_109, %add3A_103] : memref<200x16384xi32, #tpu.memory_space<hbm>> -> memref<200x128xi32, #tpu.memory_space<hbm>>
    %dma_start3A_111 = arith.constant 0 : i32
    %dma_start3A_112 = tpu.memref_slice %arg3[%dma_start3A_111, %add3A_103] : memref<200x16384xi32, #tpu.memory_space<hbm>> -> memref<200x128xi32, #tpu.memory_space<hbm>>
    %dma_start3A_113 = arith.constant 0 : i32
    %dma_start3A_114 = arith.constant 0 : i32
    %dma_start3A_115 = tpu.memref_slice %arg5[%dma_start3A_104, %dma_start3A_113, %dma_start3A_114] : memref<2x200x128xi32, #tpu.memory_space<vmem>> -> memref<1x200x128xi32, #tpu.memory_space<vmem>>
    %dma_start3A_116 = tpu.memref_squeeze %dma_start3A_115 : memref<1x200x128xi32, #tpu.memory_space<vmem>> -> memref<200x128xi32, #tpu.memory_space<vmem>>
    tpu.enqueue_dma source(%dma_start3A_116 : memref<200x128xi32, #tpu.memory_space<vmem>>) target(%dma_start3A_112 : memref<200x128xi32, #tpu.memory_space<hbm>>) target_semaphore(%arg9 : memref<!tpu.dma_semaphore, #tpu.memory_space<semaphore_mem>>)
    %add3A_117 = arith.constant 256 : i32
    %add3A_118 = arith.addi %mul3A_2, %add3A_117 : i32
    %dma_wait3A_119 = arith.constant 0 : i32
    %dma_wait3A_120 = arith.constant 0 : i32
    %dma_wait3A_121 = arith.constant 0 : i32
    %dma_wait3A_122 = tpu.memref_slice %arg4[%dma_wait3A_119, %dma_wait3A_120, %dma_wait3A_121] : memref<2x200x128xi32, #tpu.memory_space<vmem>> -> memref<1x200x128xi32, #tpu.memory_space<vmem>>
    %dma_wait3A_123 = tpu.memref_squeeze %dma_wait3A_122 : memref<1x200x128xi32, #tpu.memory_space<vmem>> -> memref<200x128xi32, #tpu.memory_space<vmem>>
    %dma_wait3A_124 = arith.constant 0 : i32
    %dma_wait3A_125 = tpu.memref_slice %arg2[%dma_wait3A_124, %add3A_118] : memref<200x16384xi32, #tpu.memory_space<hbm>> -> memref<200x128xi32, #tpu.memory_space<hbm>>
    %dma_wait3A_126 = arith.constant 0 : i32
    %dma_wait3A_127 = arith.constant 0 : i32
    %dma_wait3A_128 = tpu.memref_slice %arg4[%dma_wait3A_119, %dma_wait3A_126, %dma_wait3A_127] : memref<2x200x128xi32, #tpu.memory_space<vmem>> -> memref<1x200x128xi32, #tpu.memory_space<vmem>>
    %dma_wait3A_129 = tpu.memref_squeeze %dma_wait3A_128 : memref<1x200x128xi32, #tpu.memory_space<vmem>> -> memref<200x128xi32, #tpu.memory_space<vmem>>
    %dma_wait3A_130 = arith.constant 0 : i32
    %dma_wait3A_131 = tpu.memref_slice %arg2[%dma_wait3A_130, %add3A_118] : memref<200x16384xi32, #tpu.memory_space<hbm>> -> memref<200x128xi32, #tpu.memory_space<hbm>>
    tpu.wait_dma2 semaphore(%arg6 : memref<!tpu.dma_semaphore, #tpu.memory_space<semaphore_mem>>) src(%dma_wait3A_131 : memref<200x128xi32, #tpu.memory_space<hbm>>) dst(%dma_wait3A_129 : memref<200x128xi32, #tpu.memory_space<vmem>>)
    %add3A_132 = arith.constant 384 : i32
    %add3A_133 = arith.addi %mul3A_2, %add3A_132 : i32
    %dma_start3A_134 = arith.constant 1 : i32
    %dma_start3A_135 = arith.constant 0 : i32
    %dma_start3A_136 = arith.constant 0 : i32
    %dma_start3A_137 = tpu.memref_slice %arg4[%dma_start3A_134, %dma_start3A_135, %dma_start3A_136] : memref<2x200x128xi32, #tpu.memory_space<vmem>> -> memref<1x200x128xi32, #tpu.memory_space<vmem>>
    %dma_start3A_138 = tpu.memref_squeeze %dma_start3A_137 : memref<1x200x128xi32, #tpu.memory_space<vmem>> -> memref<200x128xi32, #tpu.memory_space<vmem>>
    %dma_start3A_139 = arith.constant 0 : i32
    %dma_start3A_140 = tpu.memref_slice %arg2[%dma_start3A_139, %add3A_133] : memref<200x16384xi32, #tpu.memory_space<hbm>> -> memref<200x128xi32, #tpu.memory_space<hbm>>
    %dma_start3A_141 = arith.constant 0 : i32
    %dma_start3A_142 = arith.constant 0 : i32
    %dma_start3A_143 = tpu.memref_slice %arg4[%dma_start3A_134, %dma_start3A_141, %dma_start3A_142] : memref<2x200x128xi32, #tpu.memory_space<vmem>> -> memref<1x200x128xi32, #tpu.memory_space<vmem>>
    %dma_start3A_144 = tpu.memref_squeeze %dma_start3A_143 : memref<1x200x128xi32, #tpu.memory_space<vmem>> -> memref<200x128xi32, #tpu.memory_space<vmem>>
    %dma_start3A_145 = arith.constant 0 : i32
    %dma_start3A_146 = tpu.memref_slice %arg2[%dma_start3A_145, %add3A_133] : memref<200x16384xi32, #tpu.memory_space<hbm>> -> memref<200x128xi32, #tpu.memory_space<hbm>>
    tpu.enqueue_dma source(%dma_start3A_146 : memref<200x128xi32, #tpu.memory_space<hbm>>) target(%dma_start3A_144 : memref<200x128xi32, #tpu.memory_space<vmem>>) target_semaphore(%arg7 : memref<!tpu.dma_semaphore, #tpu.memory_space<semaphore_mem>>)
    %add3A_147 = arith.constant 0 : i32
    %add3A_148 = arith.addi %mul3A_2, %add3A_147 : i32
    %dma_wait3A_149 = arith.constant 0 : i32
    %dma_wait3A_150 = arith.constant 0 : i32
    %dma_wait3A_151 = arith.constant 0 : i32
    %dma_wait3A_152 = tpu.memref_slice %arg5[%dma_wait3A_149, %dma_wait3A_150, %dma_wait3A_151] : memref<2x200x128xi32, #tpu.memory_space<vmem>> -> memref<1x200x128xi32, #tpu.memory_space<vmem>>
    %dma_wait3A_153 = tpu.memref_squeeze %dma_wait3A_152 : memref<1x200x128xi32, #tpu.memory_space<vmem>> -> memref<200x128xi32, #tpu.memory_space<vmem>>
    %dma_wait3A_154 = arith.constant 0 : i32
    %dma_wait3A_155 = tpu.memref_slice %arg3[%dma_wait3A_154, %add3A_148] : memref<200x16384xi32, #tpu.memory_space<hbm>> -> memref<200x128xi32, #tpu.memory_space<hbm>>
    %dma_wait3A_156 = arith.constant 0 : i32
    %dma_wait3A_157 = tpu.memref_slice %arg3[%dma_wait3A_156, %add3A_148] : memref<200x16384xi32, #tpu.memory_space<hbm>> -> memref<200x128xi32, #tpu.memory_space<hbm>>
    %dma_wait3A_158 = arith.constant 0 : i32
    %dma_wait3A_159 = arith.constant 0 : i32
    %dma_wait3A_160 = tpu.memref_slice %arg5[%dma_wait3A_149, %dma_wait3A_158, %dma_wait3A_159] : memref<2x200x128xi32, #tpu.memory_space<vmem>> -> memref<1x200x128xi32, #tpu.memory_space<vmem>>
    %dma_wait3A_161 = tpu.memref_squeeze %dma_wait3A_160 : memref<1x200x128xi32, #tpu.memory_space<vmem>> -> memref<200x128xi32, #tpu.memory_space<vmem>>
    tpu.wait_dma2 semaphore(%arg8 : memref<!tpu.dma_semaphore, #tpu.memory_space<semaphore_mem>>) src(%dma_wait3A_161 : memref<200x128xi32, #tpu.memory_space<vmem>>) dst(%dma_wait3A_157 : memref<200x128xi32, #tpu.memory_space<hbm>>)
    %scan3A_162 = arith.constant 0 : i32
    %scan3A_163 = arith.constant 0 : i32
    %scan3A_164 = arith.constant 200 : i32
    %scan3A_165 = arith.addi %scan3A_163, %scan3A_164 : i32
    %scan3A_166 = arith.constant 1 : i32
    scf.for %scan3A_264 = %scan3A_163 to %scan3A_165 step %scan3A_166  : i32 {
      %get3A = arith.constant 0 : i32
      %get3A_265 = arith.index_cast %get3A : i32 to index
      %get3A_266 = arith.index_cast %scan3A_264 : i32 to index
      %get3A_267 = arith.constant 0 : index
      %get3A_268 = tpu.vector_load %arg4[%get3A_265, %get3A_266, %get3A_267] {strides = array<i32>} : memref<2x200x128xi32, #tpu.memory_space<vmem>>, vector<1x1x16xi32>,
      %get3A_269 = vector.shape_cast %get3A_268 : vector<1x1x16xi32> to vector<16xi32>
      %add3A_270 = arith.constant -182847398 : i32
      %add3A_271 = vector.broadcast %add3A_270 : i32 to vector<16xi32>
      %add3A_272 = arith.addi %get3A_269, %add3A_271 : vector<16xi32>
      %shift_right_logical3A = arith.constant 16 : i32
      %shift_right_logical3A_273 = vector.broadcast %shift_right_logical3A : i32 to vector<16xi32>
      %shift_right_logical3A_274 = arith.shrui %add3A_272, %shift_right_logical3A_273 : vector<16xi32>
      %xor3A = arith.xori %add3A_272, %shift_right_logical3A_274 : vector<16xi32>
      %mul3A_275 = arith.constant -2048144789 : i32
      %mul3A_276 = vector.broadcast %mul3A_275 : i32 to vector<16xi32>
      %mul3A_277 = arith.muli %xor3A, %mul3A_276 : vector<16xi32>
      %shift_right_logical3A_278 = arith.constant 13 : i32
      %shift_right_logical3A_279 = vector.broadcast %shift_right_logical3A_278 : i32 to vector<16xi32>
      %shift_right_logical3A_280 = arith.shrui %mul3A_277, %shift_right_logical3A_279 : vector<16xi32>
      %xor3A_281 = arith.xori %mul3A_277, %shift_right_logical3A_280 : vector<16xi32>
      %mul3A_282 = arith.constant -1028477387 : i32
      %mul3A_283 = vector.broadcast %mul3A_282 : i32 to vector<16xi32>
      %mul3A_284 = arith.muli %xor3A_281, %mul3A_283 : vector<16xi32>
      %shift_right_logical3A_285 = arith.constant 16 : i32
      %shift_right_logical3A_286 = vector.broadcast %shift_right_logical3A_285 : i32 to vector<16xi32>
      %shift_right_logical3A_287 = arith.shrui %mul3A_284, %shift_right_logical3A_286 : vector<16xi32>
      %xor3A_288 = arith.xori %mul3A_284, %shift_right_logical3A_287 : vector<16xi32>
      %jit3A = arith.constant 100000 : i32
      %div3A = vector.broadcast %jit3A : i32 to vector<16xi32>
      %div3A_289 = arith.divui %xor3A_288, %div3A : vector<16xi32>
      %mul3A_290 = arith.constant 100000 : i32
      %mul3A_291 = vector.broadcast %mul3A_290 : i32 to vector<16xi32>
      %mul3A_292 = arith.muli %div3A_289, %mul3A_291 : vector<16xi32>
      %sub3A = arith.subi %xor3A_288, %mul3A_292 : vector<16xi32>
      %swap3A = arith.constant 0 : i32
      %swap3A_293 = arith.index_cast %swap3A : i32 to index
      %swap3A_294 = arith.index_cast %scan3A_264 : i32 to index
      %swap3A_295 = arith.constant 0 : index
      %swap3A_296 = tpu.vector_load %arg5[%swap3A_293, %swap3A_294, %swap3A_295] {strides = array<i32>} : memref<2x200x128xi32, #tpu.memory_space<vmem>>, vector<1x1x16xi32>,
      %swap3A_297 = vector.shape_cast %swap3A_296 : vector<1x1x16xi32> to vector<16xi32>
      %swap3A_298 = vector.shape_cast %sub3A : vector<16xi32> to vector<1x1x16xi32>
      tpu.vector_store %arg5[%swap3A_293, %swap3A_294, %swap3A_295], %swap3A_298 {strides = array<i32>} : memref<2x200x128xi32, #tpu.memory_space<vmem>>, vector<1x1x16xi32>,
      %get3A_299 = arith.constant 0 : i32
      %get3A_300 = arith.index_cast %get3A_299 : i32 to index
      %get3A_301 = arith.index_cast %scan3A_264 : i32 to index
      %get3A_302 = arith.constant 16 : index
      %get3A_303 = tpu.vector_load %arg4[%get3A_300, %get3A_301, %get3A_302] {strides = array<i32>} : memref<2x200x128xi32, #tpu.memory_space<vmem>>, vector<1x1x16xi32>,
      %get3A_304 = vector.shape_cast %get3A_303 : vector<1x1x16xi32> to vector<16xi32>
      %add3A_305 = arith.constant -182847398 : i32
      %add3A_306 = vector.broadcast %add3A_305 : i32 to vector<16xi32>
      %add3A_307 = arith.addi %get3A_304, %add3A_306 : vector<16xi32>
      %shift_right_logical3A_308 = arith.constant 16 : i32
      %shift_right_logical3A_309 = vector.broadcast %shift_right_logical3A_308 : i32 to vector<16xi32>
      %shift_right_logical3A_310 = arith.shrui %add3A_307, %shift_right_logical3A_309 : vector<16xi32>
      %xor3A_311 = arith.xori %add3A_307, %shift_right_logical3A_310 : vector<16xi32>
      %mul3A_312 = arith.constant -2048144789 : i32
      %mul3A_313 = vector.broadcast %mul3A_312 : i32 to vector<16xi32>
      %mul3A_314 = arith.muli %xor3A_311, %mul3A_313 : vector<16xi32>
      %shift_right_logical3A_315 = arith.constant 13 : i32
      %shift_right_logical3A_316 = vector.broadcast %shift_right_logical3A_315 : i32 to vector<16xi32>
      %shift_right_logical3A_317 = arith.shrui %mul3A_314, %shift_right_logical3A_316 : vector<16xi32>
      %xor3A_318 = arith.xori %mul3A_314, %shift_right_logical3A_317 : vector<16xi32>
      %mul3A_319 = arith.constant -1028477387 : i32
      %mul3A_320 = vector.broadcast %mul3A_319 : i32 to vector<16xi32>
      %mul3A_321 = arith.muli %xor3A_318, %mul3A_320 : vector<16xi32>
      %shift_right_logical3A_322 = arith.constant 16 : i32
      %shift_right_logical3A_323 = vector.broadcast %shift_right_logical3A_322 : i32 to vector<16xi32>
      %shift_right_logical3A_324 = arith.shrui %mul3A_321, %shift_right_logical3A_323 : vector<16xi32>
      %xor3A_325 = arith.xori %mul3A_321, %shift_right_logical3A_324 : vector<16xi32>
      %jit3A_326 = arith.constant 100000 : i32
      %div3A_327 = vector.broadcast %jit3A_326 : i32 to vector<16xi32>
      %div3A_328 = arith.divui %xor3A_325, %div3A_327 : vector<16xi32>
      %mul3A_329 = arith.constant 100000 : i32
      %mul3A_330 = vector.broadcast %mul3A_329 : i32 to vector<16xi32>
      %mul3A_331 = arith.muli %div3A_328, %mul3A_330 : vector<16xi32>
      %sub3A_332 = arith.subi %xor3A_325, %mul3A_331 : vector<16xi32>
      %swap3A_333 = arith.constant 0 : i32
      %swap3A_334 = arith.index_cast %swap3A_333 : i32 to index
      %swap3A_335 = arith.index_cast %scan3A_264 : i32 to index
      %swap3A_336 = arith.constant 16 : index
      %swap3A_337 = tpu.vector_load %arg5[%swap3A_334, %swap3A_335, %swap3A_336] {strides = array<i32>} : memref<2x200x128xi32, #tpu.memory_space<vmem>>, vector<1x1x16xi32>,
      %swap3A_338 = vector.shape_cast %swap3A_337 : vector<1x1x16xi32> to vector<16xi32>
      %swap3A_339 = vector.shape_cast %sub3A_332 : vector<16xi32> to vector<1x1x16xi32>
      tpu.vector_store %arg5[%swap3A_334, %swap3A_335, %swap3A_336], %swap3A_339 {strides = array<i32>} : memref<2x200x128xi32, #tpu.memory_space<vmem>>, vector<1x1x16xi32>,
      %get3A_340 = arith.constant 0 : i32
      %get3A_341 = arith.index_cast %get3A_340 : i32 to index
      %get3A_342 = arith.index_cast %scan3A_264 : i32 to index
      %get3A_343 = arith.constant 32 : index
      %get3A_344 = tpu.vector_load %arg4[%get3A_341, %get3A_342, %get3A_343] {strides = array<i32>} : memref<2x200x128xi32, #tpu.memory_space<vmem>>, vector<1x1x16xi32>,
      %get3A_345 = vector.shape_cast %get3A_344 : vector<1x1x16xi32> to vector<16xi32>
      %add3A_346 = arith.constant -182847398 : i32
      %add3A_347 = vector.broadcast %add3A_346 : i32 to vector<16xi32>
      %add3A_348 = arith.addi %get3A_345, %add3A_347 : vector<16xi32>
      %shift_right_logical3A_349 = arith.constant 16 : i32
      %shift_right_logical3A_350 = vector.broadcast %shift_right_logical3A_349 : i32 to vector<16xi32>
      %shift_right_logical3A_351 = arith.shrui %add3A_348, %shift_right_logical3A_350 : vector<16xi32>
      %xor3A_352 = arith.xori %add3A_348, %shift_right_logical3A_351 : vector<16xi32>
      %mul3A_353 = arith.constant -2048144789 : i32
      %mul3A_354 = vector.broadcast %mul3A_353 : i32 to vector<16xi32>
      %mul3A_355 = arith.muli %xor3A_352, %mul3A_354 : vector<16xi32>
      %shift_right_logical3A_356 = arith.constant 13 : i32
      %shift_right_logical3A_357 = vector.broadcast %shift_right_logical3A_356 : i32 to vector<16xi32>
      %shift_right_logical3A_358 = arith.shrui %mul3A_355, %shift_right_logical3A_357 : vector<16xi32>
      %xor3A_359 = arith.xori %mul3A_355, %shift_right_logical3A_358 : vector<16xi32>
      %mul3A_360 = arith.constant -1028477387 : i32
      %mul3A_361 = vector.broadcast %mul3A_360 : i32 to vector<16xi32>
      %mul3A_362 = arith.muli %xor3A_359, %mul3A_361 : vector<16xi32>
      %shift_right_logical3A_363 = arith.constant 16 : i32
      %shift_right_logical3A_364 = vector.broadcast %shift_right_logical3A_363 : i32 to vector<16xi32>
      %shift_right_logical3A_365 = arith.shrui %mul3A_362, %shift_right_logical3A_364 : vector<16xi32>
      %xor3A_366 = arith.xori %mul3A_362, %shift_right_logical3A_365 : vector<16xi32>
      %jit3A_367 = arith.constant 100000 : i32
      %div3A_368 = vector.broadcast %jit3A_367 : i32 to vector<16xi32>
      %div3A_369 = arith.divui %xor3A_366, %div3A_368 : vector<16xi32>
      %mul3A_370 = arith.constant 100000 : i32
      %mul3A_371 = vector.broadcast %mul3A_370 : i32 to vector<16xi32>
      %mul3A_372 = arith.muli %div3A_369, %mul3A_371 : vector<16xi32>
      %sub3A_373 = arith.subi %xor3A_366, %mul3A_372 : vector<16xi32>
      %swap3A_374 = arith.constant 0 : i32
      %swap3A_375 = arith.index_cast %swap3A_374 : i32 to index
      %swap3A_376 = arith.index_cast %scan3A_264 : i32 to index
      %swap3A_377 = arith.constant 32 : index
      %swap3A_378 = tpu.vector_load %arg5[%swap3A_375, %swap3A_376, %swap3A_377] {strides = array<i32>} : memref<2x200x128xi32, #tpu.memory_space<vmem>>, vector<1x1x16xi32>,
      %swap3A_379 = vector.shape_cast %swap3A_378 : vector<1x1x16xi32> to vector<16xi32>
      %swap3A_380 = vector.shape_cast %sub3A_373 : vector<16xi32> to vector<1x1x16xi32>
      tpu.vector_store %arg5[%swap3A_375, %swap3A_376, %swap3A_377], %swap3A_380 {strides = array<i32>} : memref<2x200x128xi32, #tpu.memory_space<vmem>>, vector<1x1x16xi32>,
      %get3A_381 = arith.constant 0 : i32
      %get3A_382 = arith.index_cast %get3A_381 : i32 to index
      %get3A_383 = arith.index_cast %scan3A_264 : i32 to index
      %get3A_384 = arith.constant 48 : index
      %get3A_385 = tpu.vector_load %arg4[%get3A_382, %get3A_383, %get3A_384] {strides = array<i32>} : memref<2x200x128xi32, #tpu.memory_space<vmem>>, vector<1x1x16xi32>,
      %get3A_386 = vector.shape_cast %get3A_385 : vector<1x1x16xi32> to vector<16xi32>
      %add3A_387 = arith.constant -182847398 : i32
      %add3A_388 = vector.broadcast %add3A_387 : i32 to vector<16xi32>
      %add3A_389 = arith.addi %get3A_386, %add3A_388 : vector<16xi32>
      %shift_right_logical3A_390 = arith.constant 16 : i32
      %shift_right_logical3A_391 = vector.broadcast %shift_right_logical3A_390 : i32 to vector<16xi32>
      %shift_right_logical3A_392 = arith.shrui %add3A_389, %shift_right_logical3A_391 : vector<16xi32>
      %xor3A_393 = arith.xori %add3A_389, %shift_right_logical3A_392 : vector<16xi32>
      %mul3A_394 = arith.constant -2048144789 : i32
      %mul3A_395 = vector.broadcast %mul3A_394 : i32 to vector<16xi32>
      %mul3A_396 = arith.muli %xor3A_393, %mul3A_395 : vector<16xi32>
      %shift_right_logical3A_397 = arith.constant 13 : i32
      %shift_right_logical3A_398 = vector.broadcast %shift_right_logical3A_397 : i32 to vector<16xi32>
      %shift_right_logical3A_399 = arith.shrui %mul3A_396, %shift_right_logical3A_398 : vector<16xi32>
      %xor3A_400 = arith.xori %mul3A_396, %shift_right_logical3A_399 : vector<16xi32>
      %mul3A_401 = arith.constant -1028477387 : i32
      %mul3A_402 = vector.broadcast %mul3A_401 : i32 to vector<16xi32>
      %mul3A_403 = arith.muli %xor3A_400, %mul3A_402 : vector<16xi32>
      %shift_right_logical3A_404 = arith.constant 16 : i32
      %shift_right_logical3A_405 = vector.broadcast %shift_right_logical3A_404 : i32 to vector<16xi32>
      %shift_right_logical3A_406 = arith.shrui %mul3A_403, %shift_right_logical3A_405 : vector<16xi32>
      %xor3A_407 = arith.xori %mul3A_403, %shift_right_logical3A_406 : vector<16xi32>
      %jit3A_408 = arith.constant 100000 : i32
      %div3A_409 = vector.broadcast %jit3A_408 : i32 to vector<16xi32>
      %div3A_410 = arith.divui %xor3A_407, %div3A_409 : vector<16xi32>
      %mul3A_411 = arith.constant 100000 : i32
      %mul3A_412 = vector.broadcast %mul3A_411 : i32 to vector<16xi32>
      %mul3A_413 = arith.muli %div3A_410, %mul3A_412 : vector<16xi32>
      %sub3A_414 = arith.subi %xor3A_407, %mul3A_413 : vector<16xi32>
      %swap3A_415 = arith.constant 0 : i32
      %swap3A_416 = arith.index_cast %swap3A_415 : i32 to index
      %swap3A_417 = arith.index_cast %scan3A_264 : i32 to index
      %swap3A_418 = arith.constant 48 : index
      %swap3A_419 = tpu.vector_load %arg5[%swap3A_416, %swap3A_417, %swap3A_418] {strides = array<i32>} : memref<2x200x128xi32, #tpu.memory_space<vmem>>, vector<1x1x16xi32>,
      %swap3A_420 = vector.shape_cast %swap3A_419 : vector<1x1x16xi32> to vector<16xi32>
      %swap3A_421 = vector.shape_cast %sub3A_414 : vector<16xi32> to vector<1x1x16xi32>
      tpu.vector_store %arg5[%swap3A_416, %swap3A_417, %swap3A_418], %swap3A_421 {strides = array<i32>} : memref<2x200x128xi32, #tpu.memory_space<vmem>>, vector<1x1x16xi32>,
      %get3A_422 = arith.constant 0 : i32
      %get3A_423 = arith.index_cast %get3A_422 : i32 to index
      %get3A_424 = arith.index_cast %scan3A_264 : i32 to index
      %get3A_425 = arith.constant 64 : index
      %get3A_426 = tpu.vector_load %arg4[%get3A_423, %get3A_424, %get3A_425] {strides = array<i32>} : memref<2x200x128xi32, #tpu.memory_space<vmem>>, vector<1x1x16xi32>,
      %get3A_427 = vector.shape_cast %get3A_426 : vector<1x1x16xi32> to vector<16xi32>
      %add3A_428 = arith.constant -182847398 : i32
      %add3A_429 = vector.broadcast %add3A_428 : i32 to vector<16xi32>
      %add3A_430 = arith.addi %get3A_427, %add3A_429 : vector<16xi32>
      %shift_right_logical3A_431 = arith.constant 16 : i32
      %shift_right_logical3A_432 = vector.broadcast %shift_right_logical3A_431 : i32 to vector<16xi32>
      %shift_right_logical3A_433 = arith.shrui %add3A_430, %shift_right_logical3A_432 : vector<16xi32>
      %xor3A_434 = arith.xori %add3A_430, %shift_right_logical3A_433 : vector<16xi32>
      %mul3A_435 = arith.constant -2048144789 : i32
      %mul3A_436 = vector.broadcast %mul3A_435 : i32 to vector<16xi32>
      %mul3A_437 = arith.muli %xor3A_434, %mul3A_436 : vector<16xi32>
      %shift_right_logical3A_438 = arith.constant 13 : i32
      %shift_right_logical3A_439 = vector.broadcast %shift_right_logical3A_438 : i32 to vector<16xi32>
      %shift_right_logical3A_440 = arith.shrui %mul3A_437, %shift_right_logical3A_439 : vector<16xi32>
      %xor3A_441 = arith.xori %mul3A_437, %shift_right_logical3A_440 : vector<16xi32>
      %mul3A_442 = arith.constant -1028477387 : i32
      %mul3A_443 = vector.broadcast %mul3A_442 : i32 to vector<16xi32>
      %mul3A_444 = arith.muli %xor3A_441, %mul3A_443 : vector<16xi32>
      %shift_right_logical3A_445 = arith.constant 16 : i32
      %shift_right_logical3A_446 = vector.broadcast %shift_right_logical3A_445 : i32 to vector<16xi32>
      %shift_right_logical3A_447 = arith.shrui %mul3A_444, %shift_right_logical3A_446 : vector<16xi32>
      %xor3A_448 = arith.xori %mul3A_444, %shift_right_logical3A_447 : vector<16xi32>
      %jit3A_449 = arith.constant 100000 : i32
      %div3A_450 = vector.broadcast %jit3A_449 : i32 to vector<16xi32>
      %div3A_451 = arith.divui %xor3A_448, %div3A_450 : vector<16xi32>
      %mul3A_452 = arith.constant 100000 : i32
      %mul3A_453 = vector.broadcast %mul3A_452 : i32 to vector<16xi32>
      %mul3A_454 = arith.muli %div3A_451, %mul3A_453 : vector<16xi32>
      %sub3A_455 = arith.subi %xor3A_448, %mul3A_454 : vector<16xi32>
      %swap3A_456 = arith.constant 0 : i32
      %swap3A_457 = arith.index_cast %swap3A_456 : i32 to index
      %swap3A_458 = arith.index_cast %scan3A_264 : i32 to index
      %swap3A_459 = arith.constant 64 : index
      %swap3A_460 = tpu.vector_load %arg5[%swap3A_457, %swap3A_458, %swap3A_459] {strides = array<i32>} : memref<2x200x128xi32, #tpu.memory_space<vmem>>, vector<1x1x16xi32>,
      %swap3A_461 = vector.shape_cast %swap3A_460 : vector<1x1x16xi32> to vector<16xi32>
      %swap3A_462 = vector.shape_cast %sub3A_455 : vector<16xi32> to vector<1x1x16xi32>
      tpu.vector_store %arg5[%swap3A_457, %swap3A_458, %swap3A_459], %swap3A_462 {strides = array<i32>} : memref<2x200x128xi32, #tpu.memory_space<vmem>>, vector<1x1x16xi32>,
      %get3A_463 = arith.constant 0 : i32
      %get3A_464 = arith.index_cast %get3A_463 : i32 to index
      %get3A_465 = arith.index_cast %scan3A_264 : i32 to index
      %get3A_466 = arith.constant 80 : index
      %get3A_467 = tpu.vector_load %arg4[%get3A_464, %get3A_465, %get3A_466] {strides = array<i32>} : memref<2x200x128xi32, #tpu.memory_space<vmem>>, vector<1x1x16xi32>,
      %get3A_468 = vector.shape_cast %get3A_467 : vector<1x1x16xi32> to vector<16xi32>
      %add3A_469 = arith.constant -182847398 : i32
      %add3A_470 = vector.broadcast %add3A_469 : i32 to vector<16xi32>
      %add3A_471 = arith.addi %get3A_468, %add3A_470 : vector<16xi32>
      %shift_right_logical3A_472 = arith.constant 16 : i32
      %shift_right_logical3A_473 = vector.broadcast %shift_right_logical3A_472 : i32 to vector<16xi32>
      %shift_right_logical3A_474 = arith.shrui %add3A_471, %shift_right_logical3A_473 : vector<16xi32>
      %xor3A_475 = arith.xori %add3A_471, %shift_right_logical3A_474 : vector<16xi32>
      %mul3A_476 = arith.constant -2048144789 : i32
      %mul3A_477 = vector.broadcast %mul3A_476 : i32 to vector<16xi32>
      %mul3A_478 = arith.muli %xor3A_475, %mul3A_477 : vector<16xi32>
      %shift_right_logical3A_479 = arith.constant 13 : i32
      %shift_right_logical3A_480 = vector.broadcast %shift_right_logical3A_479 : i32 to vector<16xi32>
      %shift_right_logical3A_481 = arith.shrui %mul3A_478, %shift_right_logical3A_480 : vector<16xi32>
      %xor3A_482 = arith.xori %mul3A_478, %shift_right_logical3A_481 : vector<16xi32>
      %mul3A_483 = arith.constant -1028477387 : i32
      %mul3A_484 = vector.broadcast %mul3A_483 : i32 to vector<16xi32>
      %mul3A_485 = arith.muli %xor3A_482, %mul3A_484 : vector<16xi32>
      %shift_right_logical3A_486 = arith.constant 16 : i32
      %shift_right_logical3A_487 = vector.broadcast %shift_right_logical3A_486 : i32 to vector<16xi32>
      %shift_right_logical3A_488 = arith.shrui %mul3A_485, %shift_right_logical3A_487 : vector<16xi32>
      %xor3A_489 = arith.xori %mul3A_485, %shift_right_logical3A_488 : vector<16xi32>
      %jit3A_490 = arith.constant 100000 : i32
      %div3A_491 = vector.broadcast %jit3A_490 : i32 to vector<16xi32>
      %div3A_492 = arith.divui %xor3A_489, %div3A_491 : vector<16xi32>
      %mul3A_493 = arith.constant 100000 : i32
      %mul3A_494 = vector.broadcast %mul3A_493 : i32 to vector<16xi32>
      %mul3A_495 = arith.muli %div3A_492, %mul3A_494 : vector<16xi32>
      %sub3A_496 = arith.subi %xor3A_489, %mul3A_495 : vector<16xi32>
      %swap3A_497 = arith.constant 0 : i32
      %swap3A_498 = arith.index_cast %swap3A_497 : i32 to index
      %swap3A_499 = arith.index_cast %scan3A_264 : i32 to index
      %swap3A_500 = arith.constant 80 : index
      %swap3A_501 = tpu.vector_load %arg5[%swap3A_498, %swap3A_499, %swap3A_500] {strides = array<i32>} : memref<2x200x128xi32, #tpu.memory_space<vmem>>, vector<1x1x16xi32>,
      %swap3A_502 = vector.shape_cast %swap3A_501 : vector<1x1x16xi32> to vector<16xi32>
      %swap3A_503 = vector.shape_cast %sub3A_496 : vector<16xi32> to vector<1x1x16xi32>
      tpu.vector_store %arg5[%swap3A_498, %swap3A_499, %swap3A_500], %swap3A_503 {strides = array<i32>} : memref<2x200x128xi32, #tpu.memory_space<vmem>>, vector<1x1x16xi32>,
      %get3A_504 = arith.constant 0 : i32
      %get3A_505 = arith.index_cast %get3A_504 : i32 to index
      %get3A_506 = arith.index_cast %scan3A_264 : i32 to index
      %get3A_507 = arith.constant 96 : index
      %get3A_508 = tpu.vector_load %arg4[%get3A_505, %get3A_506, %get3A_507] {strides = array<i32>} : memref<2x200x128xi32, #tpu.memory_space<vmem>>, vector<1x1x16xi32>,
      %get3A_509 = vector.shape_cast %get3A_508 : vector<1x1x16xi32> to vector<16xi32>
      %add3A_510 = arith.constant -182847398 : i32
      %add3A_511 = vector.broadcast %add3A_510 : i32 to vector<16xi32>
      %add3A_512 = arith.addi %get3A_509, %add3A_511 : vector<16xi32>
      %shift_right_logical3A_513 = arith.constant 16 : i32
      %shift_right_logical3A_514 = vector.broadcast %shift_right_logical3A_513 : i32 to vector<16xi32>
      %shift_right_logical3A_515 = arith.shrui %add3A_512, %shift_right_logical3A_514 : vector<16xi32>
      %xor3A_516 = arith.xori %add3A_512, %shift_right_logical3A_515 : vector<16xi32>
      %mul3A_517 = arith.constant -2048144789 : i32
      %mul3A_518 = vector.broadcast %mul3A_517 : i32 to vector<16xi32>
      %mul3A_519 = arith.muli %xor3A_516, %mul3A_518 : vector<16xi32>
      %shift_right_logical3A_520 = arith.constant 13 : i32
      %shift_right_logical3A_521 = vector.broadcast %shift_right_logical3A_520 : i32 to vector<16xi32>
      %shift_right_logical3A_522 = arith.shrui %mul3A_519, %shift_right_logical3A_521 : vector<16xi32>
      %xor3A_523 = arith.xori %mul3A_519, %shift_right_logical3A_522 : vector<16xi32>
      %mul3A_524 = arith.constant -1028477387 : i32
      %mul3A_525 = vector.broadcast %mul3A_524 : i32 to vector<16xi32>
      %mul3A_526 = arith.muli %xor3A_523, %mul3A_525 : vector<16xi32>
      %shift_right_logical3A_527 = arith.constant 16 : i32
      %shift_right_logical3A_528 = vector.broadcast %shift_right_logical3A_527 : i32 to vector<16xi32>
      %shift_right_logical3A_529 = arith.shrui %mul3A_526, %shift_right_logical3A_528 : vector<16xi32>
      %xor3A_530 = arith.xori %mul3A_526, %shift_right_logical3A_529 : vector<16xi32>
      %jit3A_531 = arith.constant 100000 : i32
      %div3A_532 = vector.broadcast %jit3A_531 : i32 to vector<16xi32>
      %div3A_533 = arith.divui %xor3A_530, %div3A_532 : vector<16xi32>
      %mul3A_534 = arith.constant 100000 : i32
      %mul3A_535 = vector.broadcast %mul3A_534 : i32 to vector<16xi32>
      %mul3A_536 = arith.muli %div3A_533, %mul3A_535 : vector<16xi32>
      %sub3A_537 = arith.subi %xor3A_530, %mul3A_536 : vector<16xi32>
      %swap3A_538 = arith.constant 0 : i32
      %swap3A_539 = arith.index_cast %swap3A_538 : i32 to index
      %swap3A_540 = arith.index_cast %scan3A_264 : i32 to index
      %swap3A_541 = arith.constant 96 : index
      %swap3A_542 = tpu.vector_load %arg5[%swap3A_539, %swap3A_540, %swap3A_541] {strides = array<i32>} : memref<2x200x128xi32, #tpu.memory_space<vmem>>, vector<1x1x16xi32>,
      %swap3A_543 = vector.shape_cast %swap3A_542 : vector<1x1x16xi32> to vector<16xi32>
      %swap3A_544 = vector.shape_cast %sub3A_537 : vector<16xi32> to vector<1x1x16xi32>
      tpu.vector_store %arg5[%swap3A_539, %swap3A_540, %swap3A_541], %swap3A_544 {strides = array<i32>} : memref<2x200x128xi32, #tpu.memory_space<vmem>>, vector<1x1x16xi32>,
      %get3A_545 = arith.constant 0 : i32
      %get3A_546 = arith.index_cast %get3A_545 : i32 to index
      %get3A_547 = arith.index_cast %scan3A_264 : i32 to index
      %get3A_548 = arith.constant 112 : index
      %get3A_549 = tpu.vector_load %arg4[%get3A_546, %get3A_547, %get3A_548] {strides = array<i32>} : memref<2x200x128xi32, #tpu.memory_space<vmem>>, vector<1x1x16xi32>,
      %get3A_550 = vector.shape_cast %get3A_549 : vector<1x1x16xi32> to vector<16xi32>
      %add3A_551 = arith.constant -182847398 : i32
      %add3A_552 = vector.broadcast %add3A_551 : i32 to vector<16xi32>
      %add3A_553 = arith.addi %get3A_550, %add3A_552 : vector<16xi32>
      %shift_right_logical3A_554 = arith.constant 16 : i32
      %shift_right_logical3A_555 = vector.broadcast %shift_right_logical3A_554 : i32 to vector<16xi32>
      %shift_right_logical3A_556 = arith.shrui %add3A_553, %shift_right_logical3A_555 : vector<16xi32>
      %xor3A_557 = arith.xori %add3A_553, %shift_right_logical3A_556 : vector<16xi32>
      %mul3A_558 = arith.constant -2048144789 : i32
      %mul3A_559 = vector.broadcast %mul3A_558 : i32 to vector<16xi32>
      %mul3A_560 = arith.muli %xor3A_557, %mul3A_559 : vector<16xi32>
      %shift_right_logical3A_561 = arith.constant 13 : i32
      %shift_right_logical3A_562 = vector.broadcast %shift_right_logical3A_561 : i32 to vector<16xi32>
      %shift_right_logical3A_563 = arith.shrui %mul3A_560, %shift_right_logical3A_562 : vector<16xi32>
      %xor3A_564 = arith.xori %mul3A_560, %shift_right_logical3A_563 : vector<16xi32>
      %mul3A_565 = arith.constant -1028477387 : i32
      %mul3A_566 = vector.broadcast %mul3A_565 : i32 to vector<16xi32>
      %mul3A_567 = arith.muli %xor3A_564, %mul3A_566 : vector<16xi32>
      %shift_right_logical3A_568 = arith.constant 16 : i32
      %shift_right_logical3A_569 = vector.broadcast %shift_right_logical3A_568 : i32 to vector<16xi32>
      %shift_right_logical3A_570 = arith.shrui %mul3A_567, %shift_right_logical3A_569 : vector<16xi32>
      %xor3A_571 = arith.xori %mul3A_567, %shift_right_logical3A_570 : vector<16xi32>
      %jit3A_572 = arith.constant 100000 : i32
      %div3A_573 = vector.broadcast %jit3A_572 : i32 to vector<16xi32>
      %div3A_574 = arith.divui %xor3A_571, %div3A_573 : vector<16xi32>
      %mul3A_575 = arith.constant 100000 : i32
      %mul3A_576 = vector.broadcast %mul3A_575 : i32 to vector<16xi32>
      %mul3A_577 = arith.muli %div3A_574, %mul3A_576 : vector<16xi32>
      %sub3A_578 = arith.subi %xor3A_571, %mul3A_577 : vector<16xi32>
      %swap3A_579 = arith.constant 0 : i32
      %swap3A_580 = arith.index_cast %swap3A_579 : i32 to index
      %swap3A_581 = arith.index_cast %scan3A_264 : i32 to index
      %swap3A_582 = arith.constant 112 : index
      %swap3A_583 = tpu.vector_load %arg5[%swap3A_580, %swap3A_581, %swap3A_582] {strides = array<i32>} : memref<2x200x128xi32, #tpu.memory_space<vmem>>, vector<1x1x16xi32>,
      %swap3A_584 = vector.shape_cast %swap3A_583 : vector<1x1x16xi32> to vector<16xi32>
      %swap3A_585 = vector.shape_cast %sub3A_578 : vector<16xi32> to vector<1x1x16xi32>
      tpu.vector_store %arg5[%swap3A_580, %swap3A_581, %swap3A_582], %swap3A_585 {strides = array<i32>} : memref<2x200x128xi32, #tpu.memory_space<vmem>>, vector<1x1x16xi32>,
    }
    %scan3A_167 = arith.constant 200 : i32
    %add3A_168 = arith.constant 256 : i32
    %add3A_169 = arith.addi %mul3A_2, %add3A_168 : i32
    %dma_start3A_170 = arith.constant 0 : i32
    %dma_start3A_171 = arith.constant 0 : i32
    %dma_start3A_172 = arith.constant 0 : i32
    %dma_start3A_173 = tpu.memref_slice %arg5[%dma_start3A_170, %dma_start3A_171, %dma_start3A_172] : memref<2x200x128xi32, #tpu.memory_space<vmem>> -> memref<1x200x128xi32, #tpu.memory_space<vmem>>
    %dma_start3A_174 = tpu.memref_squeeze %dma_start3A_173 : memref<1x200x128xi32, #tpu.memory_space<vmem>> -> memref<200x128xi32, #tpu.memory_space<vmem>>
    %dma_start3A_175 = arith.constant 0 : i32
    %dma_start3A_176 = tpu.memref_slice %arg3[%dma_start3A_175, %add3A_169] : memref<200x16384xi32, #tpu.memory_space<hbm>> -> memref<200x128xi32, #tpu.memory_space<hbm>>
    %dma_start3A_177 = arith.constant 0 : i32
    %dma_start3A_178 = tpu.memref_slice %arg3[%dma_start3A_177, %add3A_169] : memref<200x16384xi32, #tpu.memory_space<hbm>> -> memref<200x128xi32, #tpu.memory_space<hbm>>
    %dma_start3A_179 = arith.constant 0 : i32
    %dma_start3A_180 = arith.constant 0 : i32
    %dma_start3A_181 = tpu.memref_slice %arg5[%dma_start3A_170, %dma_start3A_179, %dma_start3A_180] : memref<2x200x128xi32, #tpu.memory_space<vmem>> -> memref<1x200x128xi32, #tpu.memory_space<vmem>>
    %dma_start3A_182 = tpu.memref_squeeze %dma_start3A_181 : memref<1x200x128xi32, #tpu.memory_space<vmem>> -> memref<200x128xi32, #tpu.memory_space<vmem>>
    tpu.enqueue_dma source(%dma_start3A_182 : memref<200x128xi32, #tpu.memory_space<vmem>>) target(%dma_start3A_178 : memref<200x128xi32, #tpu.memory_space<hbm>>) target_semaphore(%arg8 : memref<!tpu.dma_semaphore, #tpu.memory_space<semaphore_mem>>)
    %add3A_183 = arith.constant 384 : i32
    %add3A_184 = arith.addi %mul3A_2, %add3A_183 : i32
    %dma_wait3A_185 = arith.constant 1 : i32
    %dma_wait3A_186 = arith.constant 0 : i32
    %dma_wait3A_187 = arith.constant 0 : i32
    %dma_wait3A_188 = tpu.memref_slice %arg4[%dma_wait3A_185, %dma_wait3A_186, %dma_wait3A_187] : memref<2x200x128xi32, #tpu.memory_space<vmem>> -> memref<1x200x128xi32, #tpu.memory_space<vmem>>
    %dma_wait3A_189 = tpu.memref_squeeze %dma_wait3A_188 : memref<1x200x128xi32, #tpu.memory_space<vmem>> -> memref<200x128xi32, #tpu.memory_space<vmem>>
    %dma_wait3A_190 = arith.constant 0 : i32
    %dma_wait3A_191 = tpu.memref_slice %arg2[%dma_wait3A_190, %add3A_184] : memref<200x16384xi32, #tpu.memory_space<hbm>> -> memref<200x128xi32, #tpu.memory_space<hbm>>
    %dma_wait3A_192 = arith.constant 0 : i32
    %dma_wait3A_193 = arith.constant 0 : i32
    %dma_wait3A_194 = tpu.memref_slice %arg4[%dma_wait3A_185, %dma_wait3A_192, %dma_wait3A_193] : memref<2x200x128xi32, #tpu.memory_space<vmem>> -> memref<1x200x128xi32, #tpu.memory_space<vmem>>
    %dma_wait3A_195 = tpu.memref_squeeze %dma_wait3A_194 : memref<1x200x128xi32, #tpu.memory_space<vmem>> -> memref<200x128xi32, #tpu.memory_space<vmem>>
    %dma_wait3A_196 = arith.constant 0 : i32
    %dma_wait3A_197 = tpu.memref_slice %arg2[%dma_wait3A_196, %add3A_184] : memref<200x16384xi32, #tpu.memory_space<hbm>> -> memref<200x128xi32, #tpu.memory_space<hbm>>
    tpu.wait_dma2 semaphore(%arg7 : memref<!tpu.dma_semaphore, #tpu.memory_space<semaphore_mem>>) src(%dma_wait3A_197 : memref<200x128xi32, #tpu.memory_space<hbm>>) dst(%dma_wait3A_195 : memref<200x128xi32, #tpu.memory_space<vmem>>)
    %add3A_198 = arith.constant 128 : i32
    %add3A_199 = arith.addi %mul3A_2, %add3A_198 : i32
    %dma_wait3A_200 = arith.constant 1 : i32
    %dma_wait3A_201 = arith.constant 0 : i32
    %dma_wait3A_202 = arith.constant 0 : i32
    %dma_wait3A_203 = tpu.memref_slice %arg5[%dma_wait3A_200, %dma_wait3A_201, %dma_wait3A_202] : memref<2x200x128xi32, #tpu.memory_space<vmem>> -> memref<1x200x128xi32, #tpu.memory_space<vmem>>
    %dma_wait3A_204 = tpu.memref_squeeze %dma_wait3A_203 : memref<1x200x128xi32, #tpu.memory_space<vmem>> -> memref<200x128xi32, #tpu.memory_space<vmem>>
    %dma_wait3A_205 = arith.constant 0 : i32
    %dma_wait3A_206 = tpu.memref_slice %arg3[%dma_wait3A_205, %add3A_199] : memref<200x16384xi32, #tpu.memory_space<hbm>> -> memref<200x128xi32, #tpu.memory_space<hbm>>
    %dma_wait3A_207 = arith.constant 0 : i32
    %dma_wait3A_208 = tpu.memref_slice %arg3[%dma_wait3A_207, %add3A_199] : memref<200x16384xi32, #tpu.memory_space<hbm>> -> memref<200x128xi32, #tpu.memory_space<hbm>>
    %dma_wait3A_209 = arith.constant 0 : i32
    %dma_wait3A_210 = arith.constant 0 : i32
    %dma_wait3A_211 = tpu.memref_slice %arg5[%dma_wait3A_200, %dma_wait3A_209, %dma_wait3A_210] : memref<2x200x128xi32, #tpu.memory_space<vmem>> -> memref<1x200x128xi32, #tpu.memory_space<vmem>>
    %dma_wait3A_212 = tpu.memref_squeeze %dma_wait3A_211 : memref<1x200x128xi32, #tpu.memory_space<vmem>> -> memref<200x128xi32, #tpu.memory_space<vmem>>
    tpu.wait_dma2 semaphore(%arg9 : memref<!tpu.dma_semaphore, #tpu.memory_space<semaphore_mem>>) src(%dma_wait3A_212 : memref<200x128xi32, #tpu.memory_space<vmem>>) dst(%dma_wait3A_208 : memref<200x128xi32, #tpu.memory_space<hbm>>)
    %scan3A_213 = arith.constant 0 : i32
    %scan3A_214 = arith.constant 0 : i32
    %scan3A_215 = arith.constant 200 : i32
    %scan3A_216 = arith.addi %scan3A_214, %scan3A_215 : i32
    %scan3A_217 = arith.constant 1 : i32
    scf.for %scan3A_264 = %scan3A_214 to %scan3A_216 step %scan3A_217  : i32 {
      %get3A = arith.constant 1 : i32
      %get3A_265 = arith.index_cast %get3A : i32 to index
      %get3A_266 = arith.index_cast %scan3A_264 : i32 to index
      %get3A_267 = arith.constant 0 : index
      %get3A_268 = tpu.vector_load %arg4[%get3A_265, %get3A_266, %get3A_267] {strides = array<i32>} : memref<2x200x128xi32, #tpu.memory_space<vmem>>, vector<1x1x16xi32>,
      %get3A_269 = vector.shape_cast %get3A_268 : vector<1x1x16xi32> to vector<16xi32>
      %add3A_270 = arith.constant -182847398 : i32
      %add3A_271 = vector.broadcast %add3A_270 : i32 to vector<16xi32>
      %add3A_272 = arith.addi %get3A_269, %add3A_271 : vector<16xi32>
      %shift_right_logical3A = arith.constant 16 : i32
      %shift_right_logical3A_273 = vector.broadcast %shift_right_logical3A : i32 to vector<16xi32>
      %shift_right_logical3A_274 = arith.shrui %add3A_272, %shift_right_logical3A_273 : vector<16xi32>
      %xor3A = arith.xori %add3A_272, %shift_right_logical3A_274 : vector<16xi32>
      %mul3A_275 = arith.constant -2048144789 : i32
      %mul3A_276 = vector.broadcast %mul3A_275 : i32 to vector<16xi32>
      %mul3A_277 = arith.muli %xor3A, %mul3A_276 : vector<16xi32>
      %shift_right_logical3A_278 = arith.constant 13 : i32
      %shift_right_logical3A_279 = vector.broadcast %shift_right_logical3A_278 : i32 to vector<16xi32>
      %shift_right_logical3A_280 = arith.shrui %mul3A_277, %shift_right_logical3A_279 : vector<16xi32>
      %xor3A_281 = arith.xori %mul3A_277, %shift_right_logical3A_280 : vector<16xi32>
      %mul3A_282 = arith.constant -1028477387 : i32
      %mul3A_283 = vector.broadcast %mul3A_282 : i32 to vector<16xi32>
      %mul3A_284 = arith.muli %xor3A_281, %mul3A_283 : vector<16xi32>
      %shift_right_logical3A_285 = arith.constant 16 : i32
      %shift_right_logical3A_286 = vector.broadcast %shift_right_logical3A_285 : i32 to vector<16xi32>
      %shift_right_logical3A_287 = arith.shrui %mul3A_284, %shift_right_logical3A_286 : vector<16xi32>
      %xor3A_288 = arith.xori %mul3A_284, %shift_right_logical3A_287 : vector<16xi32>
      %jit3A = arith.constant 100000 : i32
      %div3A = vector.broadcast %jit3A : i32 to vector<16xi32>
      %div3A_289 = arith.divui %xor3A_288, %div3A : vector<16xi32>
      %mul3A_290 = arith.constant 100000 : i32
      %mul3A_291 = vector.broadcast %mul3A_290 : i32 to vector<16xi32>
      %mul3A_292 = arith.muli %div3A_289, %mul3A_291 : vector<16xi32>
      %sub3A = arith.subi %xor3A_288, %mul3A_292 : vector<16xi32>
      %swap3A = arith.constant 1 : i32
      %swap3A_293 = arith.index_cast %swap3A : i32 to index
      %swap3A_294 = arith.index_cast %scan3A_264 : i32 to index
      %swap3A_295 = arith.constant 0 : index
      %swap3A_296 = tpu.vector_load %arg5[%swap3A_293, %swap3A_294, %swap3A_295] {strides = array<i32>} : memref<2x200x128xi32, #tpu.memory_space<vmem>>, vector<1x1x16xi32>,
      %swap3A_297 = vector.shape_cast %swap3A_296 : vector<1x1x16xi32> to vector<16xi32>
      %swap3A_298 = vector.shape_cast %sub3A : vector<16xi32> to vector<1x1x16xi32>
      tpu.vector_store %arg5[%swap3A_293, %swap3A_294, %swap3A_295], %swap3A_298 {strides = array<i32>} : memref<2x200x128xi32, #tpu.memory_space<vmem>>, vector<1x1x16xi32>,
      %get3A_299 = arith.constant 1 : i32
      %get3A_300 = arith.index_cast %get3A_299 : i32 to index
      %get3A_301 = arith.index_cast %scan3A_264 : i32 to index
      %get3A_302 = arith.constant 16 : index
      %get3A_303 = tpu.vector_load %arg4[%get3A_300, %get3A_301, %get3A_302] {strides = array<i32>} : memref<2x200x128xi32, #tpu.memory_space<vmem>>, vector<1x1x16xi32>,
      %get3A_304 = vector.shape_cast %get3A_303 : vector<1x1x16xi32> to vector<16xi32>
      %add3A_305 = arith.constant -182847398 : i32
      %add3A_306 = vector.broadcast %add3A_305 : i32 to vector<16xi32>
      %add3A_307 = arith.addi %get3A_304, %add3A_306 : vector<16xi32>
      %shift_right_logical3A_308 = arith.constant 16 : i32
      %shift_right_logical3A_309 = vector.broadcast %shift_right_logical3A_308 : i32 to vector<16xi32>
      %shift_right_logical3A_310 = arith.shrui %add3A_307, %shift_right_logical3A_309 : vector<16xi32>
      %xor3A_311 = arith.xori %add3A_307, %shift_right_logical3A_310 : vector<16xi32>
      %mul3A_312 = arith.constant -2048144789 : i32
      %mul3A_313 = vector.broadcast %mul3A_312 : i32 to vector<16xi32>
      %mul3A_314 = arith.muli %xor3A_311, %mul3A_313 : vector<16xi32>
      %shift_right_logical3A_315 = arith.constant 13 : i32
      %shift_right_logical3A_316 = vector.broadcast %shift_right_logical3A_315 : i32 to vector<16xi32>
      %shift_right_logical3A_317 = arith.shrui %mul3A_314, %shift_right_logical3A_316 : vector<16xi32>
      %xor3A_318 = arith.xori %mul3A_314, %shift_right_logical3A_317 : vector<16xi32>
      %mul3A_319 = arith.constant -1028477387 : i32
      %mul3A_320 = vector.broadcast %mul3A_319 : i32 to vector<16xi32>
      %mul3A_321 = arith.muli %xor3A_318, %mul3A_320 : vector<16xi32>
      %shift_right_logical3A_322 = arith.constant 16 : i32
      %shift_right_logical3A_323 = vector.broadcast %shift_right_logical3A_322 : i32 to vector<16xi32>
      %shift_right_logical3A_324 = arith.shrui %mul3A_321, %shift_right_logical3A_323 : vector<16xi32>
      %xor3A_325 = arith.xori %mul3A_321, %shift_right_logical3A_324 : vector<16xi32>
      %jit3A_326 = arith.constant 100000 : i32
      %div3A_327 = vector.broadcast %jit3A_326 : i32 to vector<16xi32>
      %div3A_328 = arith.divui %xor3A_325, %div3A_327 : vector<16xi32>
      %mul3A_329 = arith.constant 100000 : i32
      %mul3A_330 = vector.broadcast %mul3A_329 : i32 to vector<16xi32>
      %mul3A_331 = arith.muli %div3A_328, %mul3A_330 : vector<16xi32>
      %sub3A_332 = arith.subi %xor3A_325, %mul3A_331 : vector<16xi32>
      %swap3A_333 = arith.constant 1 : i32
      %swap3A_334 = arith.index_cast %swap3A_333 : i32 to index
      %swap3A_335 = arith.index_cast %scan3A_264 : i32 to index
      %swap3A_336 = arith.constant 16 : index
      %swap3A_337 = tpu.vector_load %arg5[%swap3A_334, %swap3A_335, %swap3A_336] {strides = array<i32>} : memref<2x200x128xi32, #tpu.memory_space<vmem>>, vector<1x1x16xi32>,
      %swap3A_338 = vector.shape_cast %swap3A_337 : vector<1x1x16xi32> to vector<16xi32>
      %swap3A_339 = vector.shape_cast %sub3A_332 : vector<16xi32> to vector<1x1x16xi32>
      tpu.vector_store %arg5[%swap3A_334, %swap3A_335, %swap3A_336], %swap3A_339 {strides = array<i32>} : memref<2x200x128xi32, #tpu.memory_space<vmem>>, vector<1x1x16xi32>,
      %get3A_340 = arith.constant 1 : i32
      %get3A_341 = arith.index_cast %get3A_340 : i32 to index
      %get3A_342 = arith.index_cast %scan3A_264 : i32 to index
      %get3A_343 = arith.constant 32 : index
      %get3A_344 = tpu.vector_load %arg4[%get3A_341, %get3A_342, %get3A_343] {strides = array<i32>} : memref<2x200x128xi32, #tpu.memory_space<vmem>>, vector<1x1x16xi32>,
      %get3A_345 = vector.shape_cast %get3A_344 : vector<1x1x16xi32> to vector<16xi32>
      %add3A_346 = arith.constant -182847398 : i32
      %add3A_347 = vector.broadcast %add3A_346 : i32 to vector<16xi32>
      %add3A_348 = arith.addi %get3A_345, %add3A_347 : vector<16xi32>
      %shift_right_logical3A_349 = arith.constant 16 : i32
      %shift_right_logical3A_350 = vector.broadcast %shift_right_logical3A_349 : i32 to vector<16xi32>
      %shift_right_logical3A_351 = arith.shrui %add3A_348, %shift_right_logical3A_350 : vector<16xi32>
      %xor3A_352 = arith.xori %add3A_348, %shift_right_logical3A_351 : vector<16xi32>
      %mul3A_353 = arith.constant -2048144789 : i32
      %mul3A_354 = vector.broadcast %mul3A_353 : i32 to vector<16xi32>
      %mul3A_355 = arith.muli %xor3A_352, %mul3A_354 : vector<16xi32>
      %shift_right_logical3A_356 = arith.constant 13 : i32
      %shift_right_logical3A_357 = vector.broadcast %shift_right_logical3A_356 : i32 to vector<16xi32>
      %shift_right_logical3A_358 = arith.shrui %mul3A_355, %shift_right_logical3A_357 : vector<16xi32>
      %xor3A_359 = arith.xori %mul3A_355, %shift_right_logical3A_358 : vector<16xi32>
      %mul3A_360 = arith.constant -1028477387 : i32
      %mul3A_361 = vector.broadcast %mul3A_360 : i32 to vector<16xi32>
      %mul3A_362 = arith.muli %xor3A_359, %mul3A_361 : vector<16xi32>
      %shift_right_logical3A_363 = arith.constant 16 : i32
      %shift_right_logical3A_364 = vector.broadcast %shift_right_logical3A_363 : i32 to vector<16xi32>
      %shift_right_logical3A_365 = arith.shrui %mul3A_362, %shift_right_logical3A_364 : vector<16xi32>
      %xor3A_366 = arith.xori %mul3A_362, %shift_right_logical3A_365 : vector<16xi32>
      %jit3A_367 = arith.constant 100000 : i32
      %div3A_368 = vector.broadcast %jit3A_367 : i32 to vector<16xi32>
      %div3A_369 = arith.divui %xor3A_366, %div3A_368 : vector<16xi32>
      %mul3A_370 = arith.constant 100000 : i32
      %mul3A_371 = vector.broadcast %mul3A_370 : i32 to vector<16xi32>
      %mul3A_372 = arith.muli %div3A_369, %mul3A_371 : vector<16xi32>
      %sub3A_373 = arith.subi %xor3A_366, %mul3A_372 : vector<16xi32>
      %swap3A_374 = arith.constant 1 : i32
      %swap3A_375 = arith.index_cast %swap3A_374 : i32 to index
      %swap3A_376 = arith.index_cast %scan3A_264 : i32 to index
      %swap3A_377 = arith.constant 32 : index
      %swap3A_378 = tpu.vector_load %arg5[%swap3A_375, %swap3A_376, %swap3A_377] {strides = array<i32>} : memref<2x200x128xi32, #tpu.memory_space<vmem>>, vector<1x1x16xi32>,
      %swap3A_379 = vector.shape_cast %swap3A_378 : vector<1x1x16xi32> to vector<16xi32>
      %swap3A_380 = vector.shape_cast %sub3A_373 : vector<16xi32> to vector<1x1x16xi32>
      tpu.vector_store %arg5[%swap3A_375, %swap3A_376, %swap3A_377], %swap3A_380 {strides = array<i32>} : memref<2x200x128xi32, #tpu.memory_space<vmem>>, vector<1x1x16xi32>,
      %get3A_381 = arith.constant 1 : i32
      %get3A_382 = arith.index_cast %get3A_381 : i32 to index
      %get3A_383 = arith.index_cast %scan3A_264 : i32 to index
      %get3A_384 = arith.constant 48 : index
      %get3A_385 = tpu.vector_load %arg4[%get3A_382, %get3A_383, %get3A_384] {strides = array<i32>} : memref<2x200x128xi32, #tpu.memory_space<vmem>>, vector<1x1x16xi32>,
      %get3A_386 = vector.shape_cast %get3A_385 : vector<1x1x16xi32> to vector<16xi32>
      %add3A_387 = arith.constant -182847398 : i32
      %add3A_388 = vector.broadcast %add3A_387 : i32 to vector<16xi32>
      %add3A_389 = arith.addi %get3A_386, %add3A_388 : vector<16xi32>
      %shift_right_logical3A_390 = arith.constant 16 : i32
      %shift_right_logical3A_391 = vector.broadcast %shift_right_logical3A_390 : i32 to vector<16xi32>
      %shift_right_logical3A_392 = arith.shrui %add3A_389, %shift_right_logical3A_391 : vector<16xi32>
      %xor3A_393 = arith.xori %add3A_389, %shift_right_logical3A_392 : vector<16xi32>
      %mul3A_394 = arith.constant -2048144789 : i32
      %mul3A_395 = vector.broadcast %mul3A_394 : i32 to vector<16xi32>
      %mul3A_396 = arith.muli %xor3A_393, %mul3A_395 : vector<16xi32>
      %shift_right_logical3A_397 = arith.constant 13 : i32
      %shift_right_logical3A_398 = vector.broadcast %shift_right_logical3A_397 : i32 to vector<16xi32>
      %shift_right_logical3A_399 = arith.shrui %mul3A_396, %shift_right_logical3A_398 : vector<16xi32>
      %xor3A_400 = arith.xori %mul3A_396, %shift_right_logical3A_399 : vector<16xi32>
      %mul3A_401 = arith.constant -1028477387 : i32
      %mul3A_402 = vector.broadcast %mul3A_401 : i32 to vector<16xi32>
      %mul3A_403 = arith.muli %xor3A_400, %mul3A_402 : vector<16xi32>
      %shift_right_logical3A_404 = arith.constant 16 : i32
      %shift_right_logical3A_405 = vector.broadcast %shift_right_logical3A_404 : i32 to vector<16xi32>
      %shift_right_logical3A_406 = arith.shrui %mul3A_403, %shift_right_logical3A_405 : vector<16xi32>
      %xor3A_407 = arith.xori %mul3A_403, %shift_right_logical3A_406 : vector<16xi32>
      %jit3A_408 = arith.constant 100000 : i32
      %div3A_409 = vector.broadcast %jit3A_408 : i32 to vector<16xi32>
      %div3A_410 = arith.divui %xor3A_407, %div3A_409 : vector<16xi32>
      %mul3A_411 = arith.constant 100000 : i32
      %mul3A_412 = vector.broadcast %mul3A_411 : i32 to vector<16xi32>
      %mul3A_413 = arith.muli %div3A_410, %mul3A_412 : vector<16xi32>
      %sub3A_414 = arith.subi %xor3A_407, %mul3A_413 : vector<16xi32>
      %swap3A_415 = arith.constant 1 : i32
      %swap3A_416 = arith.index_cast %swap3A_415 : i32 to index
      %swap3A_417 = arith.index_cast %scan3A_264 : i32 to index
      %swap3A_418 = arith.constant 48 : index
      %swap3A_419 = tpu.vector_load %arg5[%swap3A_416, %swap3A_417, %swap3A_418] {strides = array<i32>} : memref<2x200x128xi32, #tpu.memory_space<vmem>>, vector<1x1x16xi32>,
      %swap3A_420 = vector.shape_cast %swap3A_419 : vector<1x1x16xi32> to vector<16xi32>
      %swap3A_421 = vector.shape_cast %sub3A_414 : vector<16xi32> to vector<1x1x16xi32>
      tpu.vector_store %arg5[%swap3A_416, %swap3A_417, %swap3A_418], %swap3A_421 {strides = array<i32>} : memref<2x200x128xi32, #tpu.memory_space<vmem>>, vector<1x1x16xi32>,
      %get3A_422 = arith.constant 1 : i32
      %get3A_423 = arith.index_cast %get3A_422 : i32 to index
      %get3A_424 = arith.index_cast %scan3A_264 : i32 to index
      %get3A_425 = arith.constant 64 : index
      %get3A_426 = tpu.vector_load %arg4[%get3A_423, %get3A_424, %get3A_425] {strides = array<i32>} : memref<2x200x128xi32, #tpu.memory_space<vmem>>, vector<1x1x16xi32>,
      %get3A_427 = vector.shape_cast %get3A_426 : vector<1x1x16xi32> to vector<16xi32>
      %add3A_428 = arith.constant -182847398 : i32
      %add3A_429 = vector.broadcast %add3A_428 : i32 to vector<16xi32>
      %add3A_430 = arith.addi %get3A_427, %add3A_429 : vector<16xi32>
      %shift_right_logical3A_431 = arith.constant 16 : i32
      %shift_right_logical3A_432 = vector.broadcast %shift_right_logical3A_431 : i32 to vector<16xi32>
      %shift_right_logical3A_433 = arith.shrui %add3A_430, %shift_right_logical3A_432 : vector<16xi32>
      %xor3A_434 = arith.xori %add3A_430, %shift_right_logical3A_433 : vector<16xi32>
      %mul3A_435 = arith.constant -2048144789 : i32
      %mul3A_436 = vector.broadcast %mul3A_435 : i32 to vector<16xi32>
      %mul3A_437 = arith.muli %xor3A_434, %mul3A_436 : vector<16xi32>
      %shift_right_logical3A_438 = arith.constant 13 : i32
      %shift_right_logical3A_439 = vector.broadcast %shift_right_logical3A_438 : i32 to vector<16xi32>
      %shift_right_logical3A_440 = arith.shrui %mul3A_437, %shift_right_logical3A_439 : vector<16xi32>
      %xor3A_441 = arith.xori %mul3A_437, %shift_right_logical3A_440 : vector<16xi32>
      %mul3A_442 = arith.constant -1028477387 : i32
      %mul3A_443 = vector.broadcast %mul3A_442 : i32 to vector<16xi32>
      %mul3A_444 = arith.muli %xor3A_441, %mul3A_443 : vector<16xi32>
      %shift_right_logical3A_445 = arith.constant 16 : i32
      %shift_right_logical3A_446 = vector.broadcast %shift_right_logical3A_445 : i32 to vector<16xi32>
      %shift_right_logical3A_447 = arith.shrui %mul3A_444, %shift_right_logical3A_446 : vector<16xi32>
      %xor3A_448 = arith.xori %mul3A_444, %shift_right_logical3A_447 : vector<16xi32>
      %jit3A_449 = arith.constant 100000 : i32
      %div3A_450 = vector.broadcast %jit3A_449 : i32 to vector<16xi32>
      %div3A_451 = arith.divui %xor3A_448, %div3A_450 : vector<16xi32>
      %mul3A_452 = arith.constant 100000 : i32
      %mul3A_453 = vector.broadcast %mul3A_452 : i32 to vector<16xi32>
      %mul3A_454 = arith.muli %div3A_451, %mul3A_453 : vector<16xi32>
      %sub3A_455 = arith.subi %xor3A_448, %mul3A_454 : vector<16xi32>
      %swap3A_456 = arith.constant 1 : i32
      %swap3A_457 = arith.index_cast %swap3A_456 : i32 to index
      %swap3A_458 = arith.index_cast %scan3A_264 : i32 to index
      %swap3A_459 = arith.constant 64 : index
      %swap3A_460 = tpu.vector_load %arg5[%swap3A_457, %swap3A_458, %swap3A_459] {strides = array<i32>} : memref<2x200x128xi32, #tpu.memory_space<vmem>>, vector<1x1x16xi32>,
      %swap3A_461 = vector.shape_cast %swap3A_460 : vector<1x1x16xi32> to vector<16xi32>
      %swap3A_462 = vector.shape_cast %sub3A_455 : vector<16xi32> to vector<1x1x16xi32>
      tpu.vector_store %arg5[%swap3A_457, %swap3A_458, %swap3A_459], %swap3A_462 {strides = array<i32>} : memref<2x200x128xi32, #tpu.memory_space<vmem>>, vector<1x1x16xi32>,
      %get3A_463 = arith.constant 1 : i32
      %get3A_464 = arith.index_cast %get3A_463 : i32 to index
      %get3A_465 = arith.index_cast %scan3A_264 : i32 to index
      %get3A_466 = arith.constant 80 : index
      %get3A_467 = tpu.vector_load %arg4[%get3A_464, %get3A_465, %get3A_466] {strides = array<i32>} : memref<2x200x128xi32, #tpu.memory_space<vmem>>, vector<1x1x16xi32>,
      %get3A_468 = vector.shape_cast %get3A_467 : vector<1x1x16xi32> to vector<16xi32>
      %add3A_469 = arith.constant -182847398 : i32
      %add3A_470 = vector.broadcast %add3A_469 : i32 to vector<16xi32>
      %add3A_471 = arith.addi %get3A_468, %add3A_470 : vector<16xi32>
      %shift_right_logical3A_472 = arith.constant 16 : i32
      %shift_right_logical3A_473 = vector.broadcast %shift_right_logical3A_472 : i32 to vector<16xi32>
      %shift_right_logical3A_474 = arith.shrui %add3A_471, %shift_right_logical3A_473 : vector<16xi32>
      %xor3A_475 = arith.xori %add3A_471, %shift_right_logical3A_474 : vector<16xi32>
      %mul3A_476 = arith.constant -2048144789 : i32
      %mul3A_477 = vector.broadcast %mul3A_476 : i32 to vector<16xi32>
      %mul3A_478 = arith.muli %xor3A_475, %mul3A_477 : vector<16xi32>
      %shift_right_logical3A_479 = arith.constant 13 : i32
      %shift_right_logical3A_480 = vector.broadcast %shift_right_logical3A_479 : i32 to vector<16xi32>
      %shift_right_logical3A_481 = arith.shrui %mul3A_478, %shift_right_logical3A_480 : vector<16xi32>
      %xor3A_482 = arith.xori %mul3A_478, %shift_right_logical3A_481 : vector<16xi32>
      %mul3A_483 = arith.constant -1028477387 : i32
      %mul3A_484 = vector.broadcast %mul3A_483 : i32 to vector<16xi32>
      %mul3A_485 = arith.muli %xor3A_482, %mul3A_484 : vector<16xi32>
      %shift_right_logical3A_486 = arith.constant 16 : i32
      %shift_right_logical3A_487 = vector.broadcast %shift_right_logical3A_486 : i32 to vector<16xi32>
      %shift_right_logical3A_488 = arith.shrui %mul3A_485, %shift_right_logical3A_487 : vector<16xi32>
      %xor3A_489 = arith.xori %mul3A_485, %shift_right_logical3A_488 : vector<16xi32>
      %jit3A_490 = arith.constant 100000 : i32
      %div3A_491 = vector.broadcast %jit3A_490 : i32 to vector<16xi32>
      %div3A_492 = arith.divui %xor3A_489, %div3A_491 : vector<16xi32>
      %mul3A_493 = arith.constant 100000 : i32
      %mul3A_494 = vector.broadcast %mul3A_493 : i32 to vector<16xi32>
      %mul3A_495 = arith.muli %div3A_492, %mul3A_494 : vector<16xi32>
      %sub3A_496 = arith.subi %xor3A_489, %mul3A_495 : vector<16xi32>
      %swap3A_497 = arith.constant 1 : i32
      %swap3A_498 = arith.index_cast %swap3A_497 : i32 to index
      %swap3A_499 = arith.index_cast %scan3A_264 : i32 to index
      %swap3A_500 = arith.constant 80 : index
      %swap3A_501 = tpu.vector_load %arg5[%swap3A_498, %swap3A_499, %swap3A_500] {strides = array<i32>} : memref<2x200x128xi32, #tpu.memory_space<vmem>>, vector<1x1x16xi32>,
      %swap3A_502 = vector.shape_cast %swap3A_501 : vector<1x1x16xi32> to vector<16xi32>
      %swap3A_503 = vector.shape_cast %sub3A_496 : vector<16xi32> to vector<1x1x16xi32>
      tpu.vector_store %arg5[%swap3A_498, %swap3A_499, %swap3A_500], %swap3A_503 {strides = array<i32>} : memref<2x200x128xi32, #tpu.memory_space<vmem>>, vector<1x1x16xi32>,
      %get3A_504 = arith.constant 1 : i32
      %get3A_505 = arith.index_cast %get3A_504 : i32 to index
      %get3A_506 = arith.index_cast %scan3A_264 : i32 to index
      %get3A_507 = arith.constant 96 : index
      %get3A_508 = tpu.vector_load %arg4[%get3A_505, %get3A_506, %get3A_507] {strides = array<i32>} : memref<2x200x128xi32, #tpu.memory_space<vmem>>, vector<1x1x16xi32>,
      %get3A_509 = vector.shape_cast %get3A_508 : vector<1x1x16xi32> to vector<16xi32>
      %add3A_510 = arith.constant -182847398 : i32
      %add3A_511 = vector.broadcast %add3A_510 : i32 to vector<16xi32>
      %add3A_512 = arith.addi %get3A_509, %add3A_511 : vector<16xi32>
      %shift_right_logical3A_513 = arith.constant 16 : i32
      %shift_right_logical3A_514 = vector.broadcast %shift_right_logical3A_513 : i32 to vector<16xi32>
      %shift_right_logical3A_515 = arith.shrui %add3A_512, %shift_right_logical3A_514 : vector<16xi32>
      %xor3A_516 = arith.xori %add3A_512, %shift_right_logical3A_515 : vector<16xi32>
      %mul3A_517 = arith.constant -2048144789 : i32
      %mul3A_518 = vector.broadcast %mul3A_517 : i32 to vector<16xi32>
      %mul3A_519 = arith.muli %xor3A_516, %mul3A_518 : vector<16xi32>
      %shift_right_logical3A_520 = arith.constant 13 : i32
      %shift_right_logical3A_521 = vector.broadcast %shift_right_logical3A_520 : i32 to vector<16xi32>
      %shift_right_logical3A_522 = arith.shrui %mul3A_519, %shift_right_logical3A_521 : vector<16xi32>
      %xor3A_523 = arith.xori %mul3A_519, %shift_right_logical3A_522 : vector<16xi32>
      %mul3A_524 = arith.constant -1028477387 : i32
      %mul3A_525 = vector.broadcast %mul3A_524 : i32 to vector<16xi32>
      %mul3A_526 = arith.muli %xor3A_523, %mul3A_525 : vector<16xi32>
      %shift_right_logical3A_527 = arith.constant 16 : i32
      %shift_right_logical3A_528 = vector.broadcast %shift_right_logical3A_527 : i32 to vector<16xi32>
      %shift_right_logical3A_529 = arith.shrui %mul3A_526, %shift_right_logical3A_528 : vector<16xi32>
      %xor3A_530 = arith.xori %mul3A_526, %shift_right_logical3A_529 : vector<16xi32>
      %jit3A_531 = arith.constant 100000 : i32
      %div3A_532 = vector.broadcast %jit3A_531 : i32 to vector<16xi32>
      %div3A_533 = arith.divui %xor3A_530, %div3A_532 : vector<16xi32>
      %mul3A_534 = arith.constant 100000 : i32
      %mul3A_535 = vector.broadcast %mul3A_534 : i32 to vector<16xi32>
      %mul3A_536 = arith.muli %div3A_533, %mul3A_535 : vector<16xi32>
      %sub3A_537 = arith.subi %xor3A_530, %mul3A_536 : vector<16xi32>
      %swap3A_538 = arith.constant 1 : i32
      %swap3A_539 = arith.index_cast %swap3A_538 : i32 to index
      %swap3A_540 = arith.index_cast %scan3A_264 : i32 to index
      %swap3A_541 = arith.constant 96 : index
      %swap3A_542 = tpu.vector_load %arg5[%swap3A_539, %swap3A_540, %swap3A_541] {strides = array<i32>} : memref<2x200x128xi32, #tpu.memory_space<vmem>>, vector<1x1x16xi32>,
      %swap3A_543 = vector.shape_cast %swap3A_542 : vector<1x1x16xi32> to vector<16xi32>
      %swap3A_544 = vector.shape_cast %sub3A_537 : vector<16xi32> to vector<1x1x16xi32>
      tpu.vector_store %arg5[%swap3A_539, %swap3A_540, %swap3A_541], %swap3A_544 {strides = array<i32>} : memref<2x200x128xi32, #tpu.memory_space<vmem>>, vector<1x1x16xi32>,
      %get3A_545 = arith.constant 1 : i32
      %get3A_546 = arith.index_cast %get3A_545 : i32 to index
      %get3A_547 = arith.index_cast %scan3A_264 : i32 to index
      %get3A_548 = arith.constant 112 : index
      %get3A_549 = tpu.vector_load %arg4[%get3A_546, %get3A_547, %get3A_548] {strides = array<i32>} : memref<2x200x128xi32, #tpu.memory_space<vmem>>, vector<1x1x16xi32>,
      %get3A_550 = vector.shape_cast %get3A_549 : vector<1x1x16xi32> to vector<16xi32>
      %add3A_551 = arith.constant -182847398 : i32
      %add3A_552 = vector.broadcast %add3A_551 : i32 to vector<16xi32>
      %add3A_553 = arith.addi %get3A_550, %add3A_552 : vector<16xi32>
      %shift_right_logical3A_554 = arith.constant 16 : i32
      %shift_right_logical3A_555 = vector.broadcast %shift_right_logical3A_554 : i32 to vector<16xi32>
      %shift_right_logical3A_556 = arith.shrui %add3A_553, %shift_right_logical3A_555 : vector<16xi32>
      %xor3A_557 = arith.xori %add3A_553, %shift_right_logical3A_556 : vector<16xi32>
      %mul3A_558 = arith.constant -2048144789 : i32
      %mul3A_559 = vector.broadcast %mul3A_558 : i32 to vector<16xi32>
      %mul3A_560 = arith.muli %xor3A_557, %mul3A_559 : vector<16xi32>
      %shift_right_logical3A_561 = arith.constant 13 : i32
      %shift_right_logical3A_562 = vector.broadcast %shift_right_logical3A_561 : i32 to vector<16xi32>
      %shift_right_logical3A_563 = arith.shrui %mul3A_560, %shift_right_logical3A_562 : vector<16xi32>
      %xor3A_564 = arith.xori %mul3A_560, %shift_right_logical3A_563 : vector<16xi32>
      %mul3A_565 = arith.constant -1028477387 : i32
      %mul3A_566 = vector.broadcast %mul3A_565 : i32 to vector<16xi32>
      %mul3A_567 = arith.muli %xor3A_564, %mul3A_566 : vector<16xi32>
      %shift_right_logical3A_568 = arith.constant 16 : i32
      %shift_right_logical3A_569 = vector.broadcast %shift_right_logical3A_568 : i32 to vector<16xi32>
      %shift_right_logical3A_570 = arith.shrui %mul3A_567, %shift_right_logical3A_569 : vector<16xi32>
      %xor3A_571 = arith.xori %mul3A_567, %shift_right_logical3A_570 : vector<16xi32>
      %jit3A_572 = arith.constant 100000 : i32
      %div3A_573 = vector.broadcast %jit3A_572 : i32 to vector<16xi32>
      %div3A_574 = arith.divui %xor3A_571, %div3A_573 : vector<16xi32>
      %mul3A_575 = arith.constant 100000 : i32
      %mul3A_576 = vector.broadcast %mul3A_575 : i32 to vector<16xi32>
      %mul3A_577 = arith.muli %div3A_574, %mul3A_576 : vector<16xi32>
      %sub3A_578 = arith.subi %xor3A_571, %mul3A_577 : vector<16xi32>
      %swap3A_579 = arith.constant 1 : i32
      %swap3A_580 = arith.index_cast %swap3A_579 : i32 to index
      %swap3A_581 = arith.index_cast %scan3A_264 : i32 to index
      %swap3A_582 = arith.constant 112 : index
      %swap3A_583 = tpu.vector_load %arg5[%swap3A_580, %swap3A_581, %swap3A_582] {strides = array<i32>} : memref<2x200x128xi32, #tpu.memory_space<vmem>>, vector<1x1x16xi32>,
      %swap3A_584 = vector.shape_cast %swap3A_583 : vector<1x1x16xi32> to vector<16xi32>
      %swap3A_585 = vector.shape_cast %sub3A_578 : vector<16xi32> to vector<1x1x16xi32>
      tpu.vector_store %arg5[%swap3A_580, %swap3A_581, %swap3A_582], %swap3A_585 {strides = array<i32>} : memref<2x200x128xi32, #tpu.memory_space<vmem>>, vector<1x1x16xi32>,
    }
    %scan3A_218 = arith.constant 200 : i32
    %add3A_219 = arith.constant 384 : i32
    %add3A_220 = arith.addi %mul3A_2, %add3A_219 : i32
    %dma_start3A_221 = arith.constant 1 : i32
    %dma_start3A_222 = arith.constant 0 : i32
    %dma_start3A_223 = arith.constant 0 : i32
    %dma_start3A_224 = tpu.memref_slice %arg5[%dma_start3A_221, %dma_start3A_222, %dma_start3A_223] : memref<2x200x128xi32, #tpu.memory_space<vmem>> -> memref<1x200x128xi32, #tpu.memory_space<vmem>>
    %dma_start3A_225 = tpu.memref_squeeze %dma_start3A_224 : memref<1x200x128xi32, #tpu.memory_space<vmem>> -> memref<200x128xi32, #tpu.memory_space<vmem>>
    %dma_start3A_226 = arith.constant 0 : i32
    %dma_start3A_227 = tpu.memref_slice %arg3[%dma_start3A_226, %add3A_220] : memref<200x16384xi32, #tpu.memory_space<hbm>> -> memref<200x128xi32, #tpu.memory_space<hbm>>
    %dma_start3A_228 = arith.constant 0 : i32
    %dma_start3A_229 = tpu.memref_slice %arg3[%dma_start3A_228, %add3A_220] : memref<200x16384xi32, #tpu.memory_space<hbm>> -> memref<200x128xi32, #tpu.memory_space<hbm>>
    %dma_start3A_230 = arith.constant 0 : i32
    %dma_start3A_231 = arith.constant 0 : i32
    %dma_start3A_232 = tpu.memref_slice %arg5[%dma_start3A_221, %dma_start3A_230, %dma_start3A_231] : memref<2x200x128xi32, #tpu.memory_space<vmem>> -> memref<1x200x128xi32, #tpu.memory_space<vmem>>
    %dma_start3A_233 = tpu.memref_squeeze %dma_start3A_232 : memref<1x200x128xi32, #tpu.memory_space<vmem>> -> memref<200x128xi32, #tpu.memory_space<vmem>>
    tpu.enqueue_dma source(%dma_start3A_233 : memref<200x128xi32, #tpu.memory_space<vmem>>) target(%dma_start3A_229 : memref<200x128xi32, #tpu.memory_space<hbm>>) target_semaphore(%arg9 : memref<!tpu.dma_semaphore, #tpu.memory_space<semaphore_mem>>)
    %add3A_234 = arith.constant 256 : i32
    %add3A_235 = arith.addi %mul3A_2, %add3A_234 : i32
    %dma_wait3A_236 = arith.constant 0 : i32
    %dma_wait3A_237 = arith.constant 0 : i32
    %dma_wait3A_238 = arith.constant 0 : i32
    %dma_wait3A_239 = tpu.memref_slice %arg5[%dma_wait3A_236, %dma_wait3A_237, %dma_wait3A_238] : memref<2x200x128xi32, #tpu.memory_space<vmem>> -> memref<1x200x128xi32, #tpu.memory_space<vmem>>
    %dma_wait3A_240 = tpu.memref_squeeze %dma_wait3A_239 : memref<1x200x128xi32, #tpu.memory_space<vmem>> -> memref<200x128xi32, #tpu.memory_space<vmem>>
    %dma_wait3A_241 = arith.constant 0 : i32
    %dma_wait3A_242 = tpu.memref_slice %arg3[%dma_wait3A_241, %add3A_235] : memref<200x16384xi32, #tpu.memory_space<hbm>> -> memref<200x128xi32, #tpu.memory_space<hbm>>
    %dma_wait3A_243 = arith.constant 0 : i32
    %dma_wait3A_244 = tpu.memref_slice %arg3[%dma_wait3A_243, %add3A_235] : memref<200x16384xi32, #tpu.memory_space<hbm>> -> memref<200x128xi32, #tpu.memory_space<hbm>>
    %dma_wait3A_245 = arith.constant 0 : i32
    %dma_wait3A_246 = arith.constant 0 : i32
    %dma_wait3A_247 = tpu.memref_slice %arg5[%dma_wait3A_236, %dma_wait3A_245, %dma_wait3A_246] : memref<2x200x128xi32, #tpu.memory_space<vmem>> -> memref<1x200x128xi32, #tpu.memory_space<vmem>>
    %dma_wait3A_248 = tpu.memref_squeeze %dma_wait3A_247 : memref<1x200x128xi32, #tpu.memory_space<vmem>> -> memref<200x128xi32, #tpu.memory_space<vmem>>
    tpu.wait_dma2 semaphore(%arg8 : memref<!tpu.dma_semaphore, #tpu.memory_space<semaphore_mem>>) src(%dma_wait3A_248 : memref<200x128xi32, #tpu.memory_space<vmem>>) dst(%dma_wait3A_244 : memref<200x128xi32, #tpu.memory_space<hbm>>)
    %add3A_249 = arith.constant 384 : i32
    %add3A_250 = arith.addi %mul3A_2, %add3A_249 : i32
    %dma_wait3A_251 = arith.constant 1 : i32
    %dma_wait3A_252 = arith.constant 0 : i32
    %dma_wait3A_253 = arith.constant 0 : i32
    %dma_wait3A_254 = tpu.memref_slice %arg5[%dma_wait3A_251, %dma_wait3A_252, %dma_wait3A_253] : memref<2x200x128xi32, #tpu.memory_space<vmem>> -> memref<1x200x128xi32, #tpu.memory_space<vmem>>
    %dma_wait3A_255 = tpu.memref_squeeze %dma_wait3A_254 : memref<1x200x128xi32, #tpu.memory_space<vmem>> -> memref<200x128xi32, #tpu.memory_space<vmem>>
    %dma_wait3A_256 = arith.constant 0 : i32
    %dma_wait3A_257 = tpu.memref_slice %arg3[%dma_wait3A_256, %add3A_250] : memref<200x16384xi32, #tpu.memory_space<hbm>> -> memref<200x128xi32, #tpu.memory_space<hbm>>
    %dma_wait3A_258 = arith.constant 0 : i32
    %dma_wait3A_259 = tpu.memref_slice %arg3[%dma_wait3A_258, %add3A_250] : memref<200x16384xi32, #tpu.memory_space<hbm>> -> memref<200x128xi32, #tpu.memory_space<hbm>>
    %dma_wait3A_260 = arith.constant 0 : i32
    %dma_wait3A_261 = arith.constant 0 : i32
    %dma_wait3A_262 = tpu.memref_slice %arg5[%dma_wait3A_251, %dma_wait3A_260, %dma_wait3A_261] : memref<2x200x128xi32, #tpu.memory_space<vmem>> -> memref<1x200x128xi32, #tpu.memory_space<vmem>>
    %dma_wait3A_263 = tpu.memref_squeeze %dma_wait3A_262 : memref<1x200x128xi32, #tpu.memory_space<vmem>> -> memref<200x128xi32, #tpu.memory_space<vmem>>
    tpu.wait_dma2 semaphore(%arg9 : memref<!tpu.dma_semaphore, #tpu.memory_space<semaphore_mem>>) src(%dma_wait3A_263 : memref<200x128xi32, #tpu.memory_space<vmem>>) dst(%dma_wait3A_259 : memref<200x128xi32, #tpu.memory_space<hbm>>)
    return
  }
}

</mosaic_0001>

<sc_bundles>
// kernel: kernel.3.cloned.1.call-start
scs
__scs_entry_jumppad:
0x0: {  	(pc) =	sbr.rel $0x88, $3  }
0x1: {  	(tag) =	ssettag $0x0;
	lr =	simm.s32 $0x1  }
0x2: {  	[smem:$0x3FA0] =	sst lr;
	_ =	strace $0xD0000000  }
0x3: {  	_ = 	snop  }
0x4: {  	_ = 	snop  }
0x5: {  	_ = 	snop  }
0x6: {  	_ = 	snop  }
0x7: {  	_ = 	snop  }
__scs_overlays_trampoline_lowered:
0x8: {  	[smem:$0x3FAF] =	sst s0  }
0x9: {  	[smem:$0x3FB0] =	sst s1  }
0xa: {  	[smem:$0x3FB1] =	sst s2  }
0xb: {  	[smem:$0x3FB2] =	sst s3  }
0xc: {  	[smem:$0x3FB3] =	sst s4  }
0xd: {  	[smem:$0x3FB4] =	sst s5  }
0xe: {  	[smem:$0x3FB5] =	sst s6  }
0xf: {  	[smem:$0x3FB6] =	sst s7  }
0x10: {  	[smem:$0x3FB7] =	sst s8  }
0x11: {  	[smem:$0x3FB8] =	sst s9;
	s0 =	simm.s32 @!p0 $0x0  }
0x12: {  	s1 =	sld [smem:$0x3F9E];
	s0 =	simm.s32 @p0 $0x1  }
0x13: {  	[smem:$0x3FB9] =	sst s0;
	s0 =	simm.s32 @!p1 $0x0  }
0x14: {  	s2 =	sld [smem:$0x3F9D];
	s0 =	simm.s32 @p1 $0x1  }
0x15: {  	[smem:$0x3FBA] =	sst s0;
	s0 =	simm.s32 @!p2 $0x0  }
0x16: {  	s3 =	sld [smem:$0x3FDB];
	s0 =	simm.s32 @p2 $0x1  }
0x17: {  	s4 =	simm.s32 $0x1BF5;
	[smem:$0x3FBC] =	sst s0  }
0x18: {  	s0 =	sld [smem:$0x3F9F];
	_ =	swait.ge [sflag:s4], $0x0  }
0x19: {  	s7 =	sld [smem:$0x3FA0]  }
0x1a: {  	s8 =	sadd.s32 $0xFFFFE003, lr  }
0x1b: {  	s9 =	sadd.s32 $0xFFFFFEF7, lr;
	s5 =	simm.s32 $0xFFFFFFFF;
	p2 =	slt.u32 s8, $0xFFFFF086  }
0x1c: {  	p1 =	slt.u32 s9, $0xF7A;
	s5 =	simm.s32 @!p2 $0x0  }
0x1d: {  	s5 =	simm.s32 @p1 $0x1;
	p0 =	seq.s32 s7, s2  }
0x1e: {  	s7 =	smul.u32 @!p0 $0xF7A, s2;
	p2 =	seq.s32 @!p0 s5, $0x0  }
0x1f: {  	s9 =	smul.u32 $0xF7A, s1;
	s8 =	simm.s32 @!p0 $0x1BF5;
	p2 =	por !p2, p0  }
0x20: {  	[sflag:s8] =	ssyncset.s32 @!p0 $0xFFFFF086;
	s6 =	sadd.s32 @!p0 s3, s7;
	s7 =	simm.s32 @!p0 $0x108  }
0x21: {  	s3 =	sadd.s32 s3, s9;
	s6 =	sadd.s32 @!p0 $0x88, s6;
	s7 =	simm.s32 @p2 $0x1082  }
0x22: {  	[simem:s7], [sflag:s8] =	dma.local @!p0 [hbm:s6], $0xF7A  }
0x23: {  	s9 =	sor.u32 $0xD0000000, s2;
	s6 =	simm.s32 $0x108;
	_ =	swait.ge @!p0 [sflag:s8], $0x0  }
0x24: {  	s3 =	sadd.s32 $0x88, s3;
	s6 =	simm.s32 @!p1 $0x1082;
	[sflag:s4] =	ssyncset.s32 $0xFFFFF086  }
0x25: {  	[simem:s6], [sflag:s4] =	dma.local [hbm:s3], $0xF7A  }
0x26: {  	[smem:$0x3FA0] =	sst s1;
	(tag) =	ssettag s2;
	_ =	strace s9  }
0x27: {  	s1 =	sld [smem:$0x3FB0]  }
0x28: {  	s2 =	sld [smem:$0x3FB1]  }
0x29: {  	s4 =	sld [smem:$0x3FB3]  }
0x2a: {  	p0 =	seq.s32 s5, $0x0;
	s5 =	sld [smem:$0x3FB4]  }
0x2b: {  	s6 =	sld [smem:$0x3FB5]  }
0x2c: {  	s7 =	sld [smem:$0x3FB6]  }
0x2d: {  	s3 =	simm.s32 $0x108;
	s8 =	sld [smem:$0x3FB7]  }
0x2e: {  	s3 =	simm.s32 @!p0 $0x1082;
	s9 =	sld [smem:$0x3FB8]  }
0x2f: {  	lr =	sadd.s32 s0, s3;
	s0 =	sld [smem:$0x3FAF]  }
0x30: {  	s3 =	sld [smem:$0x3FB2]  }
0x31: {  	[smem:$0x3FBB] =	sst s10  }
0x32: {  	s10 =	sld [smem:$0x3FB9];
	_ =	sdelay $0x3  }
0x33: {  	p0 =	seq.s32 s10, $0x1;
	s10 =	sld [smem:$0x3FBB];
	_ =	sdelay $0x3  }
0x34: {  	[smem:$0x3FBB] =	sst s10  }
0x35: {  	s10 =	sld [smem:$0x3FBA];
	_ =	sdelay $0x3  }
0x36: {  	p1 =	seq.s32 s10, $0x1;
	s10 =	sld [smem:$0x3FBB];
	_ =	sdelay $0x3  }
0x37: {  	[smem:$0x3FBB] =	sst s10  }
0x38: {  	s10 =	sld [smem:$0x3FBC]  }
0x39: {  	_ = 	snop;
	(pc) =	sbr.ind lr, $3  }
0x3a: {  	_ = 	snop  }
0x3b: {  	_ = 	snop  }
0x3c: {  	p2 =	seq.s32 s10, $0x1;
	s10 =	sld [smem:$0x3FBB]  }
0x3d: {  	_ =	shalt  }
0x3e: {  	_ =	shalt  }
0x3f: {  	_ =	shalt  }
0x40: {  	_ =	shalt  }
0x41: {  	_ =	shalt  }
0x42: {  	_ =	shalt  }
0x43: {  	_ =	shalt  }
0x44: {  	_ =	shalt  }
0x45: {  	_ =	shalt  }
0x46: {  	_ =	shalt  }
0x47: {  	_ =	shalt  }
0x48: {  	_ =	shalt  }
0x49: {  	_ =	shalt  }
0x4a: {  	_ =	shalt  }
0x4b: {  	_ =	shalt  }
0x4c: {  	_ =	shalt  }
0x4d: {  	_ =	shalt  }
0x4e: {  	_ =	shalt  }
0x4f: {  	_ =	shalt  }
0x50: {  	_ =	shalt  }
0x51: {  	_ =	shalt  }
0x52: {  	_ =	shalt  }
0x53: {  	_ =	shalt  }
0x54: {  	_ =	shalt  }
0x55: {  	_ =	shalt  }
0x56: {  	_ =	shalt  }
0x57: {  	_ =	shalt  }
0x58: {  	_ =	shalt  }
0x59: {  	_ =	shalt  }
0x5a: {  	_ =	shalt  }
0x5b: {  	_ =	shalt  }
0x5c: {  	_ =	shalt  }
0x5d: {  	_ =	shalt  }
0x5e: {  	_ =	shalt  }
0x5f: {  	_ =	shalt  }
0x60: {  	_ =	shalt  }
0x61: {  	_ =	shalt  }
0x62: {  	_ =	shalt  }
0x63: {  	_ =	shalt  }
0x64: {  	_ =	shalt  }
0x65: {  	_ =	shalt  }
0x66: {  	_ =	shalt  }
0x67: {  	_ =	shalt  }
0x68: {  	_ =	shalt  }
0x69: {  	_ =	shalt  }
0x6a: {  	_ =	shalt  }
0x6b: {  	_ =	shalt  }
0x6c: {  	_ =	shalt  }
0x6d: {  	_ =	shalt  }
0x6e: {  	_ =	shalt  }
0x6f: {  	_ =	shalt  }
0x70: {  	_ =	shalt  }
0x71: {  	_ =	shalt  }
0x72: {  	_ =	shalt  }
0x73: {  	_ =	shalt  }
0x74: {  	_ =	shalt  }
0x75: {  	_ =	shalt  }
0x76: {  	_ =	shalt  }
0x77: {  	_ =	shalt  }
0x78: {  	_ =	shalt  }
0x79: {  	_ =	shalt  }
0x7a: {  	_ =	shalt  }
0x7b: {  	_ =	shalt  }
0x7c: {  	_ =	shalt  }
0x7d: {  	_ =	shalt  }
0x7e: {  	_ =	shalt  }
0x7f: {  	_ =	shalt  }
0x80: {  	_ =	shalt  }
0x81: {  	_ =	shalt  }
0x82: {  	_ =	shalt  }
0x83: {  	_ =	shalt  }
0x84: {  	_ =	shalt  }
0x85: {  	_ =	shalt  }
0x86: {  	_ =	shalt  }
0x87: {  	_ =	shalt  }
.Lfunc_end0:
.L_simem_size_0:
called_computation_lowered:
.L_overlay_start_0:
0x88: {  	s2 =	sld [smem:$0x3FD9]  }
0x89: {  	s3 =	sld [smem:$0x3FFE];
	_ =	sdelay $0x1  }
0x8a: {  	s1 =	srdreg.scid  }
0x8b: {  	s0 =	sand.u32 $0x1, s1  }
0x8c: {  	s18 =	sshll.u32 s0, $0xA;
	s2 =	sadd.s32 s3, s2  }
0x8d: {  	s2 =	sadd.s32 s2, s18  }
0x8e: {  	[smem:$0x3FC7] =	sst s2  }
0x8f: {  	_ = 	snop  }
0x90: {  	s2 =	sld [smem:$0x3FC9]  }
0x91: {  	s19 =	sld [smem:$0x3FD0];
	(tm) =	ssettm $0x1  }
0x92: {  	s4 =	sld [smem:$0x3FFB];
	_ =	sdelay $0x3  }
0x93: {  	_ =	strace s4  }
0x94: {  	s4 =	sld [smem:$0x3FFC];
	_ =	sdelay $0x3  }
0x95: {  	_ =	strace s4  }
0x96: {  	s4 =	sld [smem:$0x3FFD];
	_ =	sdelay $0x3  }
0x97: {  	_ =	strace s4  }
0x98: {  	_ =	strace $0x8FFFFFFF  }
0x99: {  	s20 =	sld [smem:$0x3FDB];
	_ =	sdelay $0x1  }
0x9a: {  	s5 =	simm.s32 $_scs_section_size  }
0x9b: {  	s6 =	simm.s32 $_size__tile_overlayer_lowered;
	s7 =	simm.s32 $_tile_overlayer_lowered  }
0x9c: {  	s23 =	simm.s32 $0x1BFF;
	s22 =	sshll.u32 s7, $0x1;
	s4 =	sadd.s32 s5, s20  }
0x9d: {  	s8 =	simm.s32 $0x0;
	s21 =	sshll.u32 s6, $0x1;
	s6 =	sadd.s32 s22, s4  }
0x9e: {  	[timem:s8], [sflag:s23] =	dma.local [hbm:s6], s21  }
0x9f: {  	_ =	swait.ge [sflag:s23], s21  }
0xa0: {  	s5 =	ssub.s32 $0x0, s21;
	[sflag:s23] =	ssyncset.done $0x0  }
0xa1: {  	[sflag:s23] =	ssyncadd.s32 s5;
	_ =	sdelay $0x1  }
0xa2: {  	s24 =	simm.s32 $0x1B8B  }
0xa3: {  	_ =	swait.ge [sflag:s24], $0x1  }
0xa4: {  	[sflag:s24] =	ssyncset.done $0x0  }
0xa5: {  	s25 =	simm.s32 $0x1B8E;
	[sflag:s24] =	ssyncadd.s32 $0xFFFFFFFF  }
0xa6: {  	s26 =	simm.s32 $execute0_lowered;
	[smem:$0x3FD2] =	sst s25  }
0xa7: {  	s5 =	sshll.u32 s26, $0x1;
	_ =	strace $0x80000046;
	[dreg:$0x1] =	wrdreg $0xFFFFFFFF  }
0xa8: {  	s28 =	simm.s32 $_size_execute0_lowered;
	s4 =	sadd.s32 s4, s5;
	[dreg:$0x0] =	wrdreg $0x0  }
0xa9: {  	s5 =	sshll.u32 s28, $0x1;
	[dreg:$0x2] =	wrdreg s4  }
0xaa: {  	[dreg:$0x3] =	wrdreg s5  }
0xab: {  	[dreg:$0x4] =	wrdreg $0xC0  }
0xac: {  	_ =	task [dreg:s8], $0x5FFFF  }
0xad: {  	[dreg:$0x1] =	wrdreg $0xFFFFFFFF  }
0xae: {  	[dreg:$0x0] =	wrdreg $0x60  }
0xaf: {  	[dreg:$0x2] =	wrdreg s2  }
0xb0: {  	[dreg:$0x3] =	wrdreg s19  }
0xb1: {  	[dreg:$0x4] =	wrdreg $0x9  }
0xb2: {  	_ =	task.clear_ibuf [dreg:s8], $0x5FFFF;
	_ =	strace $0x90000046  }
0xb3: {  	s29 =	simm.s32 $0x9;
	_ =	strace $0x80000048  }
0xb4: {  	_ =	swait.ge [sflag:s29], $0x1  }
0xb5: {  	[sflag:s29] =	ssyncadd.s32 $0xFFFFFFFF  }
0xb6: {  	_ =	strace $0x90000048  }
0xb7: {  	_ =	sfence  }
0xb8: {  	s30 =	sld [smem:$0x0];
	_ =	sdelay $0x2  }
0xb9: {  	s31 =	sshll.u32 s1, $0xD;
	s1 =	sshrl.u32 s1, $0x2  }
0xba: {  	s3 =	sand.u32 $0x4000, s31;
	s1 =	sadd.s32 s1, s30  }
0xbb: {  	s0 =	sor.u32 s3, s0;
	s1 =	sshll.u32 s1, $0x11  }
0xbc: {  	s0 =	sor.u32 s1, s0  }
0xbd: {  	s0 =	sadd.s32 $0x8F2B, s0  }
0xbe: {  	[sflag:s0] =	ssyncadd.remote.s32 $0x1  }
0xbf: {  	_ =	sfence.sel $0xFFFF  }
0xc0: {  	[dreg:$0x0] =	wrdreg $0xFFFFFFFF;
	(pc) =	sbr.abs _section_cstart, $3  }
0xc1: {  	[dreg:$0x1] =	wrdreg $0xFFFFFFFF  }
0xc2: {  	_ =	task.clear_ibuf [dreg:s8], $0x2FFFF;
	_ =	strace $0x9FFFFFFF  }
0xc3: {  	(tm) =	ssettm $0x7FFFFFFF  }
tec
execute0_lowered:
.L_overlay_start_1:
0x0: {  	(tag) =	ssettag $0x1  }
0x1: {  	s8 =	rddreg [dreg:$0x0]  }
0x2: {  	s10 =	rddreg [dreg:$0x1]  }
0x3: {  	s0 =	rddreg [dreg:$0x2];
	s3 =	srdreg.scid  }
0x4: {  	s2 =	simm.s32 $0x0;
	s1 =	stileid.u32;
	s14 =	simm.s32 $0x1  }
0x5: {  	s15 =	simm.s32 $0x6400;
	s16 =	simm.s32 $0xC800;
	s17 =	simm.s32 $0x2  }
0x6: {  	s18 =	simm.s32 $0x12C00;
	s19 =	simm.s32 $0x3;
	s20 =	simm.s32 $0x4  }
0x7: {  	s21 =	simm.s32 $0x0;
	s3 =	sand.u32 $0x1, s3;
	s5 =	sshll.u32 s1, $0xA  }
0x8: {  	[smem:$0x7FF] =	sst s2;
	s4 =	ssub.s32 $0x2, s3;
	s3 =	sshll.u32 s3, $0x9  }
0x9: {  	_ =	strace $0x80000047;
	s6 =	sshrl.u32 s4, $0x1;
	s7 =	sor.u32 s3, s5  }
0xa: {  	s11 =	ssub.s32 s4, s6;
	s9 =	sor.u32 $0x80, s7;
	s3 =	sadd.s32 s8, s7  }
0xb: {  	s12 =	sor.u32 $0x100, s7;
	s5 =	sadd.s32 s10, s7;
	s13 =	sor.u32 $0x180, s7  }
0xc: {  	s4 =	sadd.s32 s8, s9;
	s6 =	sadd.s32 s8, s12;
	s7 =	sadd.s32 s10, s9  }
0xd: {  	s8 =	sadd.s32 s8, s13;
	s9 =	sadd.s32 s10, s12;
	s10 =	sadd.s32 s10, s13  }
0xe: {  	s11 =	smax.u32 s11, $0x1;
	s12 =	simm.s32 $0x400;
	s13 =	simm.s32 $0x20000  }
.LBB2_1:
0xf: {  	[tilespmem:s2], [sflag:$0x1] =	stream.strided.gather [hbm4b:s3+s12], $0x6400, s13, s12, $0x38;
	[tilespmem:$0x19000] =	vst v63  }
0x10: {  	_ =	swait.ge [sflag:s14], $0x6400  }
0x11: {  	[sflag:s14] =	ssyncset.done $0x0  }
0x12: {  	s22 =	simm.s32 $0x0;
	[sflag:s14] =	ssyncadd.s32 $0xFFFF9C00  }
0x13: {  	[tilespmem:s15], [sflag:$0x2] =	stream.strided.gather [hbm4b:s4+s12], $0x6400, s13, s12, $0x38;
	[tilespmem:$0x19000] =	vst v63  }
0x14: {  	v0 =	vld [tilespmem:s22+$0x70]  }
0x15: {  	v1 =	vld [tilespmem:s22+$0x0]  }
0x16: {  	v2 =	vld [tilespmem:s22+$0x10]  }
0x17: {  	v3 =	vld [tilespmem:s22+$0x20]  }
0x18: {  	v4 =	vld [tilespmem:s22+$0x30]  }
0x19: {  	v5 =	vld [tilespmem:s22+$0x40]  }
0x1a: {  	v6 =	vld [tilespmem:s22+$0x50]  }
0x1b: {  	v9 =	vld [tilespmem:s22+$0x60];
	_ =	sdelay $0x1  }
0x1c: {  	v0 =	vadd.s32 $0xF519F85A, v0  }
0x1d: {  	v1 =	vadd.s32 $0xF519F85A, v1;
	v2 =	vadd.s32 $0xF519F85A, v2;
	v3 =	vadd.s32 $0xF519F85A, v3  }
0x1e: {  	v4 =	vadd.s32 $0xF519F85A, v4;
	v5 =	vadd.s32 $0xF519F85A, v5;
	v7 =	vshrl.u32 v0, $0x10  }
0x1f: {  	v6 =	vadd.s32 $0xF519F85A, v6;
	v9 =	vadd.s32 $0xF519F85A, v9;
	v0 =	vxor.u32 v0, v7  }
0x20: {  	v8 =	vshrl.u32 v1, $0x10;
	v10 =	vshrl.u32 v4, $0x10;
	v0 =	vmul.u32 $0x85EBCA6B, v0  }
0x21: {  	v12 =	vshrl.u32 v5, $0x10;
	v7 =	vshrl.u32 v2, $0x10;
	v1 =	vxor.u32 v1, v8  }
0x22: {  	v8 =	vshrl.u32 v3, $0x10;
	v4 =	vxor.u32 v4, v10;
	v11 =	vshrl.u32 v0, $0xD  }
0x23: {  	v5 =	vxor.u32 v5, v12;
	v2 =	vxor.u32 v2, v7;
	v0 =	vxor.u32 v0, v11  }
0x24: {  	v3 =	vxor.u32 v3, v8;
	v7 =	vshrl.u32 v9, $0x10;
	v0 =	vmul.u32 $0xC2B2AE35, v0  }
0x25: {  	v1 =	vmul.u32 $0x85EBCA6B, v1;
	v4 =	vmul.u32 $0x85EBCA6B, v4;
	v5 =	vmul.u32 $0x85EBCA6B, v5  }
0x26: {  	v7 =	vxor.u32 v9, v7;
	v2 =	vmul.u32 $0x85EBCA6B, v2;
	v8 =	vshrl.u32 v0, $0x10  }
0x27: {  	v3 =	vmul.u32 $0x85EBCA6B, v3;
	v7 =	vmul.u32 $0x85EBCA6B, v7;
	v0 =	vxor.u32 v0, v8  }
0x28: {  	v9 =	vshrl.u32 v1, $0xD;
	v12 =	vshrl.u32 v4, $0xD;
	v8 =	vshrl.u32 v0, $0x5  }
0x29: {  	v13 =	vshrl.u32 v5, $0xD;
	v11 =	vshrl.u32 v6, $0x10;
	v8 =	vmulhi.u32 $0xA7C5AC5, v8  }
0x2a: {  	v10 =	vshrl.u32 v2, $0xD;
	v1 =	vxor.u32 v1, v9;
	v6 =	vxor.u32 v6, v11  }
0x2b: {  	v11 =	vshrl.u32 v3, $0xD;
	v6 =	vmul.u32 $0x85EBCA6B, v6;
	v8 =	vshrl.u32 v8, $0x7  }
0x2c: {  	v15 =	vshrl.u32 v7, $0xD;
	v2 =	vxor.u32 v2, v10;
	v8 =	vmul.u32 $0x186A0, v8  }
0x2d: {  	v1 =	vmul.u32 $0xC2B2AE35, v1;
	v2 =	vmul.u32 $0xC2B2AE35, v2;
	v14 =	vshrl.u32 v6, $0xD  }
0x2e: {  	v16 =	vsub.s32 v0, v8;
	v0 =	vxor.u32 v3, v11;
	v3 =	vxor.u32 v4, v12  }
0x2f: {  	v4 =	vxor.u32 v5, v13;
	v5 =	vxor.u32 v6, v14;
	v6 =	vxor.u32 v7, v15  }
0x30: {  	v0 =	vmul.u32 $0xC2B2AE35, v0;
	v3 =	vmul.u32 $0xC2B2AE35, v3;
	v8 =	vmul.u32 $0xC2B2AE35, v4  }
0x31: {  	v9 =	vmul.u32 $0xC2B2AE35, v5;
	v4 =	vshrl.u32 v1, $0x10;
	v5 =	vshrl.u32 v2, $0x10  }
0x32: {  	v10 =	vmul.u32 $0xC2B2AE35, v6;
	v7 =	vxor.u32 v1, v4;
	v6 =	vxor.u32 v2, v5  }
0x33: {  	v11 =	vshrl.u32 v0, $0x10;
	v12 =	vshrl.u32 v3, $0x10;
	v13 =	vshrl.u32 v8, $0x10  }
0x34: {  	v14 =	vshrl.u32 v9, $0x10;
	v15 =	vshrl.u32 v10, $0x10;
	v5 =	vxor.u32 v0, v11  }
0x35: {  	v4 =	vxor.u32 v3, v12;
	v2 =	vxor.u32 v8, v13;
	v3 =	vshrl.u32 v7, $0x5  }
0x36: {  	v1 =	vxor.u32 v9, v14;
	v0 =	vxor.u32 v10, v15;
	v8 =	vshrl.u32 v6, $0x5  }
0x37: {  	v11 =	vshrl.u32 v5, $0x5;
	v12 =	vshrl.u32 v4, $0x5;
	v3 =	vmulhi.u32 $0xA7C5AC5, v3  }
0x38: {  	v10 =	vshrl.u32 v2, $0x5;
	v9 =	vshrl.u32 v1, $0x5;
	v13 =	vmulhi.u32 $0xA7C5AC5, v8  }
0x39: {  	v8 =	vshrl.u32 v0, $0x5;
	v11 =	vmulhi.u32 $0xA7C5AC5, v11;
	v3 =	vshrl.u32 v3, $0x7  }
0x3a: {  	s23 =	simm.s32 $0x80;
	s24 =	simm.s32 $0x400;
	[tilespmem:s22+$0xC870] =	vst v16;
	v12 =	vmulhi.u32 $0xA7C5AC5, v12;
	v13 =	vshrl.u32 v13, $0x7;
	v3 =	vmul.u32 $0x186A0, v3  }
.LBB2_2:
0x3b: {  	p0 =	sne.s32 s24, $0x18E00;
	v14 =	vld [tilespmem:s23+$0x70];
	v13 =	vmul.u32 $0x186A0, v13;
	v11 =	vshrl.u32 v11, $0x7;
	v10 =	vmulhi.u32 $0xA7C5AC5, v10  }
0x3c: {  	v9 =	vmulhi.u32 $0xA7C5AC5, v9;
	v15 =	vld [tilespmem:s23+$0x0];
	v11 =	vmul.u32 $0x186A0, v11;
	v12 =	vshrl.u32 v12, $0x7  }
0x3d: {  	v8 =	vmulhi.u32 $0xA7C5AC5, v8;
	v16 =	vld [tilespmem:s23+$0x10];
	v12 =	vmul.u32 $0x186A0, v12;
	v10 =	vshrl.u32 v10, $0x7  }
0x3e: {  	v7 =	vsub.s32 v7, v3;
	v9 =	vshrl.u32 v9, $0x7;
	v17 =	vld [tilespmem:s23+$0x20];
	v3 =	vmul.u32 $0x186A0, v10  }
0x3f: {  	v6 =	vsub.s32 v6, v13;
	v13 =	vmul.u32 $0x186A0, v9;
	v10 =	vld [tilespmem:s23+$0x30];
	[tilespmem:s22+$0xC800] =	vst v7;
	v7 =	vshrl.u32 v8, $0x7  }
0x40: {  	v5 =	vsub.s32 v5, v11;
	v8 =	vld [tilespmem:s23+$0x40];
	v9 =	vadd.s32 $0xF519F85A, v14;
	[tilespmem:s22+$0xC810] =	vst v6;
	v11 =	vmul.u32 $0x186A0, v7  }
0x41: {  	v4 =	vsub.s32 v4, v12;
	v6 =	vadd.s32 $0xF519F85A, v15;
	v7 =	vld [tilespmem:s23+$0x50];
	v14 =	vshrl.u32 v9, $0x10;
	[tilespmem:s22+$0xC820] =	vst v5  }
0x42: {  	v5 =	vshrl.u32 v6, $0x10;
	v12 =	vadd.s32 $0xF519F85A, v16;
	v15 =	vld [tilespmem:s23+$0x60];
	v9 =	vxor.u32 v9, v14;
	[tilespmem:s22+$0xC830] =	vst v4  }
0x43: {  	v4 =	vshrl.u32 v12, $0x10;
	v14 =	vadd.s32 $0xF519F85A, v17;
	v9 =	vmul.u32 $0x85EBCA6B, v9  }
0x44: {  	v5 =	vxor.u32 v6, v5;
	v6 =	vshrl.u32 v14, $0x10;
	v10 =	vadd.s32 $0xF519F85A, v10  }
0x45: {  	v16 =	vshrl.u32 v10, $0x10;
	v8 =	vadd.s32 $0xF519F85A, v8;
	v17 =	vshrl.u32 v9, $0xD  }
0x46: {  	v18 =	vshrl.u32 v8, $0x10;
	v7 =	vadd.s32 $0xF519F85A, v7;
	v9 =	vxor.u32 v9, v17  }
0x47: {  	v17 =	vshrl.u32 v7, $0x10;
	v15 =	vadd.s32 $0xF519F85A, v15;
	v9 =	vmul.u32 $0xC2B2AE35, v9  }
0x48: {  	v4 =	vxor.u32 v12, v4;
	v6 =	vxor.u32 v14, v6;
	v12 =	vshrl.u32 v15, $0x10  }
0x49: {  	v10 =	vxor.u32 v10, v16;
	v8 =	vxor.u32 v8, v18;
	v14 =	vshrl.u32 v9, $0x10  }
0x4a: {  	v7 =	vxor.u32 v7, v17;
	v12 =	vxor.u32 v15, v12;
	v9 =	vxor.u32 v9, v14  }
0x4b: {  	v5 =	vmul.u32 $0x85EBCA6B, v5;
	v4 =	vmul.u32 $0x85EBCA6B, v4;
	v14 =	vshrl.u32 v9, $0x5  }
0x4c: {  	v6 =	vmul.u32 $0x85EBCA6B, v6;
	v10 =	vmul.u32 $0x85EBCA6B, v10;
	v14 =	vmulhi.u32 $0xA7C5AC5, v14  }
0x4d: {  	v8 =	vmul.u32 $0x85EBCA6B, v8;
	v7 =	vmul.u32 $0x85EBCA6B, v7;
	v12 =	vmul.u32 $0x85EBCA6B, v12  }
0x4e: {  	v16 =	vshrl.u32 v4, $0xD;
	v15 =	vshrl.u32 v5, $0xD;
	v14 =	vshrl.u32 v14, $0x7  }
0x4f: {  	v17 =	vshrl.u32 v6, $0xD;
	v18 =	vshrl.u32 v10, $0xD;
	v14 =	vmul.u32 $0x186A0, v14  }
0x50: {  	v19 =	vshrl.u32 v8, $0xD;
	v20 =	vshrl.u32 v7, $0xD;
	v21 =	vshrl.u32 v12, $0xD  }
0x51: {  	v4 =	vxor.u32 v4, v16;
	v5 =	vxor.u32 v5, v15;
	v9 =	vsub.s32 v9, v14  }
0x52: {  	v6 =	vxor.u32 v6, v17;
	v10 =	vxor.u32 v10, v18;
	v8 =	vxor.u32 v8, v19;
	[tilespmem:s23+$0xC870] =	vst v9  }
0x53: {  	v5 =	vmul.u32 $0xC2B2AE35, v5;
	v7 =	vxor.u32 v7, v20;
	v9 =	vxor.u32 v12, v21  }
0x54: {  	v4 =	vmul.u32 $0xC2B2AE35, v4;
	v10 =	vmul.u32 $0xC2B2AE35, v10;
	v12 =	vmul.u32 $0xC2B2AE35, v6  }
0x55: {  	v8 =	vmul.u32 $0xC2B2AE35, v8;
	v14 =	vmul.u32 $0xC2B2AE35, v7;
	v9 =	vmul.u32 $0xC2B2AE35, v9  }
0x56: {  	v15 =	vshrl.u32 v4, $0x10;
	v6 =	vshrl.u32 v5, $0x10;
	v16 =	vshrl.u32 v12, $0x10  }
0x57: {  	v17 =	vshrl.u32 v10, $0x10;
	v18 =	vshrl.u32 v8, $0x10;
	v19 =	vshrl.u32 v14, $0x10  }
0x58: {  	v7 =	vxor.u32 v5, v6;
	v6 =	vxor.u32 v4, v15;
	v15 =	vshrl.u32 v9, $0x10  }
0x59: {  	v4 =	vxor.u32 v10, v17;
	v5 =	vxor.u32 v12, v16;
	v12 =	vxor.u32 v8, v18  }
0x5a: {  	v14 =	vxor.u32 v14, v19;
	v16 =	vshrl.u32 v7, $0x5;
	v15 =	vxor.u32 v9, v15  }
0x5b: {  	v17 =	vshrl.u32 v6, $0x5;
	v19 =	vshrl.u32 v4, $0x5;
	v18 =	vshrl.u32 v5, $0x5  }
.Ltmp0:
0x5c: {  	v10 =	vshrl.u32 v12, $0x5;
	v9 =	vshrl.u32 v14, $0x5;
	v8 =	vshrl.u32 v15, $0x5;
	(pc) =	sbr.rel @p0 .LBB2_2-.Ltmp0, $4  }
0x5d: {  	v3 =	vsub.s32 v2, v3;
	v13 =	vsub.s32 v1, v13;
	v1 =	vmovc v14;
	v16 =	vmulhi.u32 $0xA7C5AC5, v16;
	v2 =	vmovc v12  }
0x5e: {  	v12 =	vmulhi.u32 $0xA7C5AC5, v17;
	v14 =	vsub.s32 v0, v11;
	v0 =	vmov v15;
	[tilespmem:s22+$0xC840] =	vst v3  }
0x5f: {  	v11 =	vmulhi.u32 $0xA7C5AC5, v18;
	v3 =	vshrl.u32 v16, $0x7;
	[tilespmem:s22+$0xC850] =	vst v13  }
0x60: {  	v3 =	vmul.u32 $0x186A0, v3;
	v13 =	vshrl.u32 v12, $0x7;
	v12 =	vmulhi.u32 $0xA7C5AC5, v19;
	[tilespmem:s22+$0xC860] =	vst v14;
	s22 =	smov.u32 s23;
	s23 =	sshra.s32 s24, $0x2;
	s24 =	sadd.s32 $0x200, s24  }
0x61: {  	v14 =	vld [tilespmem:s23+$0x70]  }
0x62: {  	v15 =	vld [tilespmem:s23+$0x0];
	v10 =	vmulhi.u32 $0xA7C5AC5, v10  }
0x63: {  	v16 =	vld [tilespmem:s23+$0x10];
	v13 =	vmul.u32 $0x186A0, v13;
	v11 =	vshrl.u32 v11, $0x7;
	v9 =	vmulhi.u32 $0xA7C5AC5, v9  }
0x64: {  	v17 =	vld [tilespmem:s23+$0x20];
	v8 =	vmulhi.u32 $0xA7C5AC5, v8;
	v12 =	vshrl.u32 v12, $0x7;
	v3 =	vsub.s32 v7, v3  }
0x65: {  	v7 =	vld [tilespmem:s23+$0x30];
	v11 =	vmul.u32 $0x186A0, v11;
	v12 =	vmul.u32 $0x186A0, v12;
	[tilespmem:s22+$0xC800] =	vst v3;
	v3 =	vshrl.u32 v10, $0x7  }
0x66: {  	v9 =	vshrl.u32 v9, $0x7;
	v6 =	vsub.s32 v6, v13;
	v8 =	vshrl.u32 v8, $0x7  }
0x67: {  	v3 =	vmul.u32 $0x186A0, v3;
	v9 =	vmul.u32 $0x186A0, v9;
	v5 =	vsub.s32 v5, v11  }
0x68: {  	v10 =	vld [tilespmem:s23+$0x40];
	[tilespmem:s22+$0xC810] =	vst v6;
	v8 =	vmul.u32 $0x186A0, v8;
	v4 =	vsub.s32 v4, v12;
	v6 =	vadd.s32 $0xF519F85A, v14  }
0x69: {  	v13 =	vadd.s32 $0xF519F85A, v15;
	v12 =	vadd.s32 $0xF519F85A, v16;
	v47 =	vadd.s32 $0xF519F85A, v17  }
0x6a: {  	v2 =	vsub.s32 v2, v3;
	v1 =	vsub.s32 v1, v9;
	v0 =	vsub.s32 v0, v8  }
0x6b: {  	v11 =	vld [tilespmem:s23+$0x50];
	[tilespmem:s22+$0xC820] =	vst v5;
	v14 =	vshrl.u32 v6, $0x10;
	v5 =	vshrl.u32 v13, $0x10;
	v7 =	vadd.s32 $0xF519F85A, v7  }
0x6c: {  	v6 =	vxor.u32 v6, v14;
	v14 =	vshrl.u32 v12, $0x10;
	v5 =	vxor.u32 v13, v5  }
0x6d: {  	v15 =	vld [tilespmem:s23+$0x60];
	v13 =	vshrl.u32 v47, $0x10;
	v48 =	vshrl.u32 v7, $0x10;
	v6 =	vmul.u32 $0x85EBCA6B, v6  }
0x6e: {  	v10 =	vadd.s32 $0xF519F85A, v10;
	v12 =	vxor.u32 v12, v14;
	v13 =	vxor.u32 v47, v13  }
0x6f: {  	v7 =	vxor.u32 v7, v48;
	v5 =	vmul.u32 $0x85EBCA6B, v5;
	v19 =	vshrl.u32 v10, $0x10  }
0x70: {  	v11 =	vadd.s32 $0xF519F85A, v11;
	v12 =	vmul.u32 $0x85EBCA6B, v12;
	v13 =	vmul.u32 $0x85EBCA6B, v13  }
0x71: {  	v7 =	vmul.u32 $0x85EBCA6B, v7;
	v18 =	vshrl.u32 v6, $0xD;
	v49 =	vshrl.u32 v11, $0x10  }
0x72: {  	v15 =	vadd.s32 $0xF519F85A, v15;
	v10 =	vxor.u32 v10, v19;
	v51 =	vshrl.u32 v5, $0xD  }
0x73: {  	v6 =	vxor.u32 v6, v18;
	v14 =	vshrl.u32 v15, $0x10;
	v11 =	vxor.u32 v11, v49  }
0x74: {  	v10 =	vmul.u32 $0x85EBCA6B, v10;
	v52 =	vshrl.u32 v12, $0xD;
	v53 =	vshrl.u32 v13, $0xD  }
0x75: {  	v54 =	vshrl.u32 v7, $0xD;
	v5 =	vxor.u32 v5, v51;
	v6 =	vmul.u32 $0xC2B2AE35, v6  }
0x76: {  	v14 =	vxor.u32 v15, v14;
	v11 =	vmul.u32 $0x85EBCA6B, v11;
	v12 =	vxor.u32 v12, v52  }
0x77: {  	v13 =	vxor.u32 v13, v53;
	v7 =	vxor.u32 v7, v54;
	v5 =	vmul.u32 $0xC2B2AE35, v5  }
0x78: {  	v14 =	vmul.u32 $0x85EBCA6B, v14;
	v20 =	vshrl.u32 v10, $0xD;
	v12 =	vmul.u32 $0xC2B2AE35, v12  }
0x79: {  	v13 =	vmul.u32 $0xC2B2AE35, v13;
	v7 =	vmul.u32 $0xC2B2AE35, v7;
	v50 =	vshrl.u32 v6, $0x10  }
0x7a: {  	v21 =	vshrl.u32 v11, $0xD;
	v10 =	vxor.u32 v10, v20;
	v6 =	vxor.u32 v6, v50  }
0x7b: {  	v55 =	vshrl.u32 v14, $0xD;
	v11 =	vxor.u32 v11, v21;
	v10 =	vmul.u32 $0xC2B2AE35, v10  }
0x7c: {  	v56 =	vshrl.u32 v12, $0x10;
	v57 =	vshrl.u32 v13, $0x10;
	v15 =	vshrl.u32 v6, $0x5  }
0x7d: {  	v58 =	vshrl.u32 v7, $0x10;
	v14 =	vxor.u32 v14, v55;
	v15 =	vmulhi.u32 $0xA7C5AC5, v15  }
0x7e: {  	v11 =	vmul.u32 $0xC2B2AE35, v11;
	v12 =	vxor.u32 v12, v56;
	v13 =	vxor.u32 v13, v57  }
0x7f: {  	v7 =	vxor.u32 v7, v58;
	v14 =	vmul.u32 $0xC2B2AE35, v14;
	v15 =	vshrl.u32 v15, $0x7  }
0x80: {  	v59 =	vshrl.u32 v10, $0x10;
	v17 =	vshrl.u32 v13, $0x5;
	v15 =	vmul.u32 $0x186A0, v15  }
0x81: {  	[tilespmem:s22+$0xC830] =	vst v4;
	v18 =	vshrl.u32 v7, $0x5;
	v60 =	vshrl.u32 v11, $0x10;
	v4 =	vmulhi.u32 $0xA7C5AC5, v17  }
0x82: {  	v10 =	vxor.u32 v10, v59;
	v8 =	vmulhi.u32 $0xA7C5AC5, v18;
	v6 =	vsub.s32 v6, v15  }
0x83: {  	v11 =	vxor.u32 v11, v60;
	v19 =	vshrl.u32 v10, $0x5;
	v15 =	vshrl.u32 v5, $0x10;
	[tilespmem:s23+$0xC870] =	vst v6  }
0x84: {  	v20 =	vshrl.u32 v11, $0x5;
	v5 =	vxor.u32 v5, v15;
	[tilespmem:s22+$0xC850] =	vst v1;
	v1 =	vmulhi.u32 $0xA7C5AC5, v19  }
0x85: {  	v15 =	vshrl.u32 v14, $0x10;
	v61 =	vshrl.u32 v5, $0x5;
	[tilespmem:s22+$0xC860] =	vst v0;
	v0 =	vmulhi.u32 $0xA7C5AC5, v20  }
0x86: {  	v14 =	vxor.u32 v14, v15;
	v15 =	vshrl.u32 v12, $0x5;
	v16 =	vmulhi.u32 $0xA7C5AC5, v61  }
0x87: {  	v4 =	vshrl.u32 v4, $0x7;
	v3 =	vmulhi.u32 $0xA7C5AC5, v15;
	v1 =	vshrl.u32 v1, $0x7  }
0x88: {  	v0 =	vshrl.u32 v0, $0x7;
	v6 =	vshrl.u32 v16, $0x7;
	v1 =	vmul.u32 $0x186A0, v1  }
0x89: {  	[tilespmem:s22+$0xC840] =	vst v2;
	v3 =	vshrl.u32 v3, $0x7;
	v0 =	vmul.u32 $0x186A0, v0;
	v2 =	vmul.u32 $0x186A0, v6  }
0x8a: {  	v62 =	vshrl.u32 v14, $0x5;
	v3 =	vmul.u32 $0x186A0, v3;
	v1 =	vsub.s32 v10, v1  }
0x8b: {  	v0 =	vsub.s32 v11, v0;
	v2 =	vsub.s32 v5, v2;
	v5 =	vmulhi.u32 $0xA7C5AC5, v62;
	[tilespmem:s23+$0xC840] =	vst v1  }
0x8c: {  	v4 =	vmul.u32 $0x186A0, v4;
	v6 =	vshrl.u32 v8, $0x7;
	[tilespmem:s23+$0xC850] =	vst v0  }
0x8d: {  	v6 =	vmul.u32 $0x186A0, v6;
	[tilespmem:s23+$0xC800] =	vst v2;
	v2 =	vsub.s32 v12, v3;
	v3 =	vshrl.u32 v5, $0x7  }
0x8e: {  	[tilespmem:s23+$0xC810] =	vst v2;
	v2 =	vsub.s32 v13, v4;
	v3 =	vmul.u32 $0x186A0, v3  }
0x8f: {  	[tilespmem:s23+$0xC820] =	vst v2;
	v2 =	vsub.s32 v7, v6  }
0x90: {  	[tilespmem:s23+$0xC830] =	vst v2;
	v1 =	vsub.s32 v14, v3  }
0x91: {  	[tilespmem:s23+$0xC860] =	vst v1  }
0x92: {  	[hbm4b:s5+s12] =	stream.strided.scatter [tilespmem:s16], [sflag:$0x3], $0x6400, s13, s12, $0x38;
	[tilespmem:$0x19000] =	vst v63  }
0x93: {  	_ =	swait.ge [sflag:s17], $0x6400  }
0x94: {  	[sflag:s17] =	ssyncset.done $0x0  }
0x95: {  	s31 =	simm.s32 $0x0;
	s22 =	simm.s32 $0x0;
	[sflag:s17] =	ssyncadd.s32 $0xFFFF9C00  }
0x96: {  	[tilespmem:s31], [sflag:$0x1] =	stream.strided.gather [hbm4b:s6+s12], $0x6400, s13, s12, $0x38;
	[tilespmem:$0x19000] =	vst v63  }
0x97: {  	v0 =	vld [tilespmem:s22+$0x6470]  }
0x98: {  	v1 =	vld [tilespmem:s22+$0x6400]  }
0x99: {  	v2 =	vld [tilespmem:s22+$0x6410]  }
0x9a: {  	v3 =	vld [tilespmem:s22+$0x6420]  }
0x9b: {  	v4 =	vld [tilespmem:s22+$0x6430]  }
0x9c: {  	v5 =	vld [tilespmem:s22+$0x6440]  }
0x9d: {  	v6 =	vld [tilespmem:s22+$0x6450]  }
0x9e: {  	v9 =	vld [tilespmem:s22+$0x6460];
	_ =	sdelay $0x1  }
0x9f: {  	v0 =	vadd.s32 $0xF519F85A, v0  }
0xa0: {  	v1 =	vadd.s32 $0xF519F85A, v1;
	v2 =	vadd.s32 $0xF519F85A, v2;
	v3 =	vadd.s32 $0xF519F85A, v3  }
0xa1: {  	v4 =	vadd.s32 $0xF519F85A, v4;
	v5 =	vadd.s32 $0xF519F85A, v5;
	v7 =	vshrl.u32 v0, $0x10  }
0xa2: {  	v6 =	vadd.s32 $0xF519F85A, v6;
	v9 =	vadd.s32 $0xF519F85A, v9;
	v0 =	vxor.u32 v0, v7  }
0xa3: {  	v8 =	vshrl.u32 v1, $0x10;
	v10 =	vshrl.u32 v4, $0x10;
	v0 =	vmul.u32 $0x85EBCA6B, v0  }
0xa4: {  	v12 =	vshrl.u32 v5, $0x10;
	v7 =	vshrl.u32 v2, $0x10;
	v1 =	vxor.u32 v1, v8  }
0xa5: {  	v8 =	vshrl.u32 v3, $0x10;
	v4 =	vxor.u32 v4, v10;
	v11 =	vshrl.u32 v0, $0xD  }
0xa6: {  	v5 =	vxor.u32 v5, v12;
	v2 =	vxor.u32 v2, v7;
	v0 =	vxor.u32 v0, v11  }
0xa7: {  	v3 =	vxor.u32 v3, v8;
	v7 =	vshrl.u32 v9, $0x10;
	v0 =	vmul.u32 $0xC2B2AE35, v0  }
0xa8: {  	v1 =	vmul.u32 $0x85EBCA6B, v1;
	v4 =	vmul.u32 $0x85EBCA6B, v4;
	v5 =	vmul.u32 $0x85EBCA6B, v5  }
0xa9: {  	v7 =	vxor.u32 v9, v7;
	v2 =	vmul.u32 $0x85EBCA6B, v2;
	v8 =	vshrl.u32 v0, $0x10  }
0xaa: {  	v3 =	vmul.u32 $0x85EBCA6B, v3;
	v7 =	vmul.u32 $0x85EBCA6B, v7;
	v0 =	vxor.u32 v0, v8  }
0xab: {  	v9 =	vshrl.u32 v1, $0xD;
	v12 =	vshrl.u32 v4, $0xD;
	v8 =	vshrl.u32 v0, $0x5  }
0xac: {  	v13 =	vshrl.u32 v5, $0xD;
	v11 =	vshrl.u32 v6, $0x10;
	v8 =	vmulhi.u32 $0xA7C5AC5, v8  }
0xad: {  	v10 =	vshrl.u32 v2, $0xD;
	v1 =	vxor.u32 v1, v9;
	v6 =	vxor.u32 v6, v11  }
0xae: {  	v11 =	vshrl.u32 v3, $0xD;
	v6 =	vmul.u32 $0x85EBCA6B, v6;
	v8 =	vshrl.u32 v8, $0x7  }
0xaf: {  	v15 =	vshrl.u32 v7, $0xD;
	v2 =	vxor.u32 v2, v10;
	v8 =	vmul.u32 $0x186A0, v8  }
0xb0: {  	v1 =	vmul.u32 $0xC2B2AE35, v1;
	v2 =	vmul.u32 $0xC2B2AE35, v2;
	v14 =	vshrl.u32 v6, $0xD  }
0xb1: {  	v63 =	vsub.s32 v0, v8;
	v0 =	vxor.u32 v3, v11;
	v3 =	vxor.u32 v4, v12  }
0xb2: {  	v4 =	vxor.u32 v5, v13;
	v5 =	vxor.u32 v6, v14;
	v6 =	vxor.u32 v7, v15  }
0xb3: {  	v0 =	vmul.u32 $0xC2B2AE35, v0;
	v3 =	vmul.u32 $0xC2B2AE35, v3;
	v8 =	vmul.u32 $0xC2B2AE35, v4  }
0xb4: {  	v9 =	vmul.u32 $0xC2B2AE35, v5;
	v4 =	vshrl.u32 v1, $0x10;
	v5 =	vshrl.u32 v2, $0x10  }
0xb5: {  	v10 =	vmul.u32 $0xC2B2AE35, v6;
	v7 =	vxor.u32 v1, v4;
	v6 =	vxor.u32 v2, v5  }
0xb6: {  	v11 =	vshrl.u32 v0, $0x10;
	v12 =	vshrl.u32 v3, $0x10;
	v13 =	vshrl.u32 v8, $0x10  }
0xb7: {  	v14 =	vshrl.u32 v9, $0x10;
	v15 =	vshrl.u32 v10, $0x10;
	v5 =	vxor.u32 v0, v11  }
0xb8: {  	v4 =	vxor.u32 v3, v12;
	v2 =	vxor.u32 v8, v13;
	v3 =	vshrl.u32 v7, $0x5  }
0xb9: {  	v1 =	vxor.u32 v9, v14;
	v0 =	vxor.u32 v10, v15;
	v8 =	vshrl.u32 v6, $0x5  }
0xba: {  	v11 =	vshrl.u32 v5, $0x5;
	v12 =	vshrl.u32 v4, $0x5;
	v3 =	vmulhi.u32 $0xA7C5AC5, v3  }
0xbb: {  	v10 =	vshrl.u32 v2, $0x5;
	v9 =	vshrl.u32 v1, $0x5;
	v13 =	vmulhi.u32 $0xA7C5AC5, v8  }
0xbc: {  	v8 =	vshrl.u32 v0, $0x5;
	v11 =	vmulhi.u32 $0xA7C5AC5, v11;
	v3 =	vshrl.u32 v3, $0x7  }
0xbd: {  	s24 =	simm.s32 $0x400;
	s23 =	simm.s32 $0x80;
	[tilespmem:s22+$0x12C70] =	vst v63;
	v12 =	vmulhi.u32 $0xA7C5AC5, v12;
	v13 =	vshrl.u32 v13, $0x7;
	v3 =	vmul.u32 $0x186A0, v3  }
.LBB2_4:
0xbe: {  	p0 =	sne.s32 s24, $0x18E00;
	v14 =	vld [tilespmem:s23+$0x6470];
	v13 =	vmul.u32 $0x186A0, v13;
	v11 =	vshrl.u32 v11, $0x7;
	v10 =	vmulhi.u32 $0xA7C5AC5, v10  }
0xbf: {  	v9 =	vmulhi.u32 $0xA7C5AC5, v9;
	v15 =	vld [tilespmem:s23+$0x6400];
	v11 =	vmul.u32 $0x186A0, v11;
	v12 =	vshrl.u32 v12, $0x7  }
0xc0: {  	v8 =	vmulhi.u32 $0xA7C5AC5, v8;
	v16 =	vld [tilespmem:s23+$0x6410];
	v12 =	vmul.u32 $0x186A0, v12;
	v10 =	vshrl.u32 v10, $0x7  }
0xc1: {  	v7 =	vsub.s32 v7, v3;
	v9 =	vshrl.u32 v9, $0x7;
	v17 =	vld [tilespmem:s23+$0x6420];
	v3 =	vmul.u32 $0x186A0, v10  }
0xc2: {  	v6 =	vsub.s32 v6, v13;
	v13 =	vmul.u32 $0x186A0, v9;
	v10 =	vld [tilespmem:s23+$0x6430];
	[tilespmem:s22+$0x12C00] =	vst v7;
	v7 =	vshrl.u32 v8, $0x7  }
0xc3: {  	v5 =	vsub.s32 v5, v11;
	v8 =	vld [tilespmem:s23+$0x6440];
	v9 =	vadd.s32 $0xF519F85A, v14;
	[tilespmem:s22+$0x12C10] =	vst v6;
	v11 =	vmul.u32 $0x186A0, v7  }
0xc4: {  	v4 =	vsub.s32 v4, v12;
	v6 =	vadd.s32 $0xF519F85A, v15;
	v7 =	vld [tilespmem:s23+$0x6450];
	v14 =	vshrl.u32 v9, $0x10;
	[tilespmem:s22+$0x12C20] =	vst v5  }
0xc5: {  	v5 =	vshrl.u32 v6, $0x10;
	v12 =	vadd.s32 $0xF519F85A, v16;
	v15 =	vld [tilespmem:s23+$0x6460];
	v9 =	vxor.u32 v9, v14;
	[tilespmem:s22+$0x12C30] =	vst v4  }
0xc6: {  	v4 =	vshrl.u32 v12, $0x10;
	v14 =	vadd.s32 $0xF519F85A, v17;
	v9 =	vmul.u32 $0x85EBCA6B, v9  }
0xc7: {  	v5 =	vxor.u32 v6, v5;
	v6 =	vshrl.u32 v14, $0x10;
	v10 =	vadd.s32 $0xF519F85A, v10  }
0xc8: {  	v16 =	vshrl.u32 v10, $0x10;
	v8 =	vadd.s32 $0xF519F85A, v8;
	v17 =	vshrl.u32 v9, $0xD  }
0xc9: {  	v18 =	vshrl.u32 v8, $0x10;
	v7 =	vadd.s32 $0xF519F85A, v7;
	v9 =	vxor.u32 v9, v17  }
0xca: {  	v17 =	vshrl.u32 v7, $0x10;
	v15 =	vadd.s32 $0xF519F85A, v15;
	v9 =	vmul.u32 $0xC2B2AE35, v9  }
0xcb: {  	v4 =	vxor.u32 v12, v4;
	v6 =	vxor.u32 v14, v6;
	v12 =	vshrl.u32 v15, $0x10  }
0xcc: {  	v10 =	vxor.u32 v10, v16;
	v8 =	vxor.u32 v8, v18;
	v14 =	vshrl.u32 v9, $0x10  }
0xcd: {  	v7 =	vxor.u32 v7, v17;
	v12 =	vxor.u32 v15, v12;
	v9 =	vxor.u32 v9, v14  }
0xce: {  	v5 =	vmul.u32 $0x85EBCA6B, v5;
	v4 =	vmul.u32 $0x85EBCA6B, v4;
	v14 =	vshrl.u32 v9, $0x5  }
0xcf: {  	v6 =	vmul.u32 $0x85EBCA6B, v6;
	v10 =	vmul.u32 $0x85EBCA6B, v10;
	v14 =	vmulhi.u32 $0xA7C5AC5, v14  }
0xd0: {  	v8 =	vmul.u32 $0x85EBCA6B, v8;
	v7 =	vmul.u32 $0x85EBCA6B, v7;
	v12 =	vmul.u32 $0x85EBCA6B, v12  }
0xd1: {  	v16 =	vshrl.u32 v4, $0xD;
	v15 =	vshrl.u32 v5, $0xD;
	v14 =	vshrl.u32 v14, $0x7  }
0xd2: {  	v17 =	vshrl.u32 v6, $0xD;
	v18 =	vshrl.u32 v10, $0xD;
	v14 =	vmul.u32 $0x186A0, v14  }
0xd3: {  	v19 =	vshrl.u32 v8, $0xD;
	v20 =	vshrl.u32 v7, $0xD;
	v21 =	vshrl.u32 v12, $0xD  }
0xd4: {  	v4 =	vxor.u32 v4, v16;
	v5 =	vxor.u32 v5, v15;
	v9 =	vsub.s32 v9, v14  }
0xd5: {  	v6 =	vxor.u32 v6, v17;
	v10 =	vxor.u32 v10, v18;
	v8 =	vxor.u32 v8, v19;
	[tilespmem:s23+$0x12C70] =	vst v9  }
0xd6: {  	v5 =	vmul.u32 $0xC2B2AE35, v5;
	v7 =	vxor.u32 v7, v20;
	v9 =	vxor.u32 v12, v21  }
0xd7: {  	v4 =	vmul.u32 $0xC2B2AE35, v4;
	v10 =	vmul.u32 $0xC2B2AE35, v10;
	v12 =	vmul.u32 $0xC2B2AE35, v6  }
0xd8: {  	v8 =	vmul.u32 $0xC2B2AE35, v8;
	v14 =	vmul.u32 $0xC2B2AE35, v7;
	v9 =	vmul.u32 $0xC2B2AE35, v9  }
0xd9: {  	v15 =	vshrl.u32 v4, $0x10;
	v6 =	vshrl.u32 v5, $0x10;
	v16 =	vshrl.u32 v12, $0x10  }
0xda: {  	v17 =	vshrl.u32 v10, $0x10;
	v18 =	vshrl.u32 v8, $0x10;
	v19 =	vshrl.u32 v14, $0x10  }
0xdb: {  	v7 =	vxor.u32 v5, v6;
	v6 =	vxor.u32 v4, v15;
	v15 =	vshrl.u32 v9, $0x10  }
0xdc: {  	v4 =	vxor.u32 v10, v17;
	v5 =	vxor.u32 v12, v16;
	v12 =	vxor.u32 v8, v18  }
0xdd: {  	v14 =	vxor.u32 v14, v19;
	v16 =	vshrl.u32 v7, $0x5;
	v15 =	vxor.u32 v9, v15  }
0xde: {  	v17 =	vshrl.u32 v6, $0x5;
	v19 =	vshrl.u32 v4, $0x5;
	v18 =	vshrl.u32 v5, $0x5  }
.Ltmp1:
0xdf: {  	v10 =	vshrl.u32 v12, $0x5;
	v9 =	vshrl.u32 v14, $0x5;
	v8 =	vshrl.u32 v15, $0x5;
	(pc) =	sbr.rel @p0 .LBB2_4-.Ltmp1, $4  }
0xe0: {  	v3 =	vsub.s32 v2, v3;
	v13 =	vsub.s32 v1, v13;
	v1 =	vmovc v14;
	v16 =	vmulhi.u32 $0xA7C5AC5, v16;
	v2 =	vmovc v12  }
0xe1: {  	v12 =	vmulhi.u32 $0xA7C5AC5, v17;
	v14 =	vsub.s32 v0, v11;
	v0 =	vmov v15;
	[tilespmem:s22+$0x12C40] =	vst v3  }
0xe2: {  	v11 =	vmulhi.u32 $0xA7C5AC5, v18;
	v3 =	vshrl.u32 v16, $0x7;
	[tilespmem:s22+$0x12C50] =	vst v13  }
0xe3: {  	v3 =	vmul.u32 $0x186A0, v3;
	v13 =	vshrl.u32 v12, $0x7;
	v12 =	vmulhi.u32 $0xA7C5AC5, v19;
	[tilespmem:s22+$0x12C60] =	vst v14;
	s22 =	smov.u32 s23;
	s23 =	sshra.s32 s24, $0x2;
	s24 =	sadd.s32 $0x200, s24  }
0xe4: {  	v14 =	vld [tilespmem:s23+$0x6470]  }
0xe5: {  	v15 =	vld [tilespmem:s23+$0x6400];
	v10 =	vmulhi.u32 $0xA7C5AC5, v10  }
0xe6: {  	v16 =	vld [tilespmem:s23+$0x6410];
	v13 =	vmul.u32 $0x186A0, v13;
	v11 =	vshrl.u32 v11, $0x7;
	v9 =	vmulhi.u32 $0xA7C5AC5, v9  }
0xe7: {  	v17 =	vld [tilespmem:s23+$0x6420];
	v8 =	vmulhi.u32 $0xA7C5AC5, v8;
	v12 =	vshrl.u32 v12, $0x7;
	v3 =	vsub.s32 v7, v3  }
0xe8: {  	v7 =	vld [tilespmem:s23+$0x6430];
	v11 =	vmul.u32 $0x186A0, v11;
	v12 =	vmul.u32 $0x186A0, v12;
	[tilespmem:s22+$0x12C00] =	vst v3;
	v3 =	vshrl.u32 v10, $0x7  }
0xe9: {  	v9 =	vshrl.u32 v9, $0x7;
	v6 =	vsub.s32 v6, v13;
	v8 =	vshrl.u32 v8, $0x7  }
0xea: {  	v3 =	vmul.u32 $0x186A0, v3;
	v9 =	vmul.u32 $0x186A0, v9;
	v5 =	vsub.s32 v5, v11  }
0xeb: {  	v10 =	vld [tilespmem:s23+$0x6440];
	[tilespmem:s22+$0x12C10] =	vst v6;
	v8 =	vmul.u32 $0x186A0, v8;
	v4 =	vsub.s32 v4, v12;
	v6 =	vadd.s32 $0xF519F85A, v14  }
0xec: {  	v13 =	vadd.s32 $0xF519F85A, v15;
	v12 =	vadd.s32 $0xF519F85A, v16;
	v47 =	vadd.s32 $0xF519F85A, v17  }
0xed: {  	v2 =	vsub.s32 v2, v3;
	v1 =	vsub.s32 v1, v9;
	v0 =	vsub.s32 v0, v8  }
0xee: {  	v11 =	vld [tilespmem:s23+$0x6450];
	[tilespmem:s22+$0x12C20] =	vst v5;
	v14 =	vshrl.u32 v6, $0x10;
	v5 =	vshrl.u32 v13, $0x10;
	v7 =	vadd.s32 $0xF519F85A, v7  }
0xef: {  	v6 =	vxor.u32 v6, v14;
	v14 =	vshrl.u32 v12, $0x10;
	v5 =	vxor.u32 v13, v5  }
0xf0: {  	v15 =	vld [tilespmem:s23+$0x6460];
	v13 =	vshrl.u32 v47, $0x10;
	v48 =	vshrl.u32 v7, $0x10;
	v6 =	vmul.u32 $0x85EBCA6B, v6  }
0xf1: {  	v10 =	vadd.s32 $0xF519F85A, v10;
	v12 =	vxor.u32 v12, v14;
	v13 =	vxor.u32 v47, v13  }
0xf2: {  	v7 =	vxor.u32 v7, v48;
	v5 =	vmul.u32 $0x85EBCA6B, v5;
	v19 =	vshrl.u32 v10, $0x10  }
0xf3: {  	v11 =	vadd.s32 $0xF519F85A, v11;
	v12 =	vmul.u32 $0x85EBCA6B, v12;
	v13 =	vmul.u32 $0x85EBCA6B, v13  }
0xf4: {  	v7 =	vmul.u32 $0x85EBCA6B, v7;
	v18 =	vshrl.u32 v6, $0xD;
	v49 =	vshrl.u32 v11, $0x10  }
0xf5: {  	v15 =	vadd.s32 $0xF519F85A, v15;
	v10 =	vxor.u32 v10, v19;
	v51 =	vshrl.u32 v5, $0xD  }
0xf6: {  	v6 =	vxor.u32 v6, v18;
	v14 =	vshrl.u32 v15, $0x10;
	v11 =	vxor.u32 v11, v49  }
0xf7: {  	v10 =	vmul.u32 $0x85EBCA6B, v10;
	v52 =	vshrl.u32 v12, $0xD;
	v53 =	vshrl.u32 v13, $0xD  }
0xf8: {  	v54 =	vshrl.u32 v7, $0xD;
	v5 =	vxor.u32 v5, v51;
	v6 =	vmul.u32 $0xC2B2AE35, v6  }
0xf9: {  	v14 =	vxor.u32 v15, v14;
	v11 =	vmul.u32 $0x85EBCA6B, v11;
	v12 =	vxor.u32 v12, v52  }
0xfa: {  	v13 =	vxor.u32 v13, v53;
	v7 =	vxor.u32 v7, v54;
	v5 =	vmul.u32 $0xC2B2AE35, v5  }
0xfb: {  	v14 =	vmul.u32 $0x85EBCA6B, v14;
	v20 =	vshrl.u32 v10, $0xD;
	v12 =	vmul.u32 $0xC2B2AE35, v12  }
0xfc: {  	v13 =	vmul.u32 $0xC2B2AE35, v13;
	v7 =	vmul.u32 $0xC2B2AE35, v7;
	v50 =	vshrl.u32 v6, $0x10  }
0xfd: {  	v21 =	vshrl.u32 v11, $0xD;
	v10 =	vxor.u32 v10, v20;
	v6 =	vxor.u32 v6, v50  }
0xfe: {  	v55 =	vshrl.u32 v14, $0xD;
	v11 =	vxor.u32 v11, v21;
	v10 =	vmul.u32 $0xC2B2AE35, v10  }
0xff: {  	v56 =	vshrl.u32 v12, $0x10;
	v57 =	vshrl.u32 v13, $0x10;
	v15 =	vshrl.u32 v6, $0x5  }
0x100: {  	v58 =	vshrl.u32 v7, $0x10;
	v14 =	vxor.u32 v14, v55;
	v15 =	vmulhi.u32 $0xA7C5AC5, v15  }
0x101: {  	v11 =	vmul.u32 $0xC2B2AE35, v11;
	v12 =	vxor.u32 v12, v56;
	v13 =	vxor.u32 v13, v57  }
0x102: {  	v7 =	vxor.u32 v7, v58;
	v14 =	vmul.u32 $0xC2B2AE35, v14;
	v15 =	vshrl.u32 v15, $0x7  }
0x103: {  	v59 =	vshrl.u32 v10, $0x10;
	v17 =	vshrl.u32 v13, $0x5;
	v15 =	vmul.u32 $0x186A0, v15  }
0x104: {  	[tilespmem:s22+$0x12C30] =	vst v4;
	v18 =	vshrl.u32 v7, $0x5;
	v60 =	vshrl.u32 v11, $0x10;
	v4 =	vmulhi.u32 $0xA7C5AC5, v17  }
0x105: {  	v10 =	vxor.u32 v10, v59;
	v8 =	vmulhi.u32 $0xA7C5AC5, v18;
	v6 =	vsub.s32 v6, v15  }
0x106: {  	v11 =	vxor.u32 v11, v60;
	v19 =	vshrl.u32 v10, $0x5;
	v15 =	vshrl.u32 v5, $0x10;
	[tilespmem:s23+$0x12C70] =	vst v6  }
0x107: {  	v20 =	vshrl.u32 v11, $0x5;
	v5 =	vxor.u32 v5, v15;
	[tilespmem:s22+$0x12C50] =	vst v1;
	v1 =	vmulhi.u32 $0xA7C5AC5, v19  }
0x108: {  	v15 =	vshrl.u32 v14, $0x10;
	v61 =	vshrl.u32 v5, $0x5;
	[tilespmem:s22+$0x12C60] =	vst v0;
	v0 =	vmulhi.u32 $0xA7C5AC5, v20  }
0x109: {  	v14 =	vxor.u32 v14, v15;
	v15 =	vshrl.u32 v12, $0x5;
	v16 =	vmulhi.u32 $0xA7C5AC5, v61  }
0x10a: {  	v4 =	vshrl.u32 v4, $0x7;
	v3 =	vmulhi.u32 $0xA7C5AC5, v15;
	v1 =	vshrl.u32 v1, $0x7  }
0x10b: {  	v0 =	vshrl.u32 v0, $0x7;
	v6 =	vshrl.u32 v16, $0x7;
	v1 =	vmul.u32 $0x186A0, v1  }
0x10c: {  	[tilespmem:s22+$0x12C40] =	vst v2;
	v3 =	vshrl.u32 v3, $0x7;
	v0 =	vmul.u32 $0x186A0, v0;
	v2 =	vmul.u32 $0x186A0, v6  }
0x10d: {  	v62 =	vshrl.u32 v14, $0x5;
	v3 =	vmul.u32 $0x186A0, v3;
	v1 =	vsub.s32 v10, v1  }
0x10e: {  	v0 =	vsub.s32 v11, v0;
	v2 =	vsub.s32 v5, v2;
	v5 =	vmulhi.u32 $0xA7C5AC5, v62;
	[tilespmem:s23+$0x12C40] =	vst v1  }
0x10f: {  	v4 =	vmul.u32 $0x186A0, v4;
	v6 =	vshrl.u32 v8, $0x7;
	[tilespmem:s23+$0x12C50] =	vst v0  }
0x110: {  	v6 =	vmul.u32 $0x186A0, v6;
	[tilespmem:s23+$0x12C00] =	vst v2;
	v2 =	vsub.s32 v12, v3;
	v3 =	vshrl.u32 v5, $0x7  }
0x111: {  	[tilespmem:s23+$0x12C10] =	vst v2;
	v2 =	vsub.s32 v13, v4;
	v3 =	vmul.u32 $0x186A0, v3  }
0x112: {  	[tilespmem:s23+$0x12C20] =	vst v2;
	v2 =	vsub.s32 v7, v6  }
0x113: {  	[tilespmem:s23+$0x12C30] =	vst v2;
	v1 =	vsub.s32 v14, v3  }
0x114: {  	[tilespmem:s23+$0x12C60] =	vst v1  }
0x115: {  	[hbm4b:s7+s12] =	stream.strided.scatter [tilespmem:s18], [sflag:$0x4], $0x6400, s13, s12, $0x38;
	[tilespmem:$0x19000] =	vst v63  }
0x116: {  	_ =	swait.ge [sflag:s14], $0x6400  }
0x117: {  	[sflag:s14] =	ssyncset.done $0x0  }
0x118: {  	[sflag:s14] =	ssyncadd.s32 $0xFFFF9C00  }
0x119: {  	[tilespmem:s15], [sflag:$0x2] =	stream.strided.gather [hbm4b:s8+s12], $0x6400, s13, s12, $0x38;
	[tilespmem:$0x19000] =	vst v63  }
0x11a: {  	_ =	swait.ge [sflag:s19], $0x6400  }
0x11b: {  	[sflag:s19] =	ssyncset.done $0x0  }
0x11c: {  	s22 =	simm.s32 $0x0;
	[sflag:s19] =	ssyncadd.s32 $0xFFFF9C00  }
0x11d: {  	v0 =	vld [tilespmem:s22+$0x70]  }
0x11e: {  	v1 =	vld [tilespmem:s22+$0x0]  }
0x11f: {  	v2 =	vld [tilespmem:s22+$0x10]  }
0x120: {  	v3 =	vld [tilespmem:s22+$0x20]  }
0x121: {  	v4 =	vld [tilespmem:s22+$0x30]  }
0x122: {  	v5 =	vld [tilespmem:s22+$0x40]  }
0x123: {  	v6 =	vld [tilespmem:s22+$0x50]  }
0x124: {  	v9 =	vld [tilespmem:s22+$0x60];
	_ =	sdelay $0x1  }
0x125: {  	v0 =	vadd.s32 $0xF519F85A, v0  }
0x126: {  	v1 =	vadd.s32 $0xF519F85A, v1;
	v2 =	vadd.s32 $0xF519F85A, v2;
	v3 =	vadd.s32 $0xF519F85A, v3  }
0x127: {  	v4 =	vadd.s32 $0xF519F85A, v4;
	v5 =	vadd.s32 $0xF519F85A, v5;
	v7 =	vshrl.u32 v0, $0x10  }
0x128: {  	v6 =	vadd.s32 $0xF519F85A, v6;
	v9 =	vadd.s32 $0xF519F85A, v9;
	v0 =	vxor.u32 v0, v7  }
0x129: {  	v8 =	vshrl.u32 v1, $0x10;
	v10 =	vshrl.u32 v4, $0x10;
	v0 =	vmul.u32 $0x85EBCA6B, v0  }
0x12a: {  	v12 =	vshrl.u32 v5, $0x10;
	v7 =	vshrl.u32 v2, $0x10;
	v1 =	vxor.u32 v1, v8  }
0x12b: {  	v8 =	vshrl.u32 v3, $0x10;
	v4 =	vxor.u32 v4, v10;
	v11 =	vshrl.u32 v0, $0xD  }
0x12c: {  	v5 =	vxor.u32 v5, v12;
	v2 =	vxor.u32 v2, v7;
	v0 =	vxor.u32 v0, v11  }
0x12d: {  	v3 =	vxor.u32 v3, v8;
	v7 =	vshrl.u32 v9, $0x10;
	v0 =	vmul.u32 $0xC2B2AE35, v0  }
0x12e: {  	v1 =	vmul.u32 $0x85EBCA6B, v1;
	v4 =	vmul.u32 $0x85EBCA6B, v4;
	v5 =	vmul.u32 $0x85EBCA6B, v5  }
0x12f: {  	v7 =	vxor.u32 v9, v7;
	v2 =	vmul.u32 $0x85EBCA6B, v2;
	v8 =	vshrl.u32 v0, $0x10  }
0x130: {  	v3 =	vmul.u32 $0x85EBCA6B, v3;
	v7 =	vmul.u32 $0x85EBCA6B, v7;
	v0 =	vxor.u32 v0, v8  }
0x131: {  	v9 =	vshrl.u32 v1, $0xD;
	v12 =	vshrl.u32 v4, $0xD;
	v8 =	vshrl.u32 v0, $0x5  }
0x132: {  	v13 =	vshrl.u32 v5, $0xD;
	v11 =	vshrl.u32 v6, $0x10;
	v8 =	vmulhi.u32 $0xA7C5AC5, v8  }
0x133: {  	v10 =	vshrl.u32 v2, $0xD;
	v1 =	vxor.u32 v1, v9;
	v6 =	vxor.u32 v6, v11  }
0x134: {  	v11 =	vshrl.u32 v3, $0xD;
	v6 =	vmul.u32 $0x85EBCA6B, v6;
	v8 =	vshrl.u32 v8, $0x7  }
0x135: {  	v15 =	vshrl.u32 v7, $0xD;
	v2 =	vxor.u32 v2, v10;
	v8 =	vmul.u32 $0x186A0, v8  }
0x136: {  	v1 =	vmul.u32 $0xC2B2AE35, v1;
	v2 =	vmul.u32 $0xC2B2AE35, v2;
	v14 =	vshrl.u32 v6, $0xD  }
0x137: {  	v63 =	vsub.s32 v0, v8;
	v0 =	vxor.u32 v3, v11;
	v3 =	vxor.u32 v4, v12  }
0x138: {  	v4 =	vxor.u32 v5, v13;
	v5 =	vxor.u32 v6, v14;
	v6 =	vxor.u32 v7, v15  }
0x139: {  	v0 =	vmul.u32 $0xC2B2AE35, v0;
	v3 =	vmul.u32 $0xC2B2AE35, v3;
	v8 =	vmul.u32 $0xC2B2AE35, v4  }
0x13a: {  	v9 =	vmul.u32 $0xC2B2AE35, v5;
	v4 =	vshrl.u32 v1, $0x10;
	v5 =	vshrl.u32 v2, $0x10  }
0x13b: {  	v10 =	vmul.u32 $0xC2B2AE35, v6;
	v7 =	vxor.u32 v1, v4;
	v6 =	vxor.u32 v2, v5  }
0x13c: {  	v11 =	vshrl.u32 v0, $0x10;
	v12 =	vshrl.u32 v3, $0x10;
	v13 =	vshrl.u32 v8, $0x10  }
0x13d: {  	v14 =	vshrl.u32 v9, $0x10;
	v15 =	vshrl.u32 v10, $0x10;
	v5 =	vxor.u32 v0, v11  }
0x13e: {  	v4 =	vxor.u32 v3, v12;
	v2 =	vxor.u32 v8, v13;
	v3 =	vshrl.u32 v7, $0x5  }
0x13f: {  	v1 =	vxor.u32 v9, v14;
	v0 =	vxor.u32 v10, v15;
	v8 =	vshrl.u32 v6, $0x5  }
0x140: {  	v11 =	vshrl.u32 v5, $0x5;
	v12 =	vshrl.u32 v4, $0x5;
	v3 =	vmulhi.u32 $0xA7C5AC5, v3  }
0x141: {  	v10 =	vshrl.u32 v2, $0x5;
	v9 =	vshrl.u32 v1, $0x5;
	v13 =	vmulhi.u32 $0xA7C5AC5, v8  }
0x142: {  	v8 =	vshrl.u32 v0, $0x5;
	v11 =	vmulhi.u32 $0xA7C5AC5, v11;
	v3 =	vshrl.u32 v3, $0x7  }
0x143: {  	s24 =	simm.s32 $0x400;
	s23 =	simm.s32 $0x80;
	[tilespmem:s22+$0xC870] =	vst v63;
	v12 =	vmulhi.u32 $0xA7C5AC5, v12;
	v13 =	vshrl.u32 v13, $0x7;
	v3 =	vmul.u32 $0x186A0, v3  }
.LBB2_6:
0x144: {  	p0 =	sne.s32 s24, $0x18E00;
	v14 =	vld [tilespmem:s23+$0x70];
	v13 =	vmul.u32 $0x186A0, v13;
	v11 =	vshrl.u32 v11, $0x7;
	v10 =	vmulhi.u32 $0xA7C5AC5, v10  }
0x145: {  	v9 =	vmulhi.u32 $0xA7C5AC5, v9;
	v15 =	vld [tilespmem:s23+$0x0];
	v11 =	vmul.u32 $0x186A0, v11;
	v12 =	vshrl.u32 v12, $0x7  }
0x146: {  	v8 =	vmulhi.u32 $0xA7C5AC5, v8;
	v16 =	vld [tilespmem:s23+$0x10];
	v12 =	vmul.u32 $0x186A0, v12;
	v10 =	vshrl.u32 v10, $0x7  }
0x147: {  	v7 =	vsub.s32 v7, v3;
	v9 =	vshrl.u32 v9, $0x7;
	v17 =	vld [tilespmem:s23+$0x20];
	v3 =	vmul.u32 $0x186A0, v10  }
0x148: {  	v6 =	vsub.s32 v6, v13;
	v13 =	vmul.u32 $0x186A0, v9;
	v10 =	vld [tilespmem:s23+$0x30];
	[tilespmem:s22+$0xC800] =	vst v7;
	v7 =	vshrl.u32 v8, $0x7  }
0x149: {  	v5 =	vsub.s32 v5, v11;
	v8 =	vld [tilespmem:s23+$0x40];
	v9 =	vadd.s32 $0xF519F85A, v14;
	[tilespmem:s22+$0xC810] =	vst v6;
	v11 =	vmul.u32 $0x186A0, v7  }
0x14a: {  	v4 =	vsub.s32 v4, v12;
	v6 =	vadd.s32 $0xF519F85A, v15;
	v7 =	vld [tilespmem:s23+$0x50];
	v14 =	vshrl.u32 v9, $0x10;
	[tilespmem:s22+$0xC820] =	vst v5  }
0x14b: {  	v5 =	vshrl.u32 v6, $0x10;
	v12 =	vadd.s32 $0xF519F85A, v16;
	v15 =	vld [tilespmem:s23+$0x60];
	v9 =	vxor.u32 v9, v14;
	[tilespmem:s22+$0xC830] =	vst v4  }
0x14c: {  	v4 =	vshrl.u32 v12, $0x10;
	v14 =	vadd.s32 $0xF519F85A, v17;
	v9 =	vmul.u32 $0x85EBCA6B, v9  }
0x14d: {  	v5 =	vxor.u32 v6, v5;
	v6 =	vshrl.u32 v14, $0x10;
	v10 =	vadd.s32 $0xF519F85A, v10  }
0x14e: {  	v16 =	vshrl.u32 v10, $0x10;
	v8 =	vadd.s32 $0xF519F85A, v8;
	v17 =	vshrl.u32 v9, $0xD  }
0x14f: {  	v18 =	vshrl.u32 v8, $0x10;
	v7 =	vadd.s32 $0xF519F85A, v7;
	v9 =	vxor.u32 v9, v17  }
0x150: {  	v17 =	vshrl.u32 v7, $0x10;
	v15 =	vadd.s32 $0xF519F85A, v15;
	v9 =	vmul.u32 $0xC2B2AE35, v9  }
0x151: {  	v4 =	vxor.u32 v12, v4;
	v6 =	vxor.u32 v14, v6;
	v12 =	vshrl.u32 v15, $0x10  }
0x152: {  	v10 =	vxor.u32 v10, v16;
	v8 =	vxor.u32 v8, v18;
	v14 =	vshrl.u32 v9, $0x10  }
0x153: {  	v7 =	vxor.u32 v7, v17;
	v12 =	vxor.u32 v15, v12;
	v9 =	vxor.u32 v9, v14  }
0x154: {  	v5 =	vmul.u32 $0x85EBCA6B, v5;
	v4 =	vmul.u32 $0x85EBCA6B, v4;
	v14 =	vshrl.u32 v9, $0x5  }
0x155: {  	v6 =	vmul.u32 $0x85EBCA6B, v6;
	v10 =	vmul.u32 $0x85EBCA6B, v10;
	v14 =	vmulhi.u32 $0xA7C5AC5, v14  }
0x156: {  	v8 =	vmul.u32 $0x85EBCA6B, v8;
	v7 =	vmul.u32 $0x85EBCA6B, v7;
	v12 =	vmul.u32 $0x85EBCA6B, v12  }
0x157: {  	v16 =	vshrl.u32 v4, $0xD;
	v15 =	vshrl.u32 v5, $0xD;
	v14 =	vshrl.u32 v14, $0x7  }
0x158: {  	v17 =	vshrl.u32 v6, $0xD;
	v18 =	vshrl.u32 v10, $0xD;
	v14 =	vmul.u32 $0x186A0, v14  }
0x159: {  	v19 =	vshrl.u32 v8, $0xD;
	v20 =	vshrl.u32 v7, $0xD;
	v21 =	vshrl.u32 v12, $0xD  }
0x15a: {  	v4 =	vxor.u32 v4, v16;
	v5 =	vxor.u32 v5, v15;
	v9 =	vsub.s32 v9, v14  }
0x15b: {  	v6 =	vxor.u32 v6, v17;
	v10 =	vxor.u32 v10, v18;
	v8 =	vxor.u32 v8, v19;
	[tilespmem:s23+$0xC870] =	vst v9  }
0x15c: {  	v5 =	vmul.u32 $0xC2B2AE35, v5;
	v7 =	vxor.u32 v7, v20;
	v9 =	vxor.u32 v12, v21  }
0x15d: {  	v4 =	vmul.u32 $0xC2B2AE35, v4;
	v10 =	vmul.u32 $0xC2B2AE35, v10;
	v12 =	vmul.u32 $0xC2B2AE35, v6  }
0x15e: {  	v8 =	vmul.u32 $0xC2B2AE35, v8;
	v14 =	vmul.u32 $0xC2B2AE35, v7;
	v9 =	vmul.u32 $0xC2B2AE35, v9  }
0x15f: {  	v15 =	vshrl.u32 v4, $0x10;
	v6 =	vshrl.u32 v5, $0x10;
	v16 =	vshrl.u32 v12, $0x10  }
0x160: {  	v17 =	vshrl.u32 v10, $0x10;
	v18 =	vshrl.u32 v8, $0x10;
	v19 =	vshrl.u32 v14, $0x10  }
0x161: {  	v7 =	vxor.u32 v5, v6;
	v6 =	vxor.u32 v4, v15;
	v15 =	vshrl.u32 v9, $0x10  }
0x162: {  	v4 =	vxor.u32 v10, v17;
	v5 =	vxor.u32 v12, v16;
	v12 =	vxor.u32 v8, v18  }
0x163: {  	v14 =	vxor.u32 v14, v19;
	v16 =	vshrl.u32 v7, $0x5;
	v15 =	vxor.u32 v9, v15  }
0x164: {  	v17 =	vshrl.u32 v6, $0x5;
	v19 =	vshrl.u32 v4, $0x5;
	v18 =	vshrl.u32 v5, $0x5  }
.Ltmp2:
0x165: {  	v10 =	vshrl.u32 v12, $0x5;
	v9 =	vshrl.u32 v14, $0x5;
	v8 =	vshrl.u32 v15, $0x5;
	(pc) =	sbr.rel @p0 .LBB2_6-.Ltmp2, $4  }
0x166: {  	v3 =	vsub.s32 v2, v3;
	v13 =	vsub.s32 v1, v13;
	v1 =	vmovc v14;
	v16 =	vmulhi.u32 $0xA7C5AC5, v16;
	v2 =	vmovc v12  }
0x167: {  	v12 =	vmulhi.u32 $0xA7C5AC5, v17;
	v14 =	vsub.s32 v0, v11;
	v0 =	vmov v15;
	[tilespmem:s22+$0xC840] =	vst v3  }
0x168: {  	v11 =	vmulhi.u32 $0xA7C5AC5, v18;
	v3 =	vshrl.u32 v16, $0x7;
	[tilespmem:s22+$0xC850] =	vst v13  }
0x169: {  	v3 =	vmul.u32 $0x186A0, v3;
	v13 =	vshrl.u32 v12, $0x7;
	v12 =	vmulhi.u32 $0xA7C5AC5, v19;
	[tilespmem:s22+$0xC860] =	vst v14;
	s22 =	smov.u32 s23;
	s23 =	sshra.s32 s24, $0x2;
	s24 =	sadd.s32 $0x200, s24  }
0x16a: {  	v14 =	vld [tilespmem:s23+$0x70]  }
0x16b: {  	v15 =	vld [tilespmem:s23+$0x0];
	v10 =	vmulhi.u32 $0xA7C5AC5, v10  }
0x16c: {  	v16 =	vld [tilespmem:s23+$0x10];
	v13 =	vmul.u32 $0x186A0, v13;
	v11 =	vshrl.u32 v11, $0x7;
	v9 =	vmulhi.u32 $0xA7C5AC5, v9  }
0x16d: {  	v17 =	vld [tilespmem:s23+$0x20];
	v8 =	vmulhi.u32 $0xA7C5AC5, v8;
	v12 =	vshrl.u32 v12, $0x7;
	v3 =	vsub.s32 v7, v3  }
0x16e: {  	v7 =	vld [tilespmem:s23+$0x30];
	v11 =	vmul.u32 $0x186A0, v11;
	v12 =	vmul.u32 $0x186A0, v12;
	[tilespmem:s22+$0xC800] =	vst v3;
	v3 =	vshrl.u32 v10, $0x7  }
0x16f: {  	v9 =	vshrl.u32 v9, $0x7;
	v6 =	vsub.s32 v6, v13;
	v8 =	vshrl.u32 v8, $0x7  }
0x170: {  	v3 =	vmul.u32 $0x186A0, v3;
	v9 =	vmul.u32 $0x186A0, v9;
	v5 =	vsub.s32 v5, v11  }
0x171: {  	v10 =	vld [tilespmem:s23+$0x40];
	[tilespmem:s22+$0xC810] =	vst v6;
	v8 =	vmul.u32 $0x186A0, v8;
	v4 =	vsub.s32 v4, v12;
	v6 =	vadd.s32 $0xF519F85A, v14  }
0x172: {  	v13 =	vadd.s32 $0xF519F85A, v15;
	v12 =	vadd.s32 $0xF519F85A, v16;
	v47 =	vadd.s32 $0xF519F85A, v17  }
0x173: {  	v2 =	vsub.s32 v2, v3;
	v1 =	vsub.s32 v1, v9;
	v0 =	vsub.s32 v0, v8  }
0x174: {  	v11 =	vld [tilespmem:s23+$0x50];
	[tilespmem:s22+$0xC820] =	vst v5;
	v14 =	vshrl.u32 v6, $0x10;
	v5 =	vshrl.u32 v13, $0x10;
	v7 =	vadd.s32 $0xF519F85A, v7  }
0x175: {  	v6 =	vxor.u32 v6, v14;
	v14 =	vshrl.u32 v12, $0x10;
	v5 =	vxor.u32 v13, v5  }
0x176: {  	v15 =	vld [tilespmem:s23+$0x60];
	v13 =	vshrl.u32 v47, $0x10;
	v48 =	vshrl.u32 v7, $0x10;
	v6 =	vmul.u32 $0x85EBCA6B, v6  }
0x177: {  	v10 =	vadd.s32 $0xF519F85A, v10;
	v12 =	vxor.u32 v12, v14;
	v13 =	vxor.u32 v47, v13  }
0x178: {  	v7 =	vxor.u32 v7, v48;
	v5 =	vmul.u32 $0x85EBCA6B, v5;
	v19 =	vshrl.u32 v10, $0x10  }
0x179: {  	v11 =	vadd.s32 $0xF519F85A, v11;
	v12 =	vmul.u32 $0x85EBCA6B, v12;
	v13 =	vmul.u32 $0x85EBCA6B, v13  }
0x17a: {  	v7 =	vmul.u32 $0x85EBCA6B, v7;
	v18 =	vshrl.u32 v6, $0xD;
	v49 =	vshrl.u32 v11, $0x10  }
0x17b: {  	v15 =	vadd.s32 $0xF519F85A, v15;
	v10 =	vxor.u32 v10, v19;
	v51 =	vshrl.u32 v5, $0xD  }
0x17c: {  	v6 =	vxor.u32 v6, v18;
	v14 =	vshrl.u32 v15, $0x10;
	v11 =	vxor.u32 v11, v49  }
0x17d: {  	v10 =	vmul.u32 $0x85EBCA6B, v10;
	v52 =	vshrl.u32 v12, $0xD;
	v53 =	vshrl.u32 v13, $0xD  }
0x17e: {  	v54 =	vshrl.u32 v7, $0xD;
	v5 =	vxor.u32 v5, v51;
	v6 =	vmul.u32 $0xC2B2AE35, v6  }
0x17f: {  	v14 =	vxor.u32 v15, v14;
	v11 =	vmul.u32 $0x85EBCA6B, v11;
	v12 =	vxor.u32 v12, v52  }
0x180: {  	v13 =	vxor.u32 v13, v53;
	v7 =	vxor.u32 v7, v54;
	v5 =	vmul.u32 $0xC2B2AE35, v5  }
0x181: {  	v14 =	vmul.u32 $0x85EBCA6B, v14;
	v20 =	vshrl.u32 v10, $0xD;
	v12 =	vmul.u32 $0xC2B2AE35, v12  }
0x182: {  	v13 =	vmul.u32 $0xC2B2AE35, v13;
	v7 =	vmul.u32 $0xC2B2AE35, v7;
	v50 =	vshrl.u32 v6, $0x10  }
0x183: {  	v21 =	vshrl.u32 v11, $0xD;
	v10 =	vxor.u32 v10, v20;
	v6 =	vxor.u32 v6, v50  }
0x184: {  	v55 =	vshrl.u32 v14, $0xD;
	v11 =	vxor.u32 v11, v21;
	v10 =	vmul.u32 $0xC2B2AE35, v10  }
0x185: {  	v56 =	vshrl.u32 v12, $0x10;
	v57 =	vshrl.u32 v13, $0x10;
	v15 =	vshrl.u32 v6, $0x5  }
0x186: {  	v58 =	vshrl.u32 v7, $0x10;
	v14 =	vxor.u32 v14, v55;
	v15 =	vmulhi.u32 $0xA7C5AC5, v15  }
0x187: {  	v11 =	vmul.u32 $0xC2B2AE35, v11;
	v12 =	vxor.u32 v12, v56;
	v13 =	vxor.u32 v13, v57  }
0x188: {  	v7 =	vxor.u32 v7, v58;
	v14 =	vmul.u32 $0xC2B2AE35, v14;
	v15 =	vshrl.u32 v15, $0x7  }
0x189: {  	v59 =	vshrl.u32 v10, $0x10;
	v17 =	vshrl.u32 v13, $0x5;
	v15 =	vmul.u32 $0x186A0, v15  }
0x18a: {  	[tilespmem:s22+$0xC830] =	vst v4;
	v18 =	vshrl.u32 v7, $0x5;
	v60 =	vshrl.u32 v11, $0x10;
	v4 =	vmulhi.u32 $0xA7C5AC5, v17  }
0x18b: {  	v10 =	vxor.u32 v10, v59;
	v8 =	vmulhi.u32 $0xA7C5AC5, v18;
	v6 =	vsub.s32 v6, v15  }
0x18c: {  	v11 =	vxor.u32 v11, v60;
	v19 =	vshrl.u32 v10, $0x5;
	v15 =	vshrl.u32 v5, $0x10;
	[tilespmem:s23+$0xC870] =	vst v6  }
0x18d: {  	v20 =	vshrl.u32 v11, $0x5;
	v5 =	vxor.u32 v5, v15;
	[tilespmem:s22+$0xC850] =	vst v1;
	v1 =	vmulhi.u32 $0xA7C5AC5, v19  }
0x18e: {  	v15 =	vshrl.u32 v14, $0x10;
	v61 =	vshrl.u32 v5, $0x5;
	[tilespmem:s22+$0xC860] =	vst v0;
	v0 =	vmulhi.u32 $0xA7C5AC5, v20  }
0x18f: {  	v14 =	vxor.u32 v14, v15;
	v15 =	vshrl.u32 v12, $0x5;
	v16 =	vmulhi.u32 $0xA7C5AC5, v61  }
0x190: {  	v4 =	vshrl.u32 v4, $0x7;
	v3 =	vmulhi.u32 $0xA7C5AC5, v15;
	v1 =	vshrl.u32 v1, $0x7  }
0x191: {  	v0 =	vshrl.u32 v0, $0x7;
	v6 =	vshrl.u32 v16, $0x7;
	v1 =	vmul.u32 $0x186A0, v1  }
0x192: {  	[tilespmem:s22+$0xC840] =	vst v2;
	v3 =	vshrl.u32 v3, $0x7;
	v0 =	vmul.u32 $0x186A0, v0;
	v2 =	vmul.u32 $0x186A0, v6  }
0x193: {  	v62 =	vshrl.u32 v14, $0x5;
	v3 =	vmul.u32 $0x186A0, v3;
	v1 =	vsub.s32 v10, v1  }
0x194: {  	v0 =	vsub.s32 v11, v0;
	v2 =	vsub.s32 v5, v2;
	v5 =	vmulhi.u32 $0xA7C5AC5, v62;
	[tilespmem:s23+$0xC840] =	vst v1  }
0x195: {  	v4 =	vmul.u32 $0x186A0, v4;
	v6 =	vshrl.u32 v8, $0x7;
	[tilespmem:s23+$0xC850] =	vst v0  }
0x196: {  	v6 =	vmul.u32 $0x186A0, v6;
	[tilespmem:s23+$0xC800] =	vst v2;
	v2 =	vsub.s32 v12, v3;
	v3 =	vshrl.u32 v5, $0x7  }
0x197: {  	[tilespmem:s23+$0xC810] =	vst v2;
	v2 =	vsub.s32 v13, v4;
	v3 =	vmul.u32 $0x186A0, v3  }
0x198: {  	[tilespmem:s23+$0xC820] =	vst v2;
	v2 =	vsub.s32 v7, v6  }
0x199: {  	[tilespmem:s23+$0xC830] =	vst v2;
	v1 =	vsub.s32 v14, v3  }
0x19a: {  	[tilespmem:s23+$0xC860] =	vst v1  }
0x19b: {  	[hbm4b:s9+s12] =	stream.strided.scatter [tilespmem:s16], [sflag:$0x3], $0x6400, s13, s12, $0x38;
	[tilespmem:$0x19000] =	vst v63  }
0x19c: {  	_ =	swait.ge [sflag:s17], $0x6400  }
0x19d: {  	[sflag:s17] =	ssyncset.done $0x0  }
0x19e: {  	[sflag:s17] =	ssyncadd.s32 $0xFFFF9C00  }
0x19f: {  	_ =	swait.ge [sflag:s20], $0x6400  }
0x1a0: {  	[sflag:s20] =	ssyncset.done $0x0  }
0x1a1: {  	s22 =	simm.s32 $0x0;
	[sflag:s20] =	ssyncadd.s32 $0xFFFF9C00  }
0x1a2: {  	v0 =	vld [tilespmem:s22+$0x6470]  }
0x1a3: {  	v1 =	vld [tilespmem:s22+$0x6400]  }
0x1a4: {  	v2 =	vld [tilespmem:s22+$0x6410]  }
0x1a5: {  	v3 =	vld [tilespmem:s22+$0x6420]  }
0x1a6: {  	v4 =	vld [tilespmem:s22+$0x6430]  }
0x1a7: {  	v5 =	vld [tilespmem:s22+$0x6440]  }
0x1a8: {  	v6 =	vld [tilespmem:s22+$0x6450]  }
0x1a9: {  	v9 =	vld [tilespmem:s22+$0x6460];
	_ =	sdelay $0x1  }
0x1aa: {  	v0 =	vadd.s32 $0xF519F85A, v0  }
0x1ab: {  	v1 =	vadd.s32 $0xF519F85A, v1;
	v2 =	vadd.s32 $0xF519F85A, v2;
	v3 =	vadd.s32 $0xF519F85A, v3  }
0x1ac: {  	v4 =	vadd.s32 $0xF519F85A, v4;
	v5 =	vadd.s32 $0xF519F85A, v5;
	v7 =	vshrl.u32 v0, $0x10  }
0x1ad: {  	v6 =	vadd.s32 $0xF519F85A, v6;
	v9 =	vadd.s32 $0xF519F85A, v9;
	v0 =	vxor.u32 v0, v7  }
0x1ae: {  	v8 =	vshrl.u32 v1, $0x10;
	v10 =	vshrl.u32 v4, $0x10;
	v0 =	vmul.u32 $0x85EBCA6B, v0  }
0x1af: {  	v12 =	vshrl.u32 v5, $0x10;
	v7 =	vshrl.u32 v2, $0x10;
	v1 =	vxor.u32 v1, v8  }
0x1b0: {  	v8 =	vshrl.u32 v3, $0x10;
	v4 =	vxor.u32 v4, v10;
	v11 =	vshrl.u32 v0, $0xD  }
0x1b1: {  	v5 =	vxor.u32 v5, v12;
	v2 =	vxor.u32 v2, v7;
	v0 =	vxor.u32 v0, v11  }
0x1b2: {  	v3 =	vxor.u32 v3, v8;
	v7 =	vshrl.u32 v9, $0x10;
	v0 =	vmul.u32 $0xC2B2AE35, v0  }
0x1b3: {  	v1 =	vmul.u32 $0x85EBCA6B, v1;
	v4 =	vmul.u32 $0x85EBCA6B, v4;
	v5 =	vmul.u32 $0x85EBCA6B, v5  }
0x1b4: {  	v7 =	vxor.u32 v9, v7;
	v2 =	vmul.u32 $0x85EBCA6B, v2;
	v8 =	vshrl.u32 v0, $0x10  }
0x1b5: {  	v3 =	vmul.u32 $0x85EBCA6B, v3;
	v7 =	vmul.u32 $0x85EBCA6B, v7;
	v0 =	vxor.u32 v0, v8  }
0x1b6: {  	v9 =	vshrl.u32 v1, $0xD;
	v12 =	vshrl.u32 v4, $0xD;
	v8 =	vshrl.u32 v0, $0x5  }
0x1b7: {  	v13 =	vshrl.u32 v5, $0xD;
	v11 =	vshrl.u32 v6, $0x10;
	v8 =	vmulhi.u32 $0xA7C5AC5, v8  }
0x1b8: {  	v10 =	vshrl.u32 v2, $0xD;
	v1 =	vxor.u32 v1, v9;
	v6 =	vxor.u32 v6, v11  }
0x1b9: {  	v11 =	vshrl.u32 v3, $0xD;
	v6 =	vmul.u32 $0x85EBCA6B, v6;
	v8 =	vshrl.u32 v8, $0x7  }
0x1ba: {  	v15 =	vshrl.u32 v7, $0xD;
	v2 =	vxor.u32 v2, v10;
	v8 =	vmul.u32 $0x186A0, v8  }
0x1bb: {  	v1 =	vmul.u32 $0xC2B2AE35, v1;
	v2 =	vmul.u32 $0xC2B2AE35, v2;
	v14 =	vshrl.u32 v6, $0xD  }
0x1bc: {  	v63 =	vsub.s32 v0, v8;
	v0 =	vxor.u32 v3, v11;
	v3 =	vxor.u32 v4, v12  }
0x1bd: {  	v4 =	vxor.u32 v5, v13;
	v5 =	vxor.u32 v6, v14;
	v6 =	vxor.u32 v7, v15  }
0x1be: {  	v0 =	vmul.u32 $0xC2B2AE35, v0;
	v3 =	vmul.u32 $0xC2B2AE35, v3;
	v8 =	vmul.u32 $0xC2B2AE35, v4  }
0x1bf: {  	v9 =	vmul.u32 $0xC2B2AE35, v5;
	v4 =	vshrl.u32 v1, $0x10;
	v5 =	vshrl.u32 v2, $0x10  }
0x1c0: {  	v10 =	vmul.u32 $0xC2B2AE35, v6;
	v7 =	vxor.u32 v1, v4;
	v6 =	vxor.u32 v2, v5  }
0x1c1: {  	v11 =	vshrl.u32 v0, $0x10;
	v12 =	vshrl.u32 v3, $0x10;
	v13 =	vshrl.u32 v8, $0x10  }
0x1c2: {  	v14 =	vshrl.u32 v9, $0x10;
	v15 =	vshrl.u32 v10, $0x10;
	v5 =	vxor.u32 v0, v11  }
0x1c3: {  	v4 =	vxor.u32 v3, v12;
	v2 =	vxor.u32 v8, v13;
	v3 =	vshrl.u32 v7, $0x5  }
0x1c4: {  	v1 =	vxor.u32 v9, v14;
	v0 =	vxor.u32 v10, v15;
	v8 =	vshrl.u32 v6, $0x5  }
0x1c5: {  	v11 =	vshrl.u32 v5, $0x5;
	v12 =	vshrl.u32 v4, $0x5;
	v3 =	vmulhi.u32 $0xA7C5AC5, v3  }
0x1c6: {  	v10 =	vshrl.u32 v2, $0x5;
	v9 =	vshrl.u32 v1, $0x5;
	v13 =	vmulhi.u32 $0xA7C5AC5, v8  }
0x1c7: {  	v8 =	vshrl.u32 v0, $0x5;
	v11 =	vmulhi.u32 $0xA7C5AC5, v11;
	v3 =	vshrl.u32 v3, $0x7  }
0x1c8: {  	s24 =	simm.s32 $0x400;
	s23 =	simm.s32 $0x80;
	[tilespmem:s22+$0x12C70] =	vst v63;
	v12 =	vmulhi.u32 $0xA7C5AC5, v12;
	v13 =	vshrl.u32 v13, $0x7;
	v3 =	vmul.u32 $0x186A0, v3  }
.LBB2_8:
0x1c9: {  	p0 =	sne.s32 s24, $0x18E00;
	v14 =	vld [tilespmem:s23+$0x6470];
	v13 =	vmul.u32 $0x186A0, v13;
	v11 =	vshrl.u32 v11, $0x7;
	v10 =	vmulhi.u32 $0xA7C5AC5, v10  }
0x1ca: {  	v9 =	vmulhi.u32 $0xA7C5AC5, v9;
	v15 =	vld [tilespmem:s23+$0x6400];
	v11 =	vmul.u32 $0x186A0, v11;
	v12 =	vshrl.u32 v12, $0x7  }
0x1cb: {  	v8 =	vmulhi.u32 $0xA7C5AC5, v8;
	v16 =	vld [tilespmem:s23+$0x6410];
	v12 =	vmul.u32 $0x186A0, v12;
	v10 =	vshrl.u32 v10, $0x7  }
0x1cc: {  	v7 =	vsub.s32 v7, v3;
	v9 =	vshrl.u32 v9, $0x7;
	v17 =	vld [tilespmem:s23+$0x6420];
	v3 =	vmul.u32 $0x186A0, v10  }
0x1cd: {  	v6 =	vsub.s32 v6, v13;
	v13 =	vmul.u32 $0x186A0, v9;
	v10 =	vld [tilespmem:s23+$0x6430];
	[tilespmem:s22+$0x12C00] =	vst v7;
	v7 =	vshrl.u32 v8, $0x7  }
0x1ce: {  	v5 =	vsub.s32 v5, v11;
	v8 =	vld [tilespmem:s23+$0x6440];
	v9 =	vadd.s32 $0xF519F85A, v14;
	[tilespmem:s22+$0x12C10] =	vst v6;
	v11 =	vmul.u32 $0x186A0, v7  }
0x1cf: {  	v4 =	vsub.s32 v4, v12;
	v6 =	vadd.s32 $0xF519F85A, v15;
	v7 =	vld [tilespmem:s23+$0x6450];
	v14 =	vshrl.u32 v9, $0x10;
	[tilespmem:s22+$0x12C20] =	vst v5  }
0x1d0: {  	v5 =	vshrl.u32 v6, $0x10;
	v12 =	vadd.s32 $0xF519F85A, v16;
	v15 =	vld [tilespmem:s23+$0x6460];
	v9 =	vxor.u32 v9, v14;
	[tilespmem:s22+$0x12C30] =	vst v4  }
0x1d1: {  	v4 =	vshrl.u32 v12, $0x10;
	v14 =	vadd.s32 $0xF519F85A, v17;
	v9 =	vmul.u32 $0x85EBCA6B, v9  }
0x1d2: {  	v5 =	vxor.u32 v6, v5;
	v6 =	vshrl.u32 v14, $0x10;
	v10 =	vadd.s32 $0xF519F85A, v10  }
0x1d3: {  	v16 =	vshrl.u32 v10, $0x10;
	v8 =	vadd.s32 $0xF519F85A, v8;
	v17 =	vshrl.u32 v9, $0xD  }
0x1d4: {  	v18 =	vshrl.u32 v8, $0x10;
	v7 =	vadd.s32 $0xF519F85A, v7;
	v9 =	vxor.u32 v9, v17  }
0x1d5: {  	v17 =	vshrl.u32 v7, $0x10;
	v15 =	vadd.s32 $0xF519F85A, v15;
	v9 =	vmul.u32 $0xC2B2AE35, v9  }
0x1d6: {  	v4 =	vxor.u32 v12, v4;
	v6 =	vxor.u32 v14, v6;
	v12 =	vshrl.u32 v15, $0x10  }
0x1d7: {  	v10 =	vxor.u32 v10, v16;
	v8 =	vxor.u32 v8, v18;
	v14 =	vshrl.u32 v9, $0x10  }
0x1d8: {  	v7 =	vxor.u32 v7, v17;
	v12 =	vxor.u32 v15, v12;
	v9 =	vxor.u32 v9, v14  }
0x1d9: {  	v5 =	vmul.u32 $0x85EBCA6B, v5;
	v4 =	vmul.u32 $0x85EBCA6B, v4;
	v14 =	vshrl.u32 v9, $0x5  }
0x1da: {  	v6 =	vmul.u32 $0x85EBCA6B, v6;
	v10 =	vmul.u32 $0x85EBCA6B, v10;
	v14 =	vmulhi.u32 $0xA7C5AC5, v14  }
0x1db: {  	v8 =	vmul.u32 $0x85EBCA6B, v8;
	v7 =	vmul.u32 $0x85EBCA6B, v7;
	v12 =	vmul.u32 $0x85EBCA6B, v12  }
0x1dc: {  	v16 =	vshrl.u32 v4, $0xD;
	v15 =	vshrl.u32 v5, $0xD;
	v14 =	vshrl.u32 v14, $0x7  }
0x1dd: {  	v17 =	vshrl.u32 v6, $0xD;
	v18 =	vshrl.u32 v10, $0xD;
	v14 =	vmul.u32 $0x186A0, v14  }
0x1de: {  	v19 =	vshrl.u32 v8, $0xD;
	v20 =	vshrl.u32 v7, $0xD;
	v21 =	vshrl.u32 v12, $0xD  }
0x1df: {  	v4 =	vxor.u32 v4, v16;
	v5 =	vxor.u32 v5, v15;
	v9 =	vsub.s32 v9, v14  }
0x1e0: {  	v6 =	vxor.u32 v6, v17;
	v10 =	vxor.u32 v10, v18;
	v8 =	vxor.u32 v8, v19;
	[tilespmem:s23+$0x12C70] =	vst v9  }
0x1e1: {  	v5 =	vmul.u32 $0xC2B2AE35, v5;
	v7 =	vxor.u32 v7, v20;
	v9 =	vxor.u32 v12, v21  }
0x1e2: {  	v4 =	vmul.u32 $0xC2B2AE35, v4;
	v10 =	vmul.u32 $0xC2B2AE35, v10;
	v12 =	vmul.u32 $0xC2B2AE35, v6  }
0x1e3: {  	v8 =	vmul.u32 $0xC2B2AE35, v8;
	v14 =	vmul.u32 $0xC2B2AE35, v7;
	v9 =	vmul.u32 $0xC2B2AE35, v9  }
0x1e4: {  	v15 =	vshrl.u32 v4, $0x10;
	v6 =	vshrl.u32 v5, $0x10;
	v16 =	vshrl.u32 v12, $0x10  }
0x1e5: {  	v17 =	vshrl.u32 v10, $0x10;
	v18 =	vshrl.u32 v8, $0x10;
	v19 =	vshrl.u32 v14, $0x10  }
0x1e6: {  	v7 =	vxor.u32 v5, v6;
	v6 =	vxor.u32 v4, v15;
	v15 =	vshrl.u32 v9, $0x10  }
0x1e7: {  	v4 =	vxor.u32 v10, v17;
	v5 =	vxor.u32 v12, v16;
	v12 =	vxor.u32 v8, v18  }
0x1e8: {  	v14 =	vxor.u32 v14, v19;
	v16 =	vshrl.u32 v7, $0x5;
	v15 =	vxor.u32 v9, v15  }
0x1e9: {  	v17 =	vshrl.u32 v6, $0x5;
	v19 =	vshrl.u32 v4, $0x5;
	v18 =	vshrl.u32 v5, $0x5  }
.Ltmp3:
0x1ea: {  	v10 =	vshrl.u32 v12, $0x5;
	v9 =	vshrl.u32 v14, $0x5;
	v8 =	vshrl.u32 v15, $0x5;
	(pc) =	sbr.rel @p0 .LBB2_8-.Ltmp3, $4  }
0x1eb: {  	v3 =	vsub.s32 v2, v3;
	v13 =	vsub.s32 v1, v13;
	v1 =	vmovc v14;
	v16 =	vmulhi.u32 $0xA7C5AC5, v16;
	v2 =	vmovc v12  }
0x1ec: {  	v12 =	vmulhi.u32 $0xA7C5AC5, v17;
	v14 =	vsub.s32 v0, v11;
	v0 =	vmov v15;
	[tilespmem:s22+$0x12C40] =	vst v3  }
0x1ed: {  	v11 =	vmulhi.u32 $0xA7C5AC5, v18;
	v3 =	vshrl.u32 v16, $0x7;
	[tilespmem:s22+$0x12C50] =	vst v13  }
0x1ee: {  	v3 =	vmul.u32 $0x186A0, v3;
	v13 =	vshrl.u32 v12, $0x7;
	v12 =	vmulhi.u32 $0xA7C5AC5, v19;
	[tilespmem:s22+$0x12C60] =	vst v14;
	s22 =	smov.u32 s23;
	s23 =	sshra.s32 s24, $0x2;
	s24 =	sadd.s32 $0x200, s24  }
0x1ef: {  	v14 =	vld [tilespmem:s23+$0x6470]  }
0x1f0: {  	v15 =	vld [tilespmem:s23+$0x6400];
	v10 =	vmulhi.u32 $0xA7C5AC5, v10  }
0x1f1: {  	v16 =	vld [tilespmem:s23+$0x6410];
	v13 =	vmul.u32 $0x186A0, v13;
	v9 =	vmulhi.u32 $0xA7C5AC5, v9  }
0x1f2: {  	v11 =	vshrl.u32 v11, $0x7;
	v17 =	vld [tilespmem:s23+$0x6420];
	v8 =	vmulhi.u32 $0xA7C5AC5, v8;
	v12 =	vshrl.u32 v12, $0x7  }
0x1f3: {  	v63 =	vld [tilespmem:s23+$0x6430];
	v3 =	vsub.s32 v7, v3;
	v11 =	vmul.u32 $0x186A0, v11;
	v12 =	vmul.u32 $0x186A0, v12  }
0x1f4: {  	v19 =	vshrl.u32 v10, $0x7;
	v9 =	vshrl.u32 v9, $0x7;
	v6 =	vsub.s32 v6, v13  }
0x1f5: {  	[tilespmem:s22+$0x12C00] =	vst v3;
	v8 =	vshrl.u32 v8, $0x7;
	v3 =	vmul.u32 $0x186A0, v19;
	v9 =	vmul.u32 $0x186A0, v9  }
0x1f6: {  	v5 =	vsub.s32 v5, v11;
	v8 =	vmul.u32 $0x186A0, v8;
	v4 =	vsub.s32 v4, v12  }
0x1f7: {  	v21 =	vadd.s32 $0xF519F85A, v14;
	v23 =	vadd.s32 $0xF519F85A, v15;
	v25 =	vadd.s32 $0xF519F85A, v16  }
0x1f8: {  	v20 =	vld [tilespmem:s23+$0x6440];
	v28 =	vadd.s32 $0xF519F85A, v17;
	v7 =	vadd.s32 $0xF519F85A, v63;
	v2 =	vsub.s32 v2, v3  }
0x1f9: {  	[tilespmem:s22+$0x12C10] =	vst v6;
	v1 =	vsub.s32 v1, v9;
	v0 =	vsub.s32 v0, v8;
	v14 =	vshrl.u32 v21, $0x10  }
0x1fa: {  	v22 =	vld [tilespmem:s23+$0x6450];
	[tilespmem:s22+$0x12C20] =	vst v5;
	v24 =	vshrl.u32 v23, $0x10;
	v27 =	vshrl.u32 v25, $0x10;
	v29 =	vshrl.u32 v28, $0x10  }
0x1fb: {  	v26 =	vld [tilespmem:s23+$0x6460];
	v30 =	vshrl.u32 v7, $0x10;
	v6 =	vxor.u32 v21, v14;
	v5 =	vxor.u32 v23, v24  }
0x1fc: {  	v12 =	vxor.u32 v25, v27;
	v13 =	vxor.u32 v28, v29;
	v7 =	vxor.u32 v7, v30  }
0x1fd: {  	v6 =	vmul.u32 $0x85EBCA6B, v6;
	v10 =	vadd.s32 $0xF519F85A, v20;
	v5 =	vmul.u32 $0x85EBCA6B, v5  }
0x1fe: {  	v12 =	vmul.u32 $0x85EBCA6B, v12;
	v13 =	vmul.u32 $0x85EBCA6B, v13;
	v7 =	vmul.u32 $0x85EBCA6B, v7  }
0x1ff: {  	v19 =	vshrl.u32 v10, $0x10;
	v11 =	vadd.s32 $0xF519F85A, v22;
	v18 =	vshrl.u32 v6, $0xD  }
0x200: {  	v31 =	vshrl.u32 v11, $0x10;
	v15 =	vadd.s32 $0xF519F85A, v26;
	v10 =	vxor.u32 v10, v19  }
0x201: {  	v35 =	vshrl.u32 v5, $0xD;
	v36 =	vshrl.u32 v12, $0xD;
	v37 =	vshrl.u32 v13, $0xD  }
0x202: {  	v38 =	vshrl.u32 v7, $0xD;
	v6 =	vxor.u32 v6, v18;
	v32 =	vshrl.u32 v15, $0x10  }
0x203: {  	v11 =	vxor.u32 v11, v31;
	v10 =	vmul.u32 $0x85EBCA6B, v10;
	v5 =	vxor.u32 v5, v35  }
0x204: {  	v12 =	vxor.u32 v12, v36;
	v13 =	vxor.u32 v13, v37;
	v7 =	vxor.u32 v7, v38  }
0x205: {  	v6 =	vmul.u32 $0xC2B2AE35, v6;
	v14 =	vxor.u32 v15, v32;
	v11 =	vmul.u32 $0x85EBCA6B, v11  }
0x206: {  	v5 =	vmul.u32 $0xC2B2AE35, v5;
	v12 =	vmul.u32 $0xC2B2AE35, v12;
	v13 =	vmul.u32 $0xC2B2AE35, v13  }
0x207: {  	v7 =	vmul.u32 $0xC2B2AE35, v7;
	v14 =	vmul.u32 $0x85EBCA6B, v14;
	v20 =	vshrl.u32 v10, $0xD  }
0x208: {  	v33 =	vshrl.u32 v6, $0x10;
	v21 =	vshrl.u32 v11, $0xD;
	v10 =	vxor.u32 v10, v20  }
0x209: {  	v40 =	vshrl.u32 v5, $0x10;
	v41 =	vshrl.u32 v12, $0x10;
	v42 =	vshrl.u32 v13, $0x10  }
0x20a: {  	v43 =	vshrl.u32 v7, $0x10;
	v6 =	vxor.u32 v6, v33;
	v39 =	vshrl.u32 v14, $0xD  }
0x20b: {  	v11 =	vxor.u32 v11, v21;
	v10 =	vmul.u32 $0xC2B2AE35, v10;
	v5 =	vxor.u32 v5, v40  }
0x20c: {  	v12 =	vxor.u32 v12, v41;
	v13 =	vxor.u32 v13, v42;
	v34 =	vshrl.u32 v6, $0x5  }
0x20d: {  	v7 =	vxor.u32 v7, v43;
	v47 =	vshrl.u32 v5, $0x5;
	v15 =	vmulhi.u32 $0xA7C5AC5, v34  }
0x20e: {  	v14 =	vxor.u32 v14, v39;
	v48 =	vshrl.u32 v12, $0x5;
	v16 =	vmulhi.u32 $0xA7C5AC5, v47  }
0x20f: {  	v11 =	vmul.u32 $0xC2B2AE35, v11;
	v17 =	vshrl.u32 v13, $0x5;
	v50 =	vmulhi.u32 $0xA7C5AC5, v48  }
0x210: {  	v18 =	vshrl.u32 v7, $0x5;
	v14 =	vmul.u32 $0xC2B2AE35, v14;
	v51 =	vmulhi.u32 $0xA7C5AC5, v17  }
0x211: {  	v44 =	vshrl.u32 v10, $0x10;
	v53 =	vmulhi.u32 $0xA7C5AC5, v18;
	v15 =	vshrl.u32 v15, $0x7  }
0x212: {  	v45 =	vshrl.u32 v11, $0x10;
	v10 =	vxor.u32 v10, v44;
	v15 =	vmul.u32 $0x186A0, v15  }
0x213: {  	v46 =	vshrl.u32 v14, $0x10;
	v11 =	vxor.u32 v11, v45;
	v19 =	vshrl.u32 v10, $0x5  }
0x214: {  	[tilespmem:s22+$0x12C30] =	vst v4;
	v52 =	vshrl.u32 v16, $0x7;
	v3 =	vshrl.u32 v50, $0x7;
	v6 =	vsub.s32 v6, v15  }
0x215: {  	v4 =	vshrl.u32 v51, $0x7;
	v56 =	vshrl.u32 v53, $0x7;
	v14 =	vxor.u32 v14, v46;
	[tilespmem:s23+$0x12C70] =	vst v6  }
0x216: {  	v20 =	vshrl.u32 v11, $0x5;
	v54 =	vmul.u32 $0x186A0, v52;
	v55 =	vmulhi.u32 $0xA7C5AC5, v19;
	[tilespmem:s22+$0x12C40] =	vst v2  }
0x217: {  	v3 =	vmul.u32 $0x186A0, v3;
	v49 =	vshrl.u32 v14, $0x5;
	v57 =	vmulhi.u32 $0xA7C5AC5, v20;
	[tilespmem:s22+$0x12C50] =	vst v1  }
0x218: {  	v4 =	vmul.u32 $0x186A0, v4;
	v58 =	vmulhi.u32 $0xA7C5AC5, v49;
	[tilespmem:s22+$0x12C60] =	vst v0;
	v2 =	vsub.s32 v5, v54  }
0x219: {  	v59 =	vsub.s32 v12, v3;
	v6 =	vmul.u32 $0x186A0, v56;
	v1 =	vshrl.u32 v55, $0x7;
	[tilespmem:s23+$0x12C00] =	vst v2  }
0x21a: {  	v60 =	vsub.s32 v13, v4;
	v0 =	vshrl.u32 v57, $0x7;
	v1 =	vmul.u32 $0x186A0, v1;
	[tilespmem:s23+$0x12C10] =	vst v59  }
0x21b: {  	v61 =	vshrl.u32 v58, $0x7;
	v0 =	vmul.u32 $0x186A0, v0;
	[tilespmem:s23+$0x12C20] =	vst v60;
	v62 =	vsub.s32 v7, v6  }
0x21c: {  	v3 =	vmul.u32 $0x186A0, v61;
	[tilespmem:s23+$0x12C30] =	vst v62;
	v1 =	vsub.s32 v10, v1  }
0x21d: {  	v0 =	vsub.s32 v11, v0;
	[tilespmem:s23+$0x12C40] =	vst v1  }
0x21e: {  	v63 =	vsub.s32 v14, v3;
	[tilespmem:s23+$0x12C50] =	vst v0  }
0x21f: {  	s21 =	sadd.s32 $0x1, s21;
	[tilespmem:s23+$0x12C60] =	vst v63  }
0x220: {  	[hbm4b:s10+s12] =	stream.strided.scatter [tilespmem:s18], [sflag:$0x4], $0x6400, s13, s12, $0x38;
	[tilespmem:$0x19000] =	vst v63  }
0x221: {  	p0 =	sne.s32 s21, s11;
	_ =	swait.ge [sflag:s19], $0x6400  }
.Ltmp4:
0x222: {  	[sflag:s19] =	ssyncset.done $0x0;
	(pc) =	sbr.rel @p0 .LBB2_1-.Ltmp4, $4  }
0x223: {  	[sflag:s19] =	ssyncadd.s32 $0xFFFF9C00  }
0x224: {  	_ =	swait.ge [sflag:s20], $0x6400  }
0x225: {  	[sflag:s20] =	ssyncset.done $0x0  }
0x226: {  	[sflag:s20] =	ssyncadd.s32 $0xFFFF9C00  }
0x227: {  	_ =	sfence.sel $0x180000  }
0x228: {  	[bflag:$0x0] =	sbarrier.arrive $0xFFFF  }
0x229: {  	p0 =	sne.s32 s1, $0x0;
	_ =	strace $0x90000047  }
0x22a: {  	s0 =	sadd.s32 @!p0 $0x100000, s0;
	[bflag:$0x2] =	sbarrier.arrive $0xFFFF  }
0x22b: {  	[sflag:s0] =	ssyncadd.tile.s32 @!p0 $0x1;
	_ =	shalt  }
.Lfunc_end2:
_tile_overlayer_lowered:
.L_overlay_start_2:
0x22c: {  	(tag) =	ssettag $0x2  }
0x22d: {  	s0 =	rddreg [dreg:$0x0];
	s2 =	stileid.u32  }
0x22e: {  	s1 =	rddreg [dreg:$0x1];
	p0 =	sne.s32 s2, $0x0  }
0x22f: {  	s3 =	rddreg [dreg:$0x2];
	[bflag:$0x3] =	sbarrier.arrive $0xFFFF;
	s2 =	simm.s32 @!p0 $0x1C05  }
0x230: {  	[timem:s3], [sflag:s2] =	dma.local @!p0 [hbm:s0], s1  }
0x231: {  	s0 =	simm.s32 @!p0 $0x5  }
0x232: {  	_ =	swait.ge @!p0 [sflag:s0], s1  }
0x233: {  	s1 =	ssub.s32 @!p0 $0x0, s1;
	[sflag:s0] =	ssyncset.done @!p0 $0x0  }
0x234: {  	[sflag:s0] =	ssyncadd.s32 @!p0 s1  }
0x235: {  	[bflag:$0x3] =	sbarrier.arrive $0xFFFF  }
0x236: {  	_ =	shalt  }

</sc_bundles>
